<compile_context>
chip_gen: v7x
topology: tpu7x:2x2x1
jax: 0.10.2.dev20260603
libtpu: 0.0.44.dev20260713+nightly
codegen_flags: <defaults>
</compile_context>

<pallas_src>
import functools

import jax
import jax.numpy as jnp
from jax import lax
from jax.experimental import pallas as pl
from jax.experimental.pallas import tpu as pltpu
from jax.experimental.pallas import tpu_sc as plsc

N_NODES = 10000
N_EDGES = 160000
D_IN = 256
D_OUT = 256
HALF = 128

NUM_CORES = 2
NUM_TILES = 16
CHUNK = 64
K = 160
NCHUNKS = NUM_TILES * K
E_PAD = NCHUNKS * CHUNK
ROWS_PER_TILE = 632
N_PAD = NUM_TILES * ROWS_PER_TILE
NBUF = 4
NPH = 4
HK = K // NPH


def _sc_body(table, src2, dst2, out, sidx, didx, b0, b1, b2, b3, acc,
             g0, g1, g2, g3, c0, c1, c2, c3):
    c = lax.axis_index("c")
    s = lax.axis_index("s")
    bufs = (b0, b1, b2, b3)
    gsems = (g0, g1, g2, g3)
    csems = (c0, c1, c2, c3)

    def zrow(r, _):
        for j in range(HALF // 16):
            b0[r, pl.ds(j * 16, 16)] = jnp.zeros((16,), jnp.float32)
        return 0
    lax.fori_loop(0, CHUNK, zrow, 0)

    for off in range(0, ROWS_PER_TILE - CHUNK, CHUNK):
        pltpu.sync_copy(b0, acc.at[pl.ds(s * ROWS_PER_TILE + off, CHUNK)])
    pltpu.sync_copy(b0.at[pl.ds(0, ROWS_PER_TILE % CHUNK)],
                    acc.at[pl.ds(s * ROWS_PER_TILE
                                 + ROWS_PER_TILE - ROWS_PER_TILE % CHUNK,
                                 ROWS_PER_TILE % CHUNK)])

    plsc.subcore_barrier()

    for p in range(NPH):
        pltpu.sync_copy(src2.at[c, pl.ds(s * K + p * HK, HK)], sidx)
        pltpu.sync_copy(dst2.at[pl.ds(s * K + p * HK, HK)], didx)

        for b in range(NBUF):
            pltpu.async_copy(table.at[sidx.at[b]], bufs[b], gsems[b])

        def body(t, _):
            for b in range(NBUF):
                g = NBUF * t + b
                pltpu.make_async_copy(table.at[sidx.at[g]], bufs[b],
                                      gsems[b]).wait()
                pltpu.async_copy(bufs[b], acc.at[didx.at[g]], csems[b],
                                 add=True)

                @pl.when(g + NBUF < HK)
                def _(b=b, g=g):
                    pltpu.make_async_copy(bufs[b], acc.at[didx.at[g]],
                                          csems[b]).wait()
                    pltpu.async_copy(table.at[sidx.at[g + NBUF]], bufs[b],
                                     gsems[b])
            return 0
        lax.fori_loop(0, HK // NBUF, body, 0)

        for b in range(NBUF):
            pltpu.make_async_copy(bufs[b], acc.at[didx.at[HK - NBUF + b]],
                                  csems[b]).wait()

    plsc.subcore_barrier()

    pltpu.sync_copy(acc.at[pl.ds(s * ROWS_PER_TILE, ROWS_PER_TILE)],
                    out.at[c, pl.ds(s * ROWS_PER_TILE, ROWS_PER_TILE)])


_sc_gather_scatter = functools.partial(
    pl.kernel,
    out_type=jax.ShapeDtypeStruct((NUM_CORES, N_PAD, HALF), jnp.float32),
    mesh=plsc.VectorSubcoreMesh(core_axis_name="c", subcore_axis_name="s"),
    scratch_types=[
        pltpu.VMEM((HK, CHUNK), jnp.int32),
        pltpu.VMEM((HK, CHUNK), jnp.int32),
        pltpu.VMEM((CHUNK, HALF), jnp.float32),
        pltpu.VMEM((CHUNK, HALF), jnp.float32),
        pltpu.VMEM((CHUNK, HALF), jnp.float32),
        pltpu.VMEM((CHUNK, HALF), jnp.float32),
        pltpu.VMEM_SHARED((N_PAD, HALF), jnp.float32),
        pltpu.SemaphoreType.DMA,
        pltpu.SemaphoreType.DMA,
        pltpu.SemaphoreType.DMA,
        pltpu.SemaphoreType.DMA,
        pltpu.SemaphoreType.DMA,
        pltpu.SemaphoreType.DMA,
        pltpu.SemaphoreType.DMA,
        pltpu.SemaphoreType.DMA,
    ],
)(_sc_body)


def _tc_body(hn_ref, wt_ref, b_ref, o_ref):
    o_ref[...] = (
        jnp.dot(hn_ref[0], wt_ref[0], preferred_element_type=jnp.float32)
        + jnp.dot(hn_ref[1], wt_ref[1], preferred_element_type=jnp.float32)
        + b_ref[...]
    )


def _tc_linear(hn, wt2, b2):
    bm = 512
    return pl.pallas_call(
        _tc_body,
        grid=(pl.cdiv(N_NODES, bm),),
        in_specs=[
            pl.BlockSpec((NUM_CORES, bm, HALF), lambda i: (0, i, 0)),
            pl.BlockSpec((NUM_CORES, HALF, D_OUT), lambda i: (0, 0, 0)),
            pl.BlockSpec((1, D_OUT), lambda i: (0, 0)),
        ],
        out_specs=pl.BlockSpec((bm, D_OUT), lambda i: (i, 0)),
        out_shape=jax.ShapeDtypeStruct((N_NODES, D_OUT), jnp.float32),
    )(hn, wt2, b2)


def kernel(h, edge_index, W, b):
    table = h.reshape(N_NODES, NUM_CORES, HALF).transpose(1, 0, 2).reshape(
        NUM_CORES * N_NODES, HALF)

    src = edge_index[0].astype(jnp.int32)
    dst = edge_index[1].astype(jnp.int32)
    pad = E_PAD - N_EDGES
    src_p = jnp.concatenate([src, jnp.zeros((pad,), jnp.int32)])
    dst_p = jnp.concatenate(
        [dst, N_NODES + (jnp.arange(pad, dtype=jnp.int32) % (N_PAD - N_NODES))])
    src2 = jnp.stack([src_p, src_p + N_NODES]).reshape(
        NUM_CORES, NCHUNKS, CHUNK)
    dst2 = dst_p.reshape(NCHUNKS, CHUNK)

    hn = _sc_gather_scatter(table, src2, dst2)

    wt2 = W.T.reshape(NUM_CORES, HALF, D_OUT)
    return _tc_linear(hn, wt2, b.reshape(1, D_OUT))

# --- scband reference (transcript-rebuilt; emitter-appended) ---
"""Pipeline reference for scband-simple-message-passing-layer-463856468207 (READ-ONLY COPY).

The authoritative reference and input builder live on the scoring server;
editing this copy changes nothing except your own understanding.
"""

import jax, jax.numpy as jnp
import numpy as np

N_NODES = 10000
N_EDGES = 160000
D_IN = 256
D_OUT = 256


def setup_inputs(seed: int = 0) -> dict:
    key = jax.random.key(seed)
    k_h, k_e, k_w, k_b = jax.random.split(key, 4)
    h = jax.random.normal(k_h, (N_NODES, D_IN), dtype=jnp.float32)
    edge_index = jax.random.randint(k_e, (2, N_EDGES), 0, N_NODES, dtype=jnp.int64)
    # nn.Linear(in_feat, out_feat): weight [out_feat, in_feat], bias [out_feat]
    bound = 1.0 / np.sqrt(D_IN)
    W = jax.random.uniform(k_w, (D_OUT, D_IN), minval=-bound, maxval=bound, dtype=jnp.float32)
    b = jax.random.uniform(k_b, (D_OUT,), minval=-bound, maxval=bound, dtype=jnp.float32)
    return {"h": h, "edge_index": edge_index, "W": W, "b": b}


def reference(h, edge_index, W, b):
    # DGL update_all(copy_u('h','m'), sum('m','h_N')):
    # each edge copies the source node feature, then messages are summed at dst.
    src = edge_index[0]
    dst = edge_index[1]
    messages = jnp.take(h, src, axis=0)                       # gather [E, D_IN]
    h_N = jax.ops.segment_sum(messages, dst, num_segments=N_NODES)  # scatter-add [N, D_IN]
    out = h_N @ W.T + b                                       # nn.Linear
    return out

if __name__ == "__main__":
    import jax
    _d = setup_inputs()
    print(jax.jit(kernel)(*tuple(_d.values())))

</pallas_src>

<mosaic_0001>
#map = affine_map<(d0, d1) -> (0, 0)>
#map1 = affine_map<(d0, d1) -> (0, 0, 0)>
module attributes {stable_mosaic.version = 14 : i64} {
  func.func @_sc_body(%arg0: i32, %arg1: i32, %arg2: memref<20000x128xf32, #tpu.memory_space<hbm>>, %arg3: memref<2x2560x64xi32, #tpu.memory_space<hbm>>, %arg4: memref<2560x64xi32, #tpu.memory_space<hbm>>, %arg5: memref<2x10112x128xf32, #tpu.memory_space<hbm>>, %arg6: memref<40x64xi32, #tpu.memory_space<vmem>>, %arg7: memref<40x64xi32, #tpu.memory_space<vmem>>, %arg8: memref<64x128xf32, #tpu.memory_space<vmem>>, %arg9: memref<64x128xf32, #tpu.memory_space<vmem>>, %arg10: memref<64x128xf32, #tpu.memory_space<vmem>>, %arg11: memref<64x128xf32, #tpu.memory_space<vmem>>, %arg12: memref<10112x128xf32, #tpu.memory_space<vmem_shared>>, %arg13: memref<!tpu.dma_semaphore, #tpu.memory_space<semaphore_mem>>, %arg14: memref<!tpu.dma_semaphore, #tpu.memory_space<semaphore_mem>>, %arg15: memref<!tpu.dma_semaphore, #tpu.memory_space<semaphore_mem>>, %arg16: memref<!tpu.dma_semaphore, #tpu.memory_space<semaphore_mem>>, %arg17: memref<!tpu.dma_semaphore, #tpu.memory_space<semaphore_mem>>, %arg18: memref<!tpu.dma_semaphore, #tpu.memory_space<semaphore_mem>>, %arg19: memref<!tpu.dma_semaphore, #tpu.memory_space<semaphore_mem>>, %arg20: memref<!tpu.dma_semaphore, #tpu.memory_space<semaphore_mem>>) attributes {dimension_semantics = [#tpu.dimension_semantics<core_parallel>, #tpu.dimension_semantics<subcore_parallel>], iteration_bounds = array<i64: 2, 16>, scalar_prefetch = 0 : i64, scratch_operands = 15 : i64, tpu.core_type = #tpu.core_type<sc_vector_subcore>, window_params = [{transform_indices = #map}, {transform_indices = #map1}, {transform_indices = #map}, {transform_indices = #map1}]} {
    %scan3A = arith.constant 0 : i32
    %scan3A_0 = arith.constant 0 : i32
    %scan3A_1 = arith.constant 64 : i32
    %scan3A_2 = arith.addi %scan3A_0, %scan3A_1 : i32
    %scan3A_3 = arith.constant 1 : i32
    %scan3A_4 = scf.for %scan3A_332 = %scan3A_0 to %scan3A_2 step %scan3A_3 iter_args(%scan3A_333 = %scan3A) -> (i32)  : i32 {
      %broadcast_in_dim3A = arith.constant 0.000000e+00 : f32
      %broadcast_in_dim3A_334 = vector.broadcast %broadcast_in_dim3A : f32 to vector<16xf32>
      %swap3A = arith.index_cast %scan3A_332 : i32 to index
      %swap3A_335 = arith.constant 0 : index
      %swap3A_336 = tpu.vector_load %arg8[%swap3A, %swap3A_335] {strides = array<i32>} : memref<64x128xf32, #tpu.memory_space<vmem>>, vector<1x16xf32>,
      %swap3A_337 = vector.shape_cast %swap3A_336 : vector<1x16xf32> to vector<16xf32>
      %swap3A_338 = vector.shape_cast %broadcast_in_dim3A_334 : vector<16xf32> to vector<1x16xf32>
      tpu.vector_store %arg8[%swap3A, %swap3A_335], %swap3A_338 {strides = array<i32>} : memref<64x128xf32, #tpu.memory_space<vmem>>, vector<1x16xf32>,
      %broadcast_in_dim3A_339 = arith.constant 0.000000e+00 : f32
      %broadcast_in_dim3A_340 = vector.broadcast %broadcast_in_dim3A_339 : f32 to vector<16xf32>
      %swap3A_341 = arith.index_cast %scan3A_332 : i32 to index
      %swap3A_342 = arith.constant 16 : index
      %swap3A_343 = tpu.vector_load %arg8[%swap3A_341, %swap3A_342] {strides = array<i32>} : memref<64x128xf32, #tpu.memory_space<vmem>>, vector<1x16xf32>,
      %swap3A_344 = vector.shape_cast %swap3A_343 : vector<1x16xf32> to vector<16xf32>
      %swap3A_345 = vector.shape_cast %broadcast_in_dim3A_340 : vector<16xf32> to vector<1x16xf32>
      tpu.vector_store %arg8[%swap3A_341, %swap3A_342], %swap3A_345 {strides = array<i32>} : memref<64x128xf32, #tpu.memory_space<vmem>>, vector<1x16xf32>,
      %broadcast_in_dim3A_346 = arith.constant 0.000000e+00 : f32
      %broadcast_in_dim3A_347 = vector.broadcast %broadcast_in_dim3A_346 : f32 to vector<16xf32>
      %swap3A_348 = arith.index_cast %scan3A_332 : i32 to index
      %swap3A_349 = arith.constant 32 : index
      %swap3A_350 = tpu.vector_load %arg8[%swap3A_348, %swap3A_349] {strides = array<i32>} : memref<64x128xf32, #tpu.memory_space<vmem>>, vector<1x16xf32>,
      %swap3A_351 = vector.shape_cast %swap3A_350 : vector<1x16xf32> to vector<16xf32>
      %swap3A_352 = vector.shape_cast %broadcast_in_dim3A_347 : vector<16xf32> to vector<1x16xf32>
      tpu.vector_store %arg8[%swap3A_348, %swap3A_349], %swap3A_352 {strides = array<i32>} : memref<64x128xf32, #tpu.memory_space<vmem>>, vector<1x16xf32>,
      %broadcast_in_dim3A_353 = arith.constant 0.000000e+00 : f32
      %broadcast_in_dim3A_354 = vector.broadcast %broadcast_in_dim3A_353 : f32 to vector<16xf32>
      %swap3A_355 = arith.index_cast %scan3A_332 : i32 to index
      %swap3A_356 = arith.constant 48 : index
      %swap3A_357 = tpu.vector_load %arg8[%swap3A_355, %swap3A_356] {strides = array<i32>} : memref<64x128xf32, #tpu.memory_space<vmem>>, vector<1x16xf32>,
      %swap3A_358 = vector.shape_cast %swap3A_357 : vector<1x16xf32> to vector<16xf32>
      %swap3A_359 = vector.shape_cast %broadcast_in_dim3A_354 : vector<16xf32> to vector<1x16xf32>
      tpu.vector_store %arg8[%swap3A_355, %swap3A_356], %swap3A_359 {strides = array<i32>} : memref<64x128xf32, #tpu.memory_space<vmem>>, vector<1x16xf32>,
      %broadcast_in_dim3A_360 = arith.constant 0.000000e+00 : f32
      %broadcast_in_dim3A_361 = vector.broadcast %broadcast_in_dim3A_360 : f32 to vector<16xf32>
      %swap3A_362 = arith.index_cast %scan3A_332 : i32 to index
      %swap3A_363 = arith.constant 64 : index
      %swap3A_364 = tpu.vector_load %arg8[%swap3A_362, %swap3A_363] {strides = array<i32>} : memref<64x128xf32, #tpu.memory_space<vmem>>, vector<1x16xf32>,
      %swap3A_365 = vector.shape_cast %swap3A_364 : vector<1x16xf32> to vector<16xf32>
      %swap3A_366 = vector.shape_cast %broadcast_in_dim3A_361 : vector<16xf32> to vector<1x16xf32>
      tpu.vector_store %arg8[%swap3A_362, %swap3A_363], %swap3A_366 {strides = array<i32>} : memref<64x128xf32, #tpu.memory_space<vmem>>, vector<1x16xf32>,
      %broadcast_in_dim3A_367 = arith.constant 0.000000e+00 : f32
      %broadcast_in_dim3A_368 = vector.broadcast %broadcast_in_dim3A_367 : f32 to vector<16xf32>
      %swap3A_369 = arith.index_cast %scan3A_332 : i32 to index
      %swap3A_370 = arith.constant 80 : index
      %swap3A_371 = tpu.vector_load %arg8[%swap3A_369, %swap3A_370] {strides = array<i32>} : memref<64x128xf32, #tpu.memory_space<vmem>>, vector<1x16xf32>,
      %swap3A_372 = vector.shape_cast %swap3A_371 : vector<1x16xf32> to vector<16xf32>
      %swap3A_373 = vector.shape_cast %broadcast_in_dim3A_368 : vector<16xf32> to vector<1x16xf32>
      tpu.vector_store %arg8[%swap3A_369, %swap3A_370], %swap3A_373 {strides = array<i32>} : memref<64x128xf32, #tpu.memory_space<vmem>>, vector<1x16xf32>,
      %broadcast_in_dim3A_374 = arith.constant 0.000000e+00 : f32
      %broadcast_in_dim3A_375 = vector.broadcast %broadcast_in_dim3A_374 : f32 to vector<16xf32>
      %swap3A_376 = arith.index_cast %scan3A_332 : i32 to index
      %swap3A_377 = arith.constant 96 : index
      %swap3A_378 = tpu.vector_load %arg8[%swap3A_376, %swap3A_377] {strides = array<i32>} : memref<64x128xf32, #tpu.memory_space<vmem>>, vector<1x16xf32>,
      %swap3A_379 = vector.shape_cast %swap3A_378 : vector<1x16xf32> to vector<16xf32>
      %swap3A_380 = vector.shape_cast %broadcast_in_dim3A_375 : vector<16xf32> to vector<1x16xf32>
      tpu.vector_store %arg8[%swap3A_376, %swap3A_377], %swap3A_380 {strides = array<i32>} : memref<64x128xf32, #tpu.memory_space<vmem>>, vector<1x16xf32>,
      %broadcast_in_dim3A_381 = arith.constant 0.000000e+00 : f32
      %broadcast_in_dim3A_382 = vector.broadcast %broadcast_in_dim3A_381 : f32 to vector<16xf32>
      %swap3A_383 = arith.index_cast %scan3A_332 : i32 to index
      %swap3A_384 = arith.constant 112 : index
      %swap3A_385 = tpu.vector_load %arg8[%swap3A_383, %swap3A_384] {strides = array<i32>} : memref<64x128xf32, #tpu.memory_space<vmem>>, vector<1x16xf32>,
      %swap3A_386 = vector.shape_cast %swap3A_385 : vector<1x16xf32> to vector<16xf32>
      %swap3A_387 = vector.shape_cast %broadcast_in_dim3A_382 : vector<16xf32> to vector<1x16xf32>
      tpu.vector_store %arg8[%swap3A_383, %swap3A_384], %swap3A_387 {strides = array<i32>} : memref<64x128xf32, #tpu.memory_space<vmem>>, vector<1x16xf32>,
      %scan3A_388 = arith.constant 0 : i32
      scf.yield %scan3A_388 : i32
    }
    %scan3A_5 = arith.constant 64 : i32
    %mul3A = arith.constant 632 : i32
    %mul3A_6 = arith.muli %arg1, %mul3A : i32
    %add3A = arith.constant 0 : i32
    %add3A_7 = arith.addi %mul3A_6, %add3A : i32
    "tpu.region"() ({
      %run_scoped3A = tpu.sem_alloc : memref<!tpu.dma_semaphore, #tpu.memory_space<semaphore_mem>>
      %dma_start3A_332 = arith.constant 0 : i32
      %dma_start3A_333 = tpu.memref_slice %arg12[%add3A_7, %dma_start3A_332] : memref<10112x128xf32, #tpu.memory_space<vmem_shared>> -> memref<64x128xf32, #tpu.memory_space<vmem_shared>>
      %dma_start3A_334 = arith.constant 0 : i32
      %dma_start3A_335 = tpu.memref_slice %arg12[%add3A_7, %dma_start3A_334] : memref<10112x128xf32, #tpu.memory_space<vmem_shared>> -> memref<64x128xf32, #tpu.memory_space<vmem_shared>>
      tpu.enqueue_dma source(%arg8 : memref<64x128xf32, #tpu.memory_space<vmem>>) target(%dma_start3A_335 : memref<64x128xf32, #tpu.memory_space<vmem_shared>>) target_semaphore(%run_scoped3A : memref<!tpu.dma_semaphore, #tpu.memory_space<semaphore_mem>>)
      %dma_wait3A_336 = arith.constant 0 : i32
      %dma_wait3A_337 = tpu.memref_slice %arg12[%add3A_7, %dma_wait3A_336] : memref<10112x128xf32, #tpu.memory_space<vmem_shared>> -> memref<64x128xf32, #tpu.memory_space<vmem_shared>>
      %dma_wait3A_338 = arith.constant 0 : i32
      %dma_wait3A_339 = tpu.memref_slice %arg12[%add3A_7, %dma_wait3A_338] : memref<10112x128xf32, #tpu.memory_space<vmem_shared>> -> memref<64x128xf32, #tpu.memory_space<vmem_shared>>
      tpu.wait_dma2 semaphore(%run_scoped3A : memref<!tpu.dma_semaphore, #tpu.memory_space<semaphore_mem>>) src(%arg8 : memref<64x128xf32, #tpu.memory_space<vmem>>) dst(%dma_wait3A_339 : memref<64x128xf32, #tpu.memory_space<vmem_shared>>)
      tpu.yield
    }) : () -> ()
    %mul3A_8 = arith.constant 632 : i32
    %mul3A_9 = arith.muli %arg1, %mul3A_8 : i32
    %add3A_10 = arith.constant 64 : i32
    %add3A_11 = arith.addi %mul3A_9, %add3A_10 : i32
    "tpu.region"() ({
      %run_scoped3A = tpu.sem_alloc : memref<!tpu.dma_semaphore, #tpu.memory_space<semaphore_mem>>
      %dma_start3A_332 = arith.constant 0 : i32
      %dma_start3A_333 = tpu.memref_slice %arg12[%add3A_11, %dma_start3A_332] : memref<10112x128xf32, #tpu.memory_space<vmem_shared>> -> memref<64x128xf32, #tpu.memory_space<vmem_shared>>
      %dma_start3A_334 = arith.constant 0 : i32
      %dma_start3A_335 = tpu.memref_slice %arg12[%add3A_11, %dma_start3A_334] : memref<10112x128xf32, #tpu.memory_space<vmem_shared>> -> memref<64x128xf32, #tpu.memory_space<vmem_shared>>
      tpu.enqueue_dma source(%arg8 : memref<64x128xf32, #tpu.memory_space<vmem>>) target(%dma_start3A_335 : memref<64x128xf32, #tpu.memory_space<vmem_shared>>) target_semaphore(%run_scoped3A : memref<!tpu.dma_semaphore, #tpu.memory_space<semaphore_mem>>)
      %dma_wait3A_336 = arith.constant 0 : i32
      %dma_wait3A_337 = tpu.memref_slice %arg12[%add3A_11, %dma_wait3A_336] : memref<10112x128xf32, #tpu.memory_space<vmem_shared>> -> memref<64x128xf32, #tpu.memory_space<vmem_shared>>
      %dma_wait3A_338 = arith.constant 0 : i32
      %dma_wait3A_339 = tpu.memref_slice %arg12[%add3A_11, %dma_wait3A_338] : memref<10112x128xf32, #tpu.memory_space<vmem_shared>> -> memref<64x128xf32, #tpu.memory_space<vmem_shared>>
      tpu.wait_dma2 semaphore(%run_scoped3A : memref<!tpu.dma_semaphore, #tpu.memory_space<semaphore_mem>>) src(%arg8 : memref<64x128xf32, #tpu.memory_space<vmem>>) dst(%dma_wait3A_339 : memref<64x128xf32, #tpu.memory_space<vmem_shared>>)
      tpu.yield
    }) : () -> ()
    %mul3A_12 = arith.constant 632 : i32
    %mul3A_13 = arith.muli %arg1, %mul3A_12 : i32
    %add3A_14 = arith.constant 128 : i32
    %add3A_15 = arith.addi %mul3A_13, %add3A_14 : i32
    "tpu.region"() ({
      %run_scoped3A = tpu.sem_alloc : memref<!tpu.dma_semaphore, #tpu.memory_space<semaphore_mem>>
      %dma_start3A_332 = arith.constant 0 : i32
      %dma_start3A_333 = tpu.memref_slice %arg12[%add3A_15, %dma_start3A_332] : memref<10112x128xf32, #tpu.memory_space<vmem_shared>> -> memref<64x128xf32, #tpu.memory_space<vmem_shared>>
      %dma_start3A_334 = arith.constant 0 : i32
      %dma_start3A_335 = tpu.memref_slice %arg12[%add3A_15, %dma_start3A_334] : memref<10112x128xf32, #tpu.memory_space<vmem_shared>> -> memref<64x128xf32, #tpu.memory_space<vmem_shared>>
      tpu.enqueue_dma source(%arg8 : memref<64x128xf32, #tpu.memory_space<vmem>>) target(%dma_start3A_335 : memref<64x128xf32, #tpu.memory_space<vmem_shared>>) target_semaphore(%run_scoped3A : memref<!tpu.dma_semaphore, #tpu.memory_space<semaphore_mem>>)
      %dma_wait3A_336 = arith.constant 0 : i32
      %dma_wait3A_337 = tpu.memref_slice %arg12[%add3A_15, %dma_wait3A_336] : memref<10112x128xf32, #tpu.memory_space<vmem_shared>> -> memref<64x128xf32, #tpu.memory_space<vmem_shared>>
      %dma_wait3A_338 = arith.constant 0 : i32
      %dma_wait3A_339 = tpu.memref_slice %arg12[%add3A_15, %dma_wait3A_338] : memref<10112x128xf32, #tpu.memory_space<vmem_shared>> -> memref<64x128xf32, #tpu.memory_space<vmem_shared>>
      tpu.wait_dma2 semaphore(%run_scoped3A : memref<!tpu.dma_semaphore, #tpu.memory_space<semaphore_mem>>) src(%arg8 : memref<64x128xf32, #tpu.memory_space<vmem>>) dst(%dma_wait3A_339 : memref<64x128xf32, #tpu.memory_space<vmem_shared>>)
      tpu.yield
    }) : () -> ()
    %mul3A_16 = arith.constant 632 : i32
    %mul3A_17 = arith.muli %arg1, %mul3A_16 : i32
    %add3A_18 = arith.constant 192 : i32
    %add3A_19 = arith.addi %mul3A_17, %add3A_18 : i32
    "tpu.region"() ({
      %run_scoped3A = tpu.sem_alloc : memref<!tpu.dma_semaphore, #tpu.memory_space<semaphore_mem>>
      %dma_start3A_332 = arith.constant 0 : i32
      %dma_start3A_333 = tpu.memref_slice %arg12[%add3A_19, %dma_start3A_332] : memref<10112x128xf32, #tpu.memory_space<vmem_shared>> -> memref<64x128xf32, #tpu.memory_space<vmem_shared>>
      %dma_start3A_334 = arith.constant 0 : i32
      %dma_start3A_335 = tpu.memref_slice %arg12[%add3A_19, %dma_start3A_334] : memref<10112x128xf32, #tpu.memory_space<vmem_shared>> -> memref<64x128xf32, #tpu.memory_space<vmem_shared>>
      tpu.enqueue_dma source(%arg8 : memref<64x128xf32, #tpu.memory_space<vmem>>) target(%dma_start3A_335 : memref<64x128xf32, #tpu.memory_space<vmem_shared>>) target_semaphore(%run_scoped3A : memref<!tpu.dma_semaphore, #tpu.memory_space<semaphore_mem>>)
      %dma_wait3A_336 = arith.constant 0 : i32
      %dma_wait3A_337 = tpu.memref_slice %arg12[%add3A_19, %dma_wait3A_336] : memref<10112x128xf32, #tpu.memory_space<vmem_shared>> -> memref<64x128xf32, #tpu.memory_space<vmem_shared>>
      %dma_wait3A_338 = arith.constant 0 : i32
      %dma_wait3A_339 = tpu.memref_slice %arg12[%add3A_19, %dma_wait3A_338] : memref<10112x128xf32, #tpu.memory_space<vmem_shared>> -> memref<64x128xf32, #tpu.memory_space<vmem_shared>>
      tpu.wait_dma2 semaphore(%run_scoped3A : memref<!tpu.dma_semaphore, #tpu.memory_space<semaphore_mem>>) src(%arg8 : memref<64x128xf32, #tpu.memory_space<vmem>>) dst(%dma_wait3A_339 : memref<64x128xf32, #tpu.memory_space<vmem_shared>>)
      tpu.yield
    }) : () -> ()
    %mul3A_20 = arith.constant 632 : i32
    %mul3A_21 = arith.muli %arg1, %mul3A_20 : i32
    %add3A_22 = arith.constant 256 : i32
    %add3A_23 = arith.addi %mul3A_21, %add3A_22 : i32
    "tpu.region"() ({
      %run_scoped3A = tpu.sem_alloc : memref<!tpu.dma_semaphore, #tpu.memory_space<semaphore_mem>>
      %dma_start3A_332 = arith.constant 0 : i32
      %dma_start3A_333 = tpu.memref_slice %arg12[%add3A_23, %dma_start3A_332] : memref<10112x128xf32, #tpu.memory_space<vmem_shared>> -> memref<64x128xf32, #tpu.memory_space<vmem_shared>>
      %dma_start3A_334 = arith.constant 0 : i32
      %dma_start3A_335 = tpu.memref_slice %arg12[%add3A_23, %dma_start3A_334] : memref<10112x128xf32, #tpu.memory_space<vmem_shared>> -> memref<64x128xf32, #tpu.memory_space<vmem_shared>>
      tpu.enqueue_dma source(%arg8 : memref<64x128xf32, #tpu.memory_space<vmem>>) target(%dma_start3A_335 : memref<64x128xf32, #tpu.memory_space<vmem_shared>>) target_semaphore(%run_scoped3A : memref<!tpu.dma_semaphore, #tpu.memory_space<semaphore_mem>>)
      %dma_wait3A_336 = arith.constant 0 : i32
      %dma_wait3A_337 = tpu.memref_slice %arg12[%add3A_23, %dma_wait3A_336] : memref<10112x128xf32, #tpu.memory_space<vmem_shared>> -> memref<64x128xf32, #tpu.memory_space<vmem_shared>>
      %dma_wait3A_338 = arith.constant 0 : i32
      %dma_wait3A_339 = tpu.memref_slice %arg12[%add3A_23, %dma_wait3A_338] : memref<10112x128xf32, #tpu.memory_space<vmem_shared>> -> memref<64x128xf32, #tpu.memory_space<vmem_shared>>
      tpu.wait_dma2 semaphore(%run_scoped3A : memref<!tpu.dma_semaphore, #tpu.memory_space<semaphore_mem>>) src(%arg8 : memref<64x128xf32, #tpu.memory_space<vmem>>) dst(%dma_wait3A_339 : memref<64x128xf32, #tpu.memory_space<vmem_shared>>)
      tpu.yield
    }) : () -> ()
    %mul3A_24 = arith.constant 632 : i32
    %mul3A_25 = arith.muli %arg1, %mul3A_24 : i32
    %add3A_26 = arith.constant 320 : i32
    %add3A_27 = arith.addi %mul3A_25, %add3A_26 : i32
    "tpu.region"() ({
      %run_scoped3A = tpu.sem_alloc : memref<!tpu.dma_semaphore, #tpu.memory_space<semaphore_mem>>
      %dma_start3A_332 = arith.constant 0 : i32
      %dma_start3A_333 = tpu.memref_slice %arg12[%add3A_27, %dma_start3A_332] : memref<10112x128xf32, #tpu.memory_space<vmem_shared>> -> memref<64x128xf32, #tpu.memory_space<vmem_shared>>
      %dma_start3A_334 = arith.constant 0 : i32
      %dma_start3A_335 = tpu.memref_slice %arg12[%add3A_27, %dma_start3A_334] : memref<10112x128xf32, #tpu.memory_space<vmem_shared>> -> memref<64x128xf32, #tpu.memory_space<vmem_shared>>
      tpu.enqueue_dma source(%arg8 : memref<64x128xf32, #tpu.memory_space<vmem>>) target(%dma_start3A_335 : memref<64x128xf32, #tpu.memory_space<vmem_shared>>) target_semaphore(%run_scoped3A : memref<!tpu.dma_semaphore, #tpu.memory_space<semaphore_mem>>)
      %dma_wait3A_336 = arith.constant 0 : i32
      %dma_wait3A_337 = tpu.memref_slice %arg12[%add3A_27, %dma_wait3A_336] : memref<10112x128xf32, #tpu.memory_space<vmem_shared>> -> memref<64x128xf32, #tpu.memory_space<vmem_shared>>
      %dma_wait3A_338 = arith.constant 0 : i32
      %dma_wait3A_339 = tpu.memref_slice %arg12[%add3A_27, %dma_wait3A_338] : memref<10112x128xf32, #tpu.memory_space<vmem_shared>> -> memref<64x128xf32, #tpu.memory_space<vmem_shared>>
      tpu.wait_dma2 semaphore(%run_scoped3A : memref<!tpu.dma_semaphore, #tpu.memory_space<semaphore_mem>>) src(%arg8 : memref<64x128xf32, #tpu.memory_space<vmem>>) dst(%dma_wait3A_339 : memref<64x128xf32, #tpu.memory_space<vmem_shared>>)
      tpu.yield
    }) : () -> ()
    %mul3A_28 = arith.constant 632 : i32
    %mul3A_29 = arith.muli %arg1, %mul3A_28 : i32
    %add3A_30 = arith.constant 384 : i32
    %add3A_31 = arith.addi %mul3A_29, %add3A_30 : i32
    "tpu.region"() ({
      %run_scoped3A = tpu.sem_alloc : memref<!tpu.dma_semaphore, #tpu.memory_space<semaphore_mem>>
      %dma_start3A_332 = arith.constant 0 : i32
      %dma_start3A_333 = tpu.memref_slice %arg12[%add3A_31, %dma_start3A_332] : memref<10112x128xf32, #tpu.memory_space<vmem_shared>> -> memref<64x128xf32, #tpu.memory_space<vmem_shared>>
      %dma_start3A_334 = arith.constant 0 : i32
      %dma_start3A_335 = tpu.memref_slice %arg12[%add3A_31, %dma_start3A_334] : memref<10112x128xf32, #tpu.memory_space<vmem_shared>> -> memref<64x128xf32, #tpu.memory_space<vmem_shared>>
      tpu.enqueue_dma source(%arg8 : memref<64x128xf32, #tpu.memory_space<vmem>>) target(%dma_start3A_335 : memref<64x128xf32, #tpu.memory_space<vmem_shared>>) target_semaphore(%run_scoped3A : memref<!tpu.dma_semaphore, #tpu.memory_space<semaphore_mem>>)
      %dma_wait3A_336 = arith.constant 0 : i32
      %dma_wait3A_337 = tpu.memref_slice %arg12[%add3A_31, %dma_wait3A_336] : memref<10112x128xf32, #tpu.memory_space<vmem_shared>> -> memref<64x128xf32, #tpu.memory_space<vmem_shared>>
      %dma_wait3A_338 = arith.constant 0 : i32
      %dma_wait3A_339 = tpu.memref_slice %arg12[%add3A_31, %dma_wait3A_338] : memref<10112x128xf32, #tpu.memory_space<vmem_shared>> -> memref<64x128xf32, #tpu.memory_space<vmem_shared>>
      tpu.wait_dma2 semaphore(%run_scoped3A : memref<!tpu.dma_semaphore, #tpu.memory_space<semaphore_mem>>) src(%arg8 : memref<64x128xf32, #tpu.memory_space<vmem>>) dst(%dma_wait3A_339 : memref<64x128xf32, #tpu.memory_space<vmem_shared>>)
      tpu.yield
    }) : () -> ()
    %mul3A_32 = arith.constant 632 : i32
    %mul3A_33 = arith.muli %arg1, %mul3A_32 : i32
    %add3A_34 = arith.constant 448 : i32
    %add3A_35 = arith.addi %mul3A_33, %add3A_34 : i32
    "tpu.region"() ({
      %run_scoped3A = tpu.sem_alloc : memref<!tpu.dma_semaphore, #tpu.memory_space<semaphore_mem>>
      %dma_start3A_332 = arith.constant 0 : i32
      %dma_start3A_333 = tpu.memref_slice %arg12[%add3A_35, %dma_start3A_332] : memref<10112x128xf32, #tpu.memory_space<vmem_shared>> -> memref<64x128xf32, #tpu.memory_space<vmem_shared>>
      %dma_start3A_334 = arith.constant 0 : i32
      %dma_start3A_335 = tpu.memref_slice %arg12[%add3A_35, %dma_start3A_334] : memref<10112x128xf32, #tpu.memory_space<vmem_shared>> -> memref<64x128xf32, #tpu.memory_space<vmem_shared>>
      tpu.enqueue_dma source(%arg8 : memref<64x128xf32, #tpu.memory_space<vmem>>) target(%dma_start3A_335 : memref<64x128xf32, #tpu.memory_space<vmem_shared>>) target_semaphore(%run_scoped3A : memref<!tpu.dma_semaphore, #tpu.memory_space<semaphore_mem>>)
      %dma_wait3A_336 = arith.constant 0 : i32
      %dma_wait3A_337 = tpu.memref_slice %arg12[%add3A_35, %dma_wait3A_336] : memref<10112x128xf32, #tpu.memory_space<vmem_shared>> -> memref<64x128xf32, #tpu.memory_space<vmem_shared>>
      %dma_wait3A_338 = arith.constant 0 : i32
      %dma_wait3A_339 = tpu.memref_slice %arg12[%add3A_35, %dma_wait3A_338] : memref<10112x128xf32, #tpu.memory_space<vmem_shared>> -> memref<64x128xf32, #tpu.memory_space<vmem_shared>>
      tpu.wait_dma2 semaphore(%run_scoped3A : memref<!tpu.dma_semaphore, #tpu.memory_space<semaphore_mem>>) src(%arg8 : memref<64x128xf32, #tpu.memory_space<vmem>>) dst(%dma_wait3A_339 : memref<64x128xf32, #tpu.memory_space<vmem_shared>>)
      tpu.yield
    }) : () -> ()
    %mul3A_36 = arith.constant 632 : i32
    %mul3A_37 = arith.muli %arg1, %mul3A_36 : i32
    %add3A_38 = arith.constant 512 : i32
    %add3A_39 = arith.addi %mul3A_37, %add3A_38 : i32
    "tpu.region"() ({
      %run_scoped3A = tpu.sem_alloc : memref<!tpu.dma_semaphore, #tpu.memory_space<semaphore_mem>>
      %dma_start3A_332 = arith.constant 0 : i32
      %dma_start3A_333 = tpu.memref_slice %arg12[%add3A_39, %dma_start3A_332] : memref<10112x128xf32, #tpu.memory_space<vmem_shared>> -> memref<64x128xf32, #tpu.memory_space<vmem_shared>>
      %dma_start3A_334 = arith.constant 0 : i32
      %dma_start3A_335 = tpu.memref_slice %arg12[%add3A_39, %dma_start3A_334] : memref<10112x128xf32, #tpu.memory_space<vmem_shared>> -> memref<64x128xf32, #tpu.memory_space<vmem_shared>>
      tpu.enqueue_dma source(%arg8 : memref<64x128xf32, #tpu.memory_space<vmem>>) target(%dma_start3A_335 : memref<64x128xf32, #tpu.memory_space<vmem_shared>>) target_semaphore(%run_scoped3A : memref<!tpu.dma_semaphore, #tpu.memory_space<semaphore_mem>>)
      %dma_wait3A_336 = arith.constant 0 : i32
      %dma_wait3A_337 = tpu.memref_slice %arg12[%add3A_39, %dma_wait3A_336] : memref<10112x128xf32, #tpu.memory_space<vmem_shared>> -> memref<64x128xf32, #tpu.memory_space<vmem_shared>>
      %dma_wait3A_338 = arith.constant 0 : i32
      %dma_wait3A_339 = tpu.memref_slice %arg12[%add3A_39, %dma_wait3A_338] : memref<10112x128xf32, #tpu.memory_space<vmem_shared>> -> memref<64x128xf32, #tpu.memory_space<vmem_shared>>
      tpu.wait_dma2 semaphore(%run_scoped3A : memref<!tpu.dma_semaphore, #tpu.memory_space<semaphore_mem>>) src(%arg8 : memref<64x128xf32, #tpu.memory_space<vmem>>) dst(%dma_wait3A_339 : memref<64x128xf32, #tpu.memory_space<vmem_shared>>)
      tpu.yield
    }) : () -> ()
    %mul3A_40 = arith.constant 632 : i32
    %mul3A_41 = arith.muli %arg1, %mul3A_40 : i32
    %add3A_42 = arith.constant 632 : i32
    %add3A_43 = arith.addi %mul3A_41, %add3A_42 : i32
    %sub3A = arith.constant 56 : i32
    %sub3A_44 = arith.subi %add3A_43, %sub3A : i32
    "tpu.region"() ({
      %run_scoped3A = tpu.sem_alloc : memref<!tpu.dma_semaphore, #tpu.memory_space<semaphore_mem>>
      %dma_start3A_332 = arith.constant 0 : i32
      %dma_start3A_333 = arith.constant 0 : i32
      %dma_start3A_334 = tpu.memref_slice %arg8[%dma_start3A_332, %dma_start3A_333] : memref<64x128xf32, #tpu.memory_space<vmem>> -> memref<56x128xf32, #tpu.memory_space<vmem>>
      %dma_start3A_335 = arith.constant 0 : i32
      %dma_start3A_336 = tpu.memref_slice %arg12[%sub3A_44, %dma_start3A_335] : memref<10112x128xf32, #tpu.memory_space<vmem_shared>> -> memref<56x128xf32, #tpu.memory_space<vmem_shared>>
      %dma_start3A_337 = arith.constant 0 : i32
      %dma_start3A_338 = tpu.memref_slice %arg12[%sub3A_44, %dma_start3A_337] : memref<10112x128xf32, #tpu.memory_space<vmem_shared>> -> memref<56x128xf32, #tpu.memory_space<vmem_shared>>
      %dma_start3A_339 = arith.constant 0 : i32
      %dma_start3A_340 = arith.constant 0 : i32
      %dma_start3A_341 = tpu.memref_slice %arg8[%dma_start3A_339, %dma_start3A_340] : memref<64x128xf32, #tpu.memory_space<vmem>> -> memref<56x128xf32, #tpu.memory_space<vmem>>
      tpu.enqueue_dma source(%dma_start3A_341 : memref<56x128xf32, #tpu.memory_space<vmem>>) target(%dma_start3A_338 : memref<56x128xf32, #tpu.memory_space<vmem_shared>>) target_semaphore(%run_scoped3A : memref<!tpu.dma_semaphore, #tpu.memory_space<semaphore_mem>>)
      %dma_wait3A_342 = arith.constant 0 : i32
      %dma_wait3A_343 = arith.constant 0 : i32
      %dma_wait3A_344 = tpu.memref_slice %arg8[%dma_wait3A_342, %dma_wait3A_343] : memref<64x128xf32, #tpu.memory_space<vmem>> -> memref<56x128xf32, #tpu.memory_space<vmem>>
      %dma_wait3A_345 = arith.constant 0 : i32
      %dma_wait3A_346 = tpu.memref_slice %arg12[%sub3A_44, %dma_wait3A_345] : memref<10112x128xf32, #tpu.memory_space<vmem_shared>> -> memref<56x128xf32, #tpu.memory_space<vmem_shared>>
      %dma_wait3A_347 = arith.constant 0 : i32
      %dma_wait3A_348 = tpu.memref_slice %arg12[%sub3A_44, %dma_wait3A_347] : memref<10112x128xf32, #tpu.memory_space<vmem_shared>> -> memref<56x128xf32, #tpu.memory_space<vmem_shared>>
      %dma_wait3A_349 = arith.constant 0 : i32
      %dma_wait3A_350 = arith.constant 0 : i32
      %dma_wait3A_351 = tpu.memref_slice %arg8[%dma_wait3A_349, %dma_wait3A_350] : memref<64x128xf32, #tpu.memory_space<vmem>> -> memref<56x128xf32, #tpu.memory_space<vmem>>
      tpu.wait_dma2 semaphore(%run_scoped3A : memref<!tpu.dma_semaphore, #tpu.memory_space<semaphore_mem>>) src(%dma_wait3A_351 : memref<56x128xf32, #tpu.memory_space<vmem>>) dst(%dma_wait3A_348 : memref<56x128xf32, #tpu.memory_space<vmem_shared>>)
      tpu.yield
    }) : () -> ()
    %barrier3A = arith.constant 0 : index
    tpu.barrier barrier_id(%barrier3A)
    %mul3A_45 = arith.constant 160 : i32
    %mul3A_46 = arith.muli %arg1, %mul3A_45 : i32
    %add3A_47 = arith.constant 0 : i32
    %add3A_48 = arith.addi %mul3A_46, %add3A_47 : i32
    "tpu.region"() ({
      %run_scoped3A = tpu.sem_alloc : memref<!tpu.dma_semaphore, #tpu.memory_space<semaphore_mem>>
      %dma_start3A_332 = arith.constant 0 : i32
      %dma_start3A_333 = tpu.memref_slice %arg3[%arg0, %add3A_48, %dma_start3A_332] : memref<2x2560x64xi32, #tpu.memory_space<hbm>> -> memref<1x40x64xi32, #tpu.memory_space<hbm>>
      %dma_start3A_334 = tpu.memref_squeeze %dma_start3A_333 : memref<1x40x64xi32, #tpu.memory_space<hbm>> -> memref<40x64xi32, #tpu.memory_space<hbm>>
      %dma_start3A_335 = arith.constant 0 : i32
      %dma_start3A_336 = tpu.memref_slice %arg3[%arg0, %add3A_48, %dma_start3A_335] : memref<2x2560x64xi32, #tpu.memory_space<hbm>> -> memref<1x40x64xi32, #tpu.memory_space<hbm>>
      %dma_start3A_337 = tpu.memref_squeeze %dma_start3A_336 : memref<1x40x64xi32, #tpu.memory_space<hbm>> -> memref<40x64xi32, #tpu.memory_space<hbm>>
      tpu.enqueue_dma source(%dma_start3A_337 : memref<40x64xi32, #tpu.memory_space<hbm>>) target(%arg6 : memref<40x64xi32, #tpu.memory_space<vmem>>) target_semaphore(%run_scoped3A : memref<!tpu.dma_semaphore, #tpu.memory_space<semaphore_mem>>)
      %dma_wait3A_338 = arith.constant 0 : i32
      %dma_wait3A_339 = tpu.memref_slice %arg3[%arg0, %add3A_48, %dma_wait3A_338] : memref<2x2560x64xi32, #tpu.memory_space<hbm>> -> memref<1x40x64xi32, #tpu.memory_space<hbm>>
      %dma_wait3A_340 = tpu.memref_squeeze %dma_wait3A_339 : memref<1x40x64xi32, #tpu.memory_space<hbm>> -> memref<40x64xi32, #tpu.memory_space<hbm>>
      %dma_wait3A_341 = arith.constant 0 : i32
      %dma_wait3A_342 = tpu.memref_slice %arg3[%arg0, %add3A_48, %dma_wait3A_341] : memref<2x2560x64xi32, #tpu.memory_space<hbm>> -> memref<1x40x64xi32, #tpu.memory_space<hbm>>
      %dma_wait3A_343 = tpu.memref_squeeze %dma_wait3A_342 : memref<1x40x64xi32, #tpu.memory_space<hbm>> -> memref<40x64xi32, #tpu.memory_space<hbm>>
      tpu.wait_dma2 semaphore(%run_scoped3A : memref<!tpu.dma_semaphore, #tpu.memory_space<semaphore_mem>>) src(%dma_wait3A_343 : memref<40x64xi32, #tpu.memory_space<hbm>>) dst(%arg6 : memref<40x64xi32, #tpu.memory_space<vmem>>)
      tpu.yield
    }) : () -> ()
    %mul3A_49 = arith.constant 160 : i32
    %mul3A_50 = arith.muli %arg1, %mul3A_49 : i32
    %add3A_51 = arith.constant 0 : i32
    %add3A_52 = arith.addi %mul3A_50, %add3A_51 : i32
    "tpu.region"() ({
      %run_scoped3A = tpu.sem_alloc : memref<!tpu.dma_semaphore, #tpu.memory_space<semaphore_mem>>
      %dma_start3A_332 = arith.constant 0 : i32
      %dma_start3A_333 = tpu.memref_slice %arg4[%add3A_52, %dma_start3A_332] : memref<2560x64xi32, #tpu.memory_space<hbm>> -> memref<40x64xi32, #tpu.memory_space<hbm>>
      %dma_start3A_334 = arith.constant 0 : i32
      %dma_start3A_335 = tpu.memref_slice %arg4[%add3A_52, %dma_start3A_334] : memref<2560x64xi32, #tpu.memory_space<hbm>> -> memref<40x64xi32, #tpu.memory_space<hbm>>
      tpu.enqueue_dma source(%dma_start3A_335 : memref<40x64xi32, #tpu.memory_space<hbm>>) target(%arg7 : memref<40x64xi32, #tpu.memory_space<vmem>>) target_semaphore(%run_scoped3A : memref<!tpu.dma_semaphore, #tpu.memory_space<semaphore_mem>>)
      %dma_wait3A_336 = arith.constant 0 : i32
      %dma_wait3A_337 = tpu.memref_slice %arg4[%add3A_52, %dma_wait3A_336] : memref<2560x64xi32, #tpu.memory_space<hbm>> -> memref<40x64xi32, #tpu.memory_space<hbm>>
      %dma_wait3A_338 = arith.constant 0 : i32
      %dma_wait3A_339 = tpu.memref_slice %arg4[%add3A_52, %dma_wait3A_338] : memref<2560x64xi32, #tpu.memory_space<hbm>> -> memref<40x64xi32, #tpu.memory_space<hbm>>
      tpu.wait_dma2 semaphore(%run_scoped3A : memref<!tpu.dma_semaphore, #tpu.memory_space<semaphore_mem>>) src(%dma_wait3A_339 : memref<40x64xi32, #tpu.memory_space<hbm>>) dst(%arg7 : memref<40x64xi32, #tpu.memory_space<vmem>>)
      tpu.yield
    }) : () -> ()
    %dma_start3A = arith.constant 0 : i32
    %dma_start3A_53 = arith.constant 0 : i32
    %dma_start3A_54 = tpu.memref_slice %arg6[%dma_start3A, %dma_start3A_53] : memref<40x64xi32, #tpu.memory_space<vmem>> -> memref<1x64xi32, #tpu.memory_space<vmem>>
    %dma_start3A_55 = tpu.memref_squeeze %dma_start3A_54 : memref<1x64xi32, #tpu.memory_space<vmem>> -> memref<64xi32, #tpu.memory_space<vmem>>
    %dma_start3A_56 = arith.constant 0 : i32
    %dma_start3A_57 = arith.constant 0 : i32
    %dma_start3A_58 = tpu.memref_slice %arg2[%dma_start3A_56, %dma_start3A_57] : memref<20000x128xf32, #tpu.memory_space<hbm>> -> memref<20000x128xf32, #tpu.memory_space<hbm>>
    tpu.enqueue_indirect_dma source(%dma_start3A_58 : memref<20000x128xf32, #tpu.memory_space<hbm>>) target(%arg8 : memref<64x128xf32, #tpu.memory_space<vmem>>) offsets(%dma_start3A_55 : memref<64xi32, #tpu.memory_space<vmem>>) semaphore(%arg13 : memref<!tpu.dma_semaphore, #tpu.memory_space<semaphore_mem>>)
    %dma_start3A_59 = arith.constant 1 : i32
    %dma_start3A_60 = arith.constant 0 : i32
    %dma_start3A_61 = tpu.memref_slice %arg6[%dma_start3A_59, %dma_start3A_60] : memref<40x64xi32, #tpu.memory_space<vmem>> -> memref<1x64xi32, #tpu.memory_space<vmem>>
    %dma_start3A_62 = tpu.memref_squeeze %dma_start3A_61 : memref<1x64xi32, #tpu.memory_space<vmem>> -> memref<64xi32, #tpu.memory_space<vmem>>
    %dma_start3A_63 = arith.constant 0 : i32
    %dma_start3A_64 = arith.constant 0 : i32
    %dma_start3A_65 = tpu.memref_slice %arg2[%dma_start3A_63, %dma_start3A_64] : memref<20000x128xf32, #tpu.memory_space<hbm>> -> memref<20000x128xf32, #tpu.memory_space<hbm>>
    tpu.enqueue_indirect_dma source(%dma_start3A_65 : memref<20000x128xf32, #tpu.memory_space<hbm>>) target(%arg9 : memref<64x128xf32, #tpu.memory_space<vmem>>) offsets(%dma_start3A_62 : memref<64xi32, #tpu.memory_space<vmem>>) semaphore(%arg14 : memref<!tpu.dma_semaphore, #tpu.memory_space<semaphore_mem>>)
    %dma_start3A_66 = arith.constant 2 : i32
    %dma_start3A_67 = arith.constant 0 : i32
    %dma_start3A_68 = tpu.memref_slice %arg6[%dma_start3A_66, %dma_start3A_67] : memref<40x64xi32, #tpu.memory_space<vmem>> -> memref<1x64xi32, #tpu.memory_space<vmem>>
    %dma_start3A_69 = tpu.memref_squeeze %dma_start3A_68 : memref<1x64xi32, #tpu.memory_space<vmem>> -> memref<64xi32, #tpu.memory_space<vmem>>
    %dma_start3A_70 = arith.constant 0 : i32
    %dma_start3A_71 = arith.constant 0 : i32
    %dma_start3A_72 = tpu.memref_slice %arg2[%dma_start3A_70, %dma_start3A_71] : memref<20000x128xf32, #tpu.memory_space<hbm>> -> memref<20000x128xf32, #tpu.memory_space<hbm>>
    tpu.enqueue_indirect_dma source(%dma_start3A_72 : memref<20000x128xf32, #tpu.memory_space<hbm>>) target(%arg10 : memref<64x128xf32, #tpu.memory_space<vmem>>) offsets(%dma_start3A_69 : memref<64xi32, #tpu.memory_space<vmem>>) semaphore(%arg15 : memref<!tpu.dma_semaphore, #tpu.memory_space<semaphore_mem>>)
    %dma_start3A_73 = arith.constant 3 : i32
    %dma_start3A_74 = arith.constant 0 : i32
    %dma_start3A_75 = tpu.memref_slice %arg6[%dma_start3A_73, %dma_start3A_74] : memref<40x64xi32, #tpu.memory_space<vmem>> -> memref<1x64xi32, #tpu.memory_space<vmem>>
    %dma_start3A_76 = tpu.memref_squeeze %dma_start3A_75 : memref<1x64xi32, #tpu.memory_space<vmem>> -> memref<64xi32, #tpu.memory_space<vmem>>
    %dma_start3A_77 = arith.constant 0 : i32
    %dma_start3A_78 = arith.constant 0 : i32
    %dma_start3A_79 = tpu.memref_slice %arg2[%dma_start3A_77, %dma_start3A_78] : memref<20000x128xf32, #tpu.memory_space<hbm>> -> memref<20000x128xf32, #tpu.memory_space<hbm>>
    tpu.enqueue_indirect_dma source(%dma_start3A_79 : memref<20000x128xf32, #tpu.memory_space<hbm>>) target(%arg11 : memref<64x128xf32, #tpu.memory_space<vmem>>) offsets(%dma_start3A_76 : memref<64xi32, #tpu.memory_space<vmem>>) semaphore(%arg16 : memref<!tpu.dma_semaphore, #tpu.memory_space<semaphore_mem>>)
    %scan3A_80 = arith.constant 0 : i32
    %scan3A_81 = arith.constant 0 : i32
    %scan3A_82 = arith.constant 10 : i32
    %scan3A_83 = arith.addi %scan3A_81, %scan3A_82 : i32
    %scan3A_84 = arith.constant 1 : i32
    %scan3A_85 = scf.for %scan3A_332 = %scan3A_81 to %scan3A_83 step %scan3A_84 iter_args(%scan3A_333 = %scan3A_80) -> (i32)  : i32 {
      %mul3A_334 = arith.constant 4 : i32
      %mul3A_335 = arith.muli %mul3A_334, %scan3A_332 : i32
      %add3A_336 = arith.constant 0 : i32
      %add3A_337 = arith.addi %mul3A_335, %add3A_336 : i32
      %dma_wait3A_338 = arith.constant 0 : i32
      %dma_wait3A_339 = tpu.memref_slice %arg6[%add3A_337, %dma_wait3A_338] : memref<40x64xi32, #tpu.memory_space<vmem>> -> memref<1x64xi32, #tpu.memory_space<vmem>>
      %dma_wait3A_340 = tpu.memref_squeeze %dma_wait3A_339 : memref<1x64xi32, #tpu.memory_space<vmem>> -> memref<64xi32, #tpu.memory_space<vmem>>
      %dma_wait3A_341 = arith.constant 0 : i32
      %dma_wait3A_342 = arith.constant 0 : i32
      %dma_wait3A_343 = tpu.memref_slice %arg2[%dma_wait3A_341, %dma_wait3A_342] : memref<20000x128xf32, #tpu.memory_space<hbm>> -> memref<20000x128xf32, #tpu.memory_space<hbm>>
      tpu.wait_indirect_dma semaphore(%arg13 : memref<!tpu.dma_semaphore, #tpu.memory_space<semaphore_mem>>) src(%dma_wait3A_343 : memref<20000x128xf32, #tpu.memory_space<hbm>>) dst(%arg8 : memref<64x128xf32, #tpu.memory_space<vmem>>)
      %dma_start3A_344 = arith.constant 0 : i32
      %dma_start3A_345 = tpu.memref_slice %arg7[%add3A_337, %dma_start3A_344] : memref<40x64xi32, #tpu.memory_space<vmem>> -> memref<1x64xi32, #tpu.memory_space<vmem>>
      %dma_start3A_346 = tpu.memref_squeeze %dma_start3A_345 : memref<1x64xi32, #tpu.memory_space<vmem>> -> memref<64xi32, #tpu.memory_space<vmem>>
      %dma_start3A_347 = arith.constant 0 : i32
      %dma_start3A_348 = arith.constant 0 : i32
      %dma_start3A_349 = tpu.memref_slice %arg12[%dma_start3A_347, %dma_start3A_348] : memref<10112x128xf32, #tpu.memory_space<vmem_shared>> -> memref<10112x128xf32, #tpu.memory_space<vmem_shared>>
      tpu.enqueue_indirect_dma source(%arg8 : memref<64x128xf32, #tpu.memory_space<vmem>>) target(%dma_start3A_349 : memref<10112x128xf32, #tpu.memory_space<vmem_shared>>) offsets(%dma_start3A_346 : memref<64xi32, #tpu.memory_space<vmem>>) semaphore(%arg17 : memref<!tpu.dma_semaphore, #tpu.memory_space<semaphore_mem>>) {add = true}
      %add3A_350 = arith.constant 4 : i32
      %add3A_351 = arith.addi %add3A_337, %add3A_350 : i32
      %lt3A = arith.constant 40 : i32
      %lt3A_352 = arith.cmpi slt, %add3A_351, %lt3A : i32
      %convert_element_type3A = arith.extui %lt3A_352 : i1 to i32
      %cond3A = arith.constant 0 : i32
      %cond3A_353 = arith.cmpi ne, %convert_element_type3A, %cond3A : i32
      scf.if %cond3A_353 {
        %dma_wait3A_424 = arith.constant 0 : i32
        %dma_wait3A_425 = tpu.memref_slice %arg7[%add3A_337, %dma_wait3A_424] : memref<40x64xi32, #tpu.memory_space<vmem>> -> memref<1x64xi32, #tpu.memory_space<vmem>>
        %dma_wait3A_426 = tpu.memref_squeeze %dma_wait3A_425 : memref<1x64xi32, #tpu.memory_space<vmem>> -> memref<64xi32, #tpu.memory_space<vmem>>
        %dma_wait3A_427 = arith.constant 0 : i32
        %dma_wait3A_428 = arith.constant 0 : i32
        %dma_wait3A_429 = tpu.memref_slice %arg12[%dma_wait3A_427, %dma_wait3A_428] : memref<10112x128xf32, #tpu.memory_space<vmem_shared>> -> memref<10112x128xf32, #tpu.memory_space<vmem_shared>>
        tpu.wait_indirect_dma semaphore(%arg17 : memref<!tpu.dma_semaphore, #tpu.memory_space<semaphore_mem>>) src(%arg8 : memref<64x128xf32, #tpu.memory_space<vmem>>) dst(%dma_wait3A_429 : memref<10112x128xf32, #tpu.memory_space<vmem_shared>>)
        %add3A_430 = arith.constant 4 : i32
        %add3A_431 = arith.addi %add3A_337, %add3A_430 : i32
        %dma_start3A_432 = arith.constant 0 : i32
        %dma_start3A_433 = tpu.memref_slice %arg6[%add3A_431, %dma_start3A_432] : memref<40x64xi32, #tpu.memory_space<vmem>> -> memref<1x64xi32, #tpu.memory_space<vmem>>
        %dma_start3A_434 = tpu.memref_squeeze %dma_start3A_433 : memref<1x64xi32, #tpu.memory_space<vmem>> -> memref<64xi32, #tpu.memory_space<vmem>>
        %dma_start3A_435 = arith.constant 0 : i32
        %dma_start3A_436 = arith.constant 0 : i32
        %dma_start3A_437 = tpu.memref_slice %arg2[%dma_start3A_435, %dma_start3A_436] : memref<20000x128xf32, #tpu.memory_space<hbm>> -> memref<20000x128xf32, #tpu.memory_space<hbm>>
        tpu.enqueue_indirect_dma source(%dma_start3A_437 : memref<20000x128xf32, #tpu.memory_space<hbm>>) target(%arg8 : memref<64x128xf32, #tpu.memory_space<vmem>>) offsets(%dma_start3A_434 : memref<64xi32, #tpu.memory_space<vmem>>) semaphore(%arg13 : memref<!tpu.dma_semaphore, #tpu.memory_space<semaphore_mem>>)
      } else {
      }
      %mul3A_354 = arith.constant 4 : i32
      %mul3A_355 = arith.muli %mul3A_354, %scan3A_332 : i32
      %add3A_356 = arith.constant 1 : i32
      %add3A_357 = arith.addi %mul3A_355, %add3A_356 : i32
      %dma_wait3A_358 = arith.constant 0 : i32
      %dma_wait3A_359 = tpu.memref_slice %arg6[%add3A_357, %dma_wait3A_358] : memref<40x64xi32, #tpu.memory_space<vmem>> -> memref<1x64xi32, #tpu.memory_space<vmem>>
      %dma_wait3A_360 = tpu.memref_squeeze %dma_wait3A_359 : memref<1x64xi32, #tpu.memory_space<vmem>> -> memref<64xi32, #tpu.memory_space<vmem>>
      %dma_wait3A_361 = arith.constant 0 : i32
      %dma_wait3A_362 = arith.constant 0 : i32
      %dma_wait3A_363 = tpu.memref_slice %arg2[%dma_wait3A_361, %dma_wait3A_362] : memref<20000x128xf32, #tpu.memory_space<hbm>> -> memref<20000x128xf32, #tpu.memory_space<hbm>>
      tpu.wait_indirect_dma semaphore(%arg14 : memref<!tpu.dma_semaphore, #tpu.memory_space<semaphore_mem>>) src(%dma_wait3A_363 : memref<20000x128xf32, #tpu.memory_space<hbm>>) dst(%arg9 : memref<64x128xf32, #tpu.memory_space<vmem>>)
      %dma_start3A_364 = arith.constant 0 : i32
      %dma_start3A_365 = tpu.memref_slice %arg7[%add3A_357, %dma_start3A_364] : memref<40x64xi32, #tpu.memory_space<vmem>> -> memref<1x64xi32, #tpu.memory_space<vmem>>
      %dma_start3A_366 = tpu.memref_squeeze %dma_start3A_365 : memref<1x64xi32, #tpu.memory_space<vmem>> -> memref<64xi32, #tpu.memory_space<vmem>>
      %dma_start3A_367 = arith.constant 0 : i32
      %dma_start3A_368 = arith.constant 0 : i32
      %dma_start3A_369 = tpu.memref_slice %arg12[%dma_start3A_367, %dma_start3A_368] : memref<10112x128xf32, #tpu.memory_space<vmem_shared>> -> memref<10112x128xf32, #tpu.memory_space<vmem_shared>>
      tpu.enqueue_indirect_dma source(%arg9 : memref<64x128xf32, #tpu.memory_space<vmem>>) target(%dma_start3A_369 : memref<10112x128xf32, #tpu.memory_space<vmem_shared>>) offsets(%dma_start3A_366 : memref<64xi32, #tpu.memory_space<vmem>>) semaphore(%arg18 : memref<!tpu.dma_semaphore, #tpu.memory_space<semaphore_mem>>) {add = true}
      %add3A_370 = arith.constant 4 : i32
      %add3A_371 = arith.addi %add3A_357, %add3A_370 : i32
      %lt3A_372 = arith.constant 40 : i32
      %lt3A_373 = arith.cmpi slt, %add3A_371, %lt3A_372 : i32
      %convert_element_type3A_374 = arith.extui %lt3A_373 : i1 to i32
      %cond3A_375 = arith.constant 0 : i32
      %cond3A_376 = arith.cmpi ne, %convert_element_type3A_374, %cond3A_375 : i32
      scf.if %cond3A_376 {
        %dma_wait3A_424 = arith.constant 0 : i32
        %dma_wait3A_425 = tpu.memref_slice %arg7[%add3A_357, %dma_wait3A_424] : memref<40x64xi32, #tpu.memory_space<vmem>> -> memref<1x64xi32, #tpu.memory_space<vmem>>
        %dma_wait3A_426 = tpu.memref_squeeze %dma_wait3A_425 : memref<1x64xi32, #tpu.memory_space<vmem>> -> memref<64xi32, #tpu.memory_space<vmem>>
        %dma_wait3A_427 = arith.constant 0 : i32
        %dma_wait3A_428 = arith.constant 0 : i32
        %dma_wait3A_429 = tpu.memref_slice %arg12[%dma_wait3A_427, %dma_wait3A_428] : memref<10112x128xf32, #tpu.memory_space<vmem_shared>> -> memref<10112x128xf32, #tpu.memory_space<vmem_shared>>
        tpu.wait_indirect_dma semaphore(%arg18 : memref<!tpu.dma_semaphore, #tpu.memory_space<semaphore_mem>>) src(%arg9 : memref<64x128xf32, #tpu.memory_space<vmem>>) dst(%dma_wait3A_429 : memref<10112x128xf32, #tpu.memory_space<vmem_shared>>)
        %add3A_430 = arith.constant 4 : i32
        %add3A_431 = arith.addi %add3A_357, %add3A_430 : i32
        %dma_start3A_432 = arith.constant 0 : i32
        %dma_start3A_433 = tpu.memref_slice %arg6[%add3A_431, %dma_start3A_432] : memref<40x64xi32, #tpu.memory_space<vmem>> -> memref<1x64xi32, #tpu.memory_space<vmem>>
        %dma_start3A_434 = tpu.memref_squeeze %dma_start3A_433 : memref<1x64xi32, #tpu.memory_space<vmem>> -> memref<64xi32, #tpu.memory_space<vmem>>
        %dma_start3A_435 = arith.constant 0 : i32
        %dma_start3A_436 = arith.constant 0 : i32
        %dma_start3A_437 = tpu.memref_slice %arg2[%dma_start3A_435, %dma_start3A_436] : memref<20000x128xf32, #tpu.memory_space<hbm>> -> memref<20000x128xf32, #tpu.memory_space<hbm>>
        tpu.enqueue_indirect_dma source(%dma_start3A_437 : memref<20000x128xf32, #tpu.memory_space<hbm>>) target(%arg9 : memref<64x128xf32, #tpu.memory_space<vmem>>) offsets(%dma_start3A_434 : memref<64xi32, #tpu.memory_space<vmem>>) semaphore(%arg14 : memref<!tpu.dma_semaphore, #tpu.memory_space<semaphore_mem>>)
      } else {
      }
      %mul3A_377 = arith.constant 4 : i32
      %mul3A_378 = arith.muli %mul3A_377, %scan3A_332 : i32
      %add3A_379 = arith.constant 2 : i32
      %add3A_380 = arith.addi %mul3A_378, %add3A_379 : i32
      %dma_wait3A_381 = arith.constant 0 : i32
      %dma_wait3A_382 = tpu.memref_slice %arg6[%add3A_380, %dma_wait3A_381] : memref<40x64xi32, #tpu.memory_space<vmem>> -> memref<1x64xi32, #tpu.memory_space<vmem>>
      %dma_wait3A_383 = tpu.memref_squeeze %dma_wait3A_382 : memref<1x64xi32, #tpu.memory_space<vmem>> -> memref<64xi32, #tpu.memory_space<vmem>>
      %dma_wait3A_384 = arith.constant 0 : i32
      %dma_wait3A_385 = arith.constant 0 : i32
      %dma_wait3A_386 = tpu.memref_slice %arg2[%dma_wait3A_384, %dma_wait3A_385] : memref<20000x128xf32, #tpu.memory_space<hbm>> -> memref<20000x128xf32, #tpu.memory_space<hbm>>
      tpu.wait_indirect_dma semaphore(%arg15 : memref<!tpu.dma_semaphore, #tpu.memory_space<semaphore_mem>>) src(%dma_wait3A_386 : memref<20000x128xf32, #tpu.memory_space<hbm>>) dst(%arg10 : memref<64x128xf32, #tpu.memory_space<vmem>>)
      %dma_start3A_387 = arith.constant 0 : i32
      %dma_start3A_388 = tpu.memref_slice %arg7[%add3A_380, %dma_start3A_387] : memref<40x64xi32, #tpu.memory_space<vmem>> -> memref<1x64xi32, #tpu.memory_space<vmem>>
      %dma_start3A_389 = tpu.memref_squeeze %dma_start3A_388 : memref<1x64xi32, #tpu.memory_space<vmem>> -> memref<64xi32, #tpu.memory_space<vmem>>
      %dma_start3A_390 = arith.constant 0 : i32
      %dma_start3A_391 = arith.constant 0 : i32
      %dma_start3A_392 = tpu.memref_slice %arg12[%dma_start3A_390, %dma_start3A_391] : memref<10112x128xf32, #tpu.memory_space<vmem_shared>> -> memref<10112x128xf32, #tpu.memory_space<vmem_shared>>
      tpu.enqueue_indirect_dma source(%arg10 : memref<64x128xf32, #tpu.memory_space<vmem>>) target(%dma_start3A_392 : memref<10112x128xf32, #tpu.memory_space<vmem_shared>>) offsets(%dma_start3A_389 : memref<64xi32, #tpu.memory_space<vmem>>) semaphore(%arg19 : memref<!tpu.dma_semaphore, #tpu.memory_space<semaphore_mem>>) {add = true}
      %add3A_393 = arith.constant 4 : i32
      %add3A_394 = arith.addi %add3A_380, %add3A_393 : i32
      %lt3A_395 = arith.constant 40 : i32
      %lt3A_396 = arith.cmpi slt, %add3A_394, %lt3A_395 : i32
      %convert_element_type3A_397 = arith.extui %lt3A_396 : i1 to i32
      %cond3A_398 = arith.constant 0 : i32
      %cond3A_399 = arith.cmpi ne, %convert_element_type3A_397, %cond3A_398 : i32
      scf.if %cond3A_399 {
        %dma_wait3A_424 = arith.constant 0 : i32
        %dma_wait3A_425 = tpu.memref_slice %arg7[%add3A_380, %dma_wait3A_424] : memref<40x64xi32, #tpu.memory_space<vmem>> -> memref<1x64xi32, #tpu.memory_space<vmem>>
        %dma_wait3A_426 = tpu.memref_squeeze %dma_wait3A_425 : memref<1x64xi32, #tpu.memory_space<vmem>> -> memref<64xi32, #tpu.memory_space<vmem>>
        %dma_wait3A_427 = arith.constant 0 : i32
        %dma_wait3A_428 = arith.constant 0 : i32
        %dma_wait3A_429 = tpu.memref_slice %arg12[%dma_wait3A_427, %dma_wait3A_428] : memref<10112x128xf32, #tpu.memory_space<vmem_shared>> -> memref<10112x128xf32, #tpu.memory_space<vmem_shared>>
        tpu.wait_indirect_dma semaphore(%arg19 : memref<!tpu.dma_semaphore, #tpu.memory_space<semaphore_mem>>) src(%arg10 : memref<64x128xf32, #tpu.memory_space<vmem>>) dst(%dma_wait3A_429 : memref<10112x128xf32, #tpu.memory_space<vmem_shared>>)
        %add3A_430 = arith.constant 4 : i32
        %add3A_431 = arith.addi %add3A_380, %add3A_430 : i32
        %dma_start3A_432 = arith.constant 0 : i32
        %dma_start3A_433 = tpu.memref_slice %arg6[%add3A_431, %dma_start3A_432] : memref<40x64xi32, #tpu.memory_space<vmem>> -> memref<1x64xi32, #tpu.memory_space<vmem>>
        %dma_start3A_434 = tpu.memref_squeeze %dma_start3A_433 : memref<1x64xi32, #tpu.memory_space<vmem>> -> memref<64xi32, #tpu.memory_space<vmem>>
        %dma_start3A_435 = arith.constant 0 : i32
        %dma_start3A_436 = arith.constant 0 : i32
        %dma_start3A_437 = tpu.memref_slice %arg2[%dma_start3A_435, %dma_start3A_436] : memref<20000x128xf32, #tpu.memory_space<hbm>> -> memref<20000x128xf32, #tpu.memory_space<hbm>>
        tpu.enqueue_indirect_dma source(%dma_start3A_437 : memref<20000x128xf32, #tpu.memory_space<hbm>>) target(%arg10 : memref<64x128xf32, #tpu.memory_space<vmem>>) offsets(%dma_start3A_434 : memref<64xi32, #tpu.memory_space<vmem>>) semaphore(%arg15 : memref<!tpu.dma_semaphore, #tpu.memory_space<semaphore_mem>>)
      } else {
      }
      %mul3A_400 = arith.constant 4 : i32
      %mul3A_401 = arith.muli %mul3A_400, %scan3A_332 : i32
      %add3A_402 = arith.constant 3 : i32
      %add3A_403 = arith.addi %mul3A_401, %add3A_402 : i32
      %dma_wait3A_404 = arith.constant 0 : i32
      %dma_wait3A_405 = tpu.memref_slice %arg6[%add3A_403, %dma_wait3A_404] : memref<40x64xi32, #tpu.memory_space<vmem>> -> memref<1x64xi32, #tpu.memory_space<vmem>>
      %dma_wait3A_406 = tpu.memref_squeeze %dma_wait3A_405 : memref<1x64xi32, #tpu.memory_space<vmem>> -> memref<64xi32, #tpu.memory_space<vmem>>
      %dma_wait3A_407 = arith.constant 0 : i32
      %dma_wait3A_408 = arith.constant 0 : i32
      %dma_wait3A_409 = tpu.memref_slice %arg2[%dma_wait3A_407, %dma_wait3A_408] : memref<20000x128xf32, #tpu.memory_space<hbm>> -> memref<20000x128xf32, #tpu.memory_space<hbm>>
      tpu.wait_indirect_dma semaphore(%arg16 : memref<!tpu.dma_semaphore, #tpu.memory_space<semaphore_mem>>) src(%dma_wait3A_409 : memref<20000x128xf32, #tpu.memory_space<hbm>>) dst(%arg11 : memref<64x128xf32, #tpu.memory_space<vmem>>)
      %dma_start3A_410 = arith.constant 0 : i32
      %dma_start3A_411 = tpu.memref_slice %arg7[%add3A_403, %dma_start3A_410] : memref<40x64xi32, #tpu.memory_space<vmem>> -> memref<1x64xi32, #tpu.memory_space<vmem>>
      %dma_start3A_412 = tpu.memref_squeeze %dma_start3A_411 : memref<1x64xi32, #tpu.memory_space<vmem>> -> memref<64xi32, #tpu.memory_space<vmem>>
      %dma_start3A_413 = arith.constant 0 : i32
      %dma_start3A_414 = arith.constant 0 : i32
      %dma_start3A_415 = tpu.memref_slice %arg12[%dma_start3A_413, %dma_start3A_414] : memref<10112x128xf32, #tpu.memory_space<vmem_shared>> -> memref<10112x128xf32, #tpu.memory_space<vmem_shared>>
      tpu.enqueue_indirect_dma source(%arg11 : memref<64x128xf32, #tpu.memory_space<vmem>>) target(%dma_start3A_415 : memref<10112x128xf32, #tpu.memory_space<vmem_shared>>) offsets(%dma_start3A_412 : memref<64xi32, #tpu.memory_space<vmem>>) semaphore(%arg20 : memref<!tpu.dma_semaphore, #tpu.memory_space<semaphore_mem>>) {add = true}
      %add3A_416 = arith.constant 4 : i32
      %add3A_417 = arith.addi %add3A_403, %add3A_416 : i32
      %lt3A_418 = arith.constant 40 : i32
      %lt3A_419 = arith.cmpi slt, %add3A_417, %lt3A_418 : i32
      %convert_element_type3A_420 = arith.extui %lt3A_419 : i1 to i32
      %cond3A_421 = arith.constant 0 : i32
      %cond3A_422 = arith.cmpi ne, %convert_element_type3A_420, %cond3A_421 : i32
      scf.if %cond3A_422 {
        %dma_wait3A_424 = arith.constant 0 : i32
        %dma_wait3A_425 = tpu.memref_slice %arg7[%add3A_403, %dma_wait3A_424] : memref<40x64xi32, #tpu.memory_space<vmem>> -> memref<1x64xi32, #tpu.memory_space<vmem>>
        %dma_wait3A_426 = tpu.memref_squeeze %dma_wait3A_425 : memref<1x64xi32, #tpu.memory_space<vmem>> -> memref<64xi32, #tpu.memory_space<vmem>>
        %dma_wait3A_427 = arith.constant 0 : i32
        %dma_wait3A_428 = arith.constant 0 : i32
        %dma_wait3A_429 = tpu.memref_slice %arg12[%dma_wait3A_427, %dma_wait3A_428] : memref<10112x128xf32, #tpu.memory_space<vmem_shared>> -> memref<10112x128xf32, #tpu.memory_space<vmem_shared>>
        tpu.wait_indirect_dma semaphore(%arg20 : memref<!tpu.dma_semaphore, #tpu.memory_space<semaphore_mem>>) src(%arg11 : memref<64x128xf32, #tpu.memory_space<vmem>>) dst(%dma_wait3A_429 : memref<10112x128xf32, #tpu.memory_space<vmem_shared>>)
        %add3A_430 = arith.constant 4 : i32
        %add3A_431 = arith.addi %add3A_403, %add3A_430 : i32
        %dma_start3A_432 = arith.constant 0 : i32
        %dma_start3A_433 = tpu.memref_slice %arg6[%add3A_431, %dma_start3A_432] : memref<40x64xi32, #tpu.memory_space<vmem>> -> memref<1x64xi32, #tpu.memory_space<vmem>>
        %dma_start3A_434 = tpu.memref_squeeze %dma_start3A_433 : memref<1x64xi32, #tpu.memory_space<vmem>> -> memref<64xi32, #tpu.memory_space<vmem>>
        %dma_start3A_435 = arith.constant 0 : i32
        %dma_start3A_436 = arith.constant 0 : i32
        %dma_start3A_437 = tpu.memref_slice %arg2[%dma_start3A_435, %dma_start3A_436] : memref<20000x128xf32, #tpu.memory_space<hbm>> -> memref<20000x128xf32, #tpu.memory_space<hbm>>
        tpu.enqueue_indirect_dma source(%dma_start3A_437 : memref<20000x128xf32, #tpu.memory_space<hbm>>) target(%arg11 : memref<64x128xf32, #tpu.memory_space<vmem>>) offsets(%dma_start3A_434 : memref<64xi32, #tpu.memory_space<vmem>>) semaphore(%arg16 : memref<!tpu.dma_semaphore, #tpu.memory_space<semaphore_mem>>)
      } else {
      }
      %scan3A_423 = arith.constant 0 : i32
      scf.yield %scan3A_423 : i32
    }
    %scan3A_86 = arith.constant 10 : i32
    %dma_wait3A = arith.constant 36 : i32
    %dma_wait3A_87 = arith.constant 0 : i32
    %dma_wait3A_88 = tpu.memref_slice %arg7[%dma_wait3A, %dma_wait3A_87] : memref<40x64xi32, #tpu.memory_space<vmem>> -> memref<1x64xi32, #tpu.memory_space<vmem>>
    %dma_wait3A_89 = tpu.memref_squeeze %dma_wait3A_88 : memref<1x64xi32, #tpu.memory_space<vmem>> -> memref<64xi32, #tpu.memory_space<vmem>>
    %dma_wait3A_90 = arith.constant 0 : i32
    %dma_wait3A_91 = arith.constant 0 : i32
    %dma_wait3A_92 = tpu.memref_slice %arg12[%dma_wait3A_90, %dma_wait3A_91] : memref<10112x128xf32, #tpu.memory_space<vmem_shared>> -> memref<10112x128xf32, #tpu.memory_space<vmem_shared>>
    tpu.wait_indirect_dma semaphore(%arg17 : memref<!tpu.dma_semaphore, #tpu.memory_space<semaphore_mem>>) src(%arg8 : memref<64x128xf32, #tpu.memory_space<vmem>>) dst(%dma_wait3A_92 : memref<10112x128xf32, #tpu.memory_space<vmem_shared>>)
    %dma_wait3A_93 = arith.constant 37 : i32
    %dma_wait3A_94 = arith.constant 0 : i32
    %dma_wait3A_95 = tpu.memref_slice %arg7[%dma_wait3A_93, %dma_wait3A_94] : memref<40x64xi32, #tpu.memory_space<vmem>> -> memref<1x64xi32, #tpu.memory_space<vmem>>
    %dma_wait3A_96 = tpu.memref_squeeze %dma_wait3A_95 : memref<1x64xi32, #tpu.memory_space<vmem>> -> memref<64xi32, #tpu.memory_space<vmem>>
    %dma_wait3A_97 = arith.constant 0 : i32
    %dma_wait3A_98 = arith.constant 0 : i32
    %dma_wait3A_99 = tpu.memref_slice %arg12[%dma_wait3A_97, %dma_wait3A_98] : memref<10112x128xf32, #tpu.memory_space<vmem_shared>> -> memref<10112x128xf32, #tpu.memory_space<vmem_shared>>
    tpu.wait_indirect_dma semaphore(%arg18 : memref<!tpu.dma_semaphore, #tpu.memory_space<semaphore_mem>>) src(%arg9 : memref<64x128xf32, #tpu.memory_space<vmem>>) dst(%dma_wait3A_99 : memref<10112x128xf32, #tpu.memory_space<vmem_shared>>)
    %dma_wait3A_100 = arith.constant 38 : i32
    %dma_wait3A_101 = arith.constant 0 : i32
    %dma_wait3A_102 = tpu.memref_slice %arg7[%dma_wait3A_100, %dma_wait3A_101] : memref<40x64xi32, #tpu.memory_space<vmem>> -> memref<1x64xi32, #tpu.memory_space<vmem>>
    %dma_wait3A_103 = tpu.memref_squeeze %dma_wait3A_102 : memref<1x64xi32, #tpu.memory_space<vmem>> -> memref<64xi32, #tpu.memory_space<vmem>>
    %dma_wait3A_104 = arith.constant 0 : i32
    %dma_wait3A_105 = arith.constant 0 : i32
    %dma_wait3A_106 = tpu.memref_slice %arg12[%dma_wait3A_104, %dma_wait3A_105] : memref<10112x128xf32, #tpu.memory_space<vmem_shared>> -> memref<10112x128xf32, #tpu.memory_space<vmem_shared>>
    tpu.wait_indirect_dma semaphore(%arg19 : memref<!tpu.dma_semaphore, #tpu.memory_space<semaphore_mem>>) src(%arg10 : memref<64x128xf32, #tpu.memory_space<vmem>>) dst(%dma_wait3A_106 : memref<10112x128xf32, #tpu.memory_space<vmem_shared>>)
    %dma_wait3A_107 = arith.constant 39 : i32
    %dma_wait3A_108 = arith.constant 0 : i32
    %dma_wait3A_109 = tpu.memref_slice %arg7[%dma_wait3A_107, %dma_wait3A_108] : memref<40x64xi32, #tpu.memory_space<vmem>> -> memref<1x64xi32, #tpu.memory_space<vmem>>
    %dma_wait3A_110 = tpu.memref_squeeze %dma_wait3A_109 : memref<1x64xi32, #tpu.memory_space<vmem>> -> memref<64xi32, #tpu.memory_space<vmem>>
    %dma_wait3A_111 = arith.constant 0 : i32
    %dma_wait3A_112 = arith.constant 0 : i32
    %dma_wait3A_113 = tpu.memref_slice %arg12[%dma_wait3A_111, %dma_wait3A_112] : memref<10112x128xf32, #tpu.memory_space<vmem_shared>> -> memref<10112x128xf32, #tpu.memory_space<vmem_shared>>
    tpu.wait_indirect_dma semaphore(%arg20 : memref<!tpu.dma_semaphore, #tpu.memory_space<semaphore_mem>>) src(%arg11 : memref<64x128xf32, #tpu.memory_space<vmem>>) dst(%dma_wait3A_113 : memref<10112x128xf32, #tpu.memory_space<vmem_shared>>)
    %mul3A_114 = arith.constant 160 : i32
    %mul3A_115 = arith.muli %arg1, %mul3A_114 : i32
    %add3A_116 = arith.constant 40 : i32
    %add3A_117 = arith.addi %mul3A_115, %add3A_116 : i32
    "tpu.region"() ({
      %run_scoped3A = tpu.sem_alloc : memref<!tpu.dma_semaphore, #tpu.memory_space<semaphore_mem>>
      %dma_start3A_332 = arith.constant 0 : i32
      %dma_start3A_333 = tpu.memref_slice %arg3[%arg0, %add3A_117, %dma_start3A_332] : memref<2x2560x64xi32, #tpu.memory_space<hbm>> -> memref<1x40x64xi32, #tpu.memory_space<hbm>>
      %dma_start3A_334 = tpu.memref_squeeze %dma_start3A_333 : memref<1x40x64xi32, #tpu.memory_space<hbm>> -> memref<40x64xi32, #tpu.memory_space<hbm>>
      %dma_start3A_335 = arith.constant 0 : i32
      %dma_start3A_336 = tpu.memref_slice %arg3[%arg0, %add3A_117, %dma_start3A_335] : memref<2x2560x64xi32, #tpu.memory_space<hbm>> -> memref<1x40x64xi32, #tpu.memory_space<hbm>>
      %dma_start3A_337 = tpu.memref_squeeze %dma_start3A_336 : memref<1x40x64xi32, #tpu.memory_space<hbm>> -> memref<40x64xi32, #tpu.memory_space<hbm>>
      tpu.enqueue_dma source(%dma_start3A_337 : memref<40x64xi32, #tpu.memory_space<hbm>>) target(%arg6 : memref<40x64xi32, #tpu.memory_space<vmem>>) target_semaphore(%run_scoped3A : memref<!tpu.dma_semaphore, #tpu.memory_space<semaphore_mem>>)
      %dma_wait3A_338 = arith.constant 0 : i32
      %dma_wait3A_339 = tpu.memref_slice %arg3[%arg0, %add3A_117, %dma_wait3A_338] : memref<2x2560x64xi32, #tpu.memory_space<hbm>> -> memref<1x40x64xi32, #tpu.memory_space<hbm>>
      %dma_wait3A_340 = tpu.memref_squeeze %dma_wait3A_339 : memref<1x40x64xi32, #tpu.memory_space<hbm>> -> memref<40x64xi32, #tpu.memory_space<hbm>>
      %dma_wait3A_341 = arith.constant 0 : i32
      %dma_wait3A_342 = tpu.memref_slice %arg3[%arg0, %add3A_117, %dma_wait3A_341] : memref<2x2560x64xi32, #tpu.memory_space<hbm>> -> memref<1x40x64xi32, #tpu.memory_space<hbm>>
      %dma_wait3A_343 = tpu.memref_squeeze %dma_wait3A_342 : memref<1x40x64xi32, #tpu.memory_space<hbm>> -> memref<40x64xi32, #tpu.memory_space<hbm>>
      tpu.wait_dma2 semaphore(%run_scoped3A : memref<!tpu.dma_semaphore, #tpu.memory_space<semaphore_mem>>) src(%dma_wait3A_343 : memref<40x64xi32, #tpu.memory_space<hbm>>) dst(%arg6 : memref<40x64xi32, #tpu.memory_space<vmem>>)
      tpu.yield
    }) : () -> ()
    %mul3A_118 = arith.constant 160 : i32
    %mul3A_119 = arith.muli %arg1, %mul3A_118 : i32
    %add3A_120 = arith.constant 40 : i32
    %add3A_121 = arith.addi %mul3A_119, %add3A_120 : i32
    "tpu.region"() ({
      %run_scoped3A = tpu.sem_alloc : memref<!tpu.dma_semaphore, #tpu.memory_space<semaphore_mem>>
      %dma_start3A_332 = arith.constant 0 : i32
      %dma_start3A_333 = tpu.memref_slice %arg4[%add3A_121, %dma_start3A_332] : memref<2560x64xi32, #tpu.memory_space<hbm>> -> memref<40x64xi32, #tpu.memory_space<hbm>>
      %dma_start3A_334 = arith.constant 0 : i32
      %dma_start3A_335 = tpu.memref_slice %arg4[%add3A_121, %dma_start3A_334] : memref<2560x64xi32, #tpu.memory_space<hbm>> -> memref<40x64xi32, #tpu.memory_space<hbm>>
      tpu.enqueue_dma source(%dma_start3A_335 : memref<40x64xi32, #tpu.memory_space<hbm>>) target(%arg7 : memref<40x64xi32, #tpu.memory_space<vmem>>) target_semaphore(%run_scoped3A : memref<!tpu.dma_semaphore, #tpu.memory_space<semaphore_mem>>)
      %dma_wait3A_336 = arith.constant 0 : i32
      %dma_wait3A_337 = tpu.memref_slice %arg4[%add3A_121, %dma_wait3A_336] : memref<2560x64xi32, #tpu.memory_space<hbm>> -> memref<40x64xi32, #tpu.memory_space<hbm>>
      %dma_wait3A_338 = arith.constant 0 : i32
      %dma_wait3A_339 = tpu.memref_slice %arg4[%add3A_121, %dma_wait3A_338] : memref<2560x64xi32, #tpu.memory_space<hbm>> -> memref<40x64xi32, #tpu.memory_space<hbm>>
      tpu.wait_dma2 semaphore(%run_scoped3A : memref<!tpu.dma_semaphore, #tpu.memory_space<semaphore_mem>>) src(%dma_wait3A_339 : memref<40x64xi32, #tpu.memory_space<hbm>>) dst(%arg7 : memref<40x64xi32, #tpu.memory_space<vmem>>)
      tpu.yield
    }) : () -> ()
    %dma_start3A_122 = arith.constant 0 : i32
    %dma_start3A_123 = arith.constant 0 : i32
    %dma_start3A_124 = tpu.memref_slice %arg6[%dma_start3A_122, %dma_start3A_123] : memref<40x64xi32, #tpu.memory_space<vmem>> -> memref<1x64xi32, #tpu.memory_space<vmem>>
    %dma_start3A_125 = tpu.memref_squeeze %dma_start3A_124 : memref<1x64xi32, #tpu.memory_space<vmem>> -> memref<64xi32, #tpu.memory_space<vmem>>
    %dma_start3A_126 = arith.constant 0 : i32
    %dma_start3A_127 = arith.constant 0 : i32
    %dma_start3A_128 = tpu.memref_slice %arg2[%dma_start3A_126, %dma_start3A_127] : memref<20000x128xf32, #tpu.memory_space<hbm>> -> memref<20000x128xf32, #tpu.memory_space<hbm>>
    tpu.enqueue_indirect_dma source(%dma_start3A_128 : memref<20000x128xf32, #tpu.memory_space<hbm>>) target(%arg8 : memref<64x128xf32, #tpu.memory_space<vmem>>) offsets(%dma_start3A_125 : memref<64xi32, #tpu.memory_space<vmem>>) semaphore(%arg13 : memref<!tpu.dma_semaphore, #tpu.memory_space<semaphore_mem>>)
    %dma_start3A_129 = arith.constant 1 : i32
    %dma_start3A_130 = arith.constant 0 : i32
    %dma_start3A_131 = tpu.memref_slice %arg6[%dma_start3A_129, %dma_start3A_130] : memref<40x64xi32, #tpu.memory_space<vmem>> -> memref<1x64xi32, #tpu.memory_space<vmem>>
    %dma_start3A_132 = tpu.memref_squeeze %dma_start3A_131 : memref<1x64xi32, #tpu.memory_space<vmem>> -> memref<64xi32, #tpu.memory_space<vmem>>
    %dma_start3A_133 = arith.constant 0 : i32
    %dma_start3A_134 = arith.constant 0 : i32
    %dma_start3A_135 = tpu.memref_slice %arg2[%dma_start3A_133, %dma_start3A_134] : memref<20000x128xf32, #tpu.memory_space<hbm>> -> memref<20000x128xf32, #tpu.memory_space<hbm>>
    tpu.enqueue_indirect_dma source(%dma_start3A_135 : memref<20000x128xf32, #tpu.memory_space<hbm>>) target(%arg9 : memref<64x128xf32, #tpu.memory_space<vmem>>) offsets(%dma_start3A_132 : memref<64xi32, #tpu.memory_space<vmem>>) semaphore(%arg14 : memref<!tpu.dma_semaphore, #tpu.memory_space<semaphore_mem>>)
    %dma_start3A_136 = arith.constant 2 : i32
    %dma_start3A_137 = arith.constant 0 : i32
    %dma_start3A_138 = tpu.memref_slice %arg6[%dma_start3A_136, %dma_start3A_137] : memref<40x64xi32, #tpu.memory_space<vmem>> -> memref<1x64xi32, #tpu.memory_space<vmem>>
    %dma_start3A_139 = tpu.memref_squeeze %dma_start3A_138 : memref<1x64xi32, #tpu.memory_space<vmem>> -> memref<64xi32, #tpu.memory_space<vmem>>
    %dma_start3A_140 = arith.constant 0 : i32
    %dma_start3A_141 = arith.constant 0 : i32
    %dma_start3A_142 = tpu.memref_slice %arg2[%dma_start3A_140, %dma_start3A_141] : memref<20000x128xf32, #tpu.memory_space<hbm>> -> memref<20000x128xf32, #tpu.memory_space<hbm>>
    tpu.enqueue_indirect_dma source(%dma_start3A_142 : memref<20000x128xf32, #tpu.memory_space<hbm>>) target(%arg10 : memref<64x128xf32, #tpu.memory_space<vmem>>) offsets(%dma_start3A_139 : memref<64xi32, #tpu.memory_space<vmem>>) semaphore(%arg15 : memref<!tpu.dma_semaphore, #tpu.memory_space<semaphore_mem>>)
    %dma_start3A_143 = arith.constant 3 : i32
    %dma_start3A_144 = arith.constant 0 : i32
    %dma_start3A_145 = tpu.memref_slice %arg6[%dma_start3A_143, %dma_start3A_144] : memref<40x64xi32, #tpu.memory_space<vmem>> -> memref<1x64xi32, #tpu.memory_space<vmem>>
    %dma_start3A_146 = tpu.memref_squeeze %dma_start3A_145 : memref<1x64xi32, #tpu.memory_space<vmem>> -> memref<64xi32, #tpu.memory_space<vmem>>
    %dma_start3A_147 = arith.constant 0 : i32
    %dma_start3A_148 = arith.constant 0 : i32
    %dma_start3A_149 = tpu.memref_slice %arg2[%dma_start3A_147, %dma_start3A_148] : memref<20000x128xf32, #tpu.memory_space<hbm>> -> memref<20000x128xf32, #tpu.memory_space<hbm>>
    tpu.enqueue_indirect_dma source(%dma_start3A_149 : memref<20000x128xf32, #tpu.memory_space<hbm>>) target(%arg11 : memref<64x128xf32, #tpu.memory_space<vmem>>) offsets(%dma_start3A_146 : memref<64xi32, #tpu.memory_space<vmem>>) semaphore(%arg16 : memref<!tpu.dma_semaphore, #tpu.memory_space<semaphore_mem>>)
    %scan3A_150 = arith.constant 0 : i32
    %scan3A_151 = arith.constant 0 : i32
    %scan3A_152 = arith.constant 10 : i32
    %scan3A_153 = arith.addi %scan3A_151, %scan3A_152 : i32
    %scan3A_154 = arith.constant 1 : i32
    %scan3A_155 = scf.for %scan3A_332 = %scan3A_151 to %scan3A_153 step %scan3A_154 iter_args(%scan3A_333 = %scan3A_150) -> (i32)  : i32 {
      %mul3A_334 = arith.constant 4 : i32
      %mul3A_335 = arith.muli %mul3A_334, %scan3A_332 : i32
      %add3A_336 = arith.constant 0 : i32
      %add3A_337 = arith.addi %mul3A_335, %add3A_336 : i32
      %dma_wait3A_338 = arith.constant 0 : i32
      %dma_wait3A_339 = tpu.memref_slice %arg6[%add3A_337, %dma_wait3A_338] : memref<40x64xi32, #tpu.memory_space<vmem>> -> memref<1x64xi32, #tpu.memory_space<vmem>>
      %dma_wait3A_340 = tpu.memref_squeeze %dma_wait3A_339 : memref<1x64xi32, #tpu.memory_space<vmem>> -> memref<64xi32, #tpu.memory_space<vmem>>
      %dma_wait3A_341 = arith.constant 0 : i32
      %dma_wait3A_342 = arith.constant 0 : i32
      %dma_wait3A_343 = tpu.memref_slice %arg2[%dma_wait3A_341, %dma_wait3A_342] : memref<20000x128xf32, #tpu.memory_space<hbm>> -> memref<20000x128xf32, #tpu.memory_space<hbm>>
      tpu.wait_indirect_dma semaphore(%arg13 : memref<!tpu.dma_semaphore, #tpu.memory_space<semaphore_mem>>) src(%dma_wait3A_343 : memref<20000x128xf32, #tpu.memory_space<hbm>>) dst(%arg8 : memref<64x128xf32, #tpu.memory_space<vmem>>)
      %dma_start3A_344 = arith.constant 0 : i32
      %dma_start3A_345 = tpu.memref_slice %arg7[%add3A_337, %dma_start3A_344] : memref<40x64xi32, #tpu.memory_space<vmem>> -> memref<1x64xi32, #tpu.memory_space<vmem>>
      %dma_start3A_346 = tpu.memref_squeeze %dma_start3A_345 : memref<1x64xi32, #tpu.memory_space<vmem>> -> memref<64xi32, #tpu.memory_space<vmem>>
      %dma_start3A_347 = arith.constant 0 : i32
      %dma_start3A_348 = arith.constant 0 : i32
      %dma_start3A_349 = tpu.memref_slice %arg12[%dma_start3A_347, %dma_start3A_348] : memref<10112x128xf32, #tpu.memory_space<vmem_shared>> -> memref<10112x128xf32, #tpu.memory_space<vmem_shared>>
      tpu.enqueue_indirect_dma source(%arg8 : memref<64x128xf32, #tpu.memory_space<vmem>>) target(%dma_start3A_349 : memref<10112x128xf32, #tpu.memory_space<vmem_shared>>) offsets(%dma_start3A_346 : memref<64xi32, #tpu.memory_space<vmem>>) semaphore(%arg17 : memref<!tpu.dma_semaphore, #tpu.memory_space<semaphore_mem>>) {add = true}
      %add3A_350 = arith.constant 4 : i32
      %add3A_351 = arith.addi %add3A_337, %add3A_350 : i32
      %lt3A = arith.constant 40 : i32
      %lt3A_352 = arith.cmpi slt, %add3A_351, %lt3A : i32
      %convert_element_type3A = arith.extui %lt3A_352 : i1 to i32
      %cond3A = arith.constant 0 : i32
      %cond3A_353 = arith.cmpi ne, %convert_element_type3A, %cond3A : i32
      scf.if %cond3A_353 {
        %dma_wait3A_424 = arith.constant 0 : i32
        %dma_wait3A_425 = tpu.memref_slice %arg7[%add3A_337, %dma_wait3A_424] : memref<40x64xi32, #tpu.memory_space<vmem>> -> memref<1x64xi32, #tpu.memory_space<vmem>>
        %dma_wait3A_426 = tpu.memref_squeeze %dma_wait3A_425 : memref<1x64xi32, #tpu.memory_space<vmem>> -> memref<64xi32, #tpu.memory_space<vmem>>
        %dma_wait3A_427 = arith.constant 0 : i32
        %dma_wait3A_428 = arith.constant 0 : i32
        %dma_wait3A_429 = tpu.memref_slice %arg12[%dma_wait3A_427, %dma_wait3A_428] : memref<10112x128xf32, #tpu.memory_space<vmem_shared>> -> memref<10112x128xf32, #tpu.memory_space<vmem_shared>>
        tpu.wait_indirect_dma semaphore(%arg17 : memref<!tpu.dma_semaphore, #tpu.memory_space<semaphore_mem>>) src(%arg8 : memref<64x128xf32, #tpu.memory_space<vmem>>) dst(%dma_wait3A_429 : memref<10112x128xf32, #tpu.memory_space<vmem_shared>>)
        %add3A_430 = arith.constant 4 : i32
        %add3A_431 = arith.addi %add3A_337, %add3A_430 : i32
        %dma_start3A_432 = arith.constant 0 : i32
        %dma_start3A_433 = tpu.memref_slice %arg6[%add3A_431, %dma_start3A_432] : memref<40x64xi32, #tpu.memory_space<vmem>> -> memref<1x64xi32, #tpu.memory_space<vmem>>
        %dma_start3A_434 = tpu.memref_squeeze %dma_start3A_433 : memref<1x64xi32, #tpu.memory_space<vmem>> -> memref<64xi32, #tpu.memory_space<vmem>>
        %dma_start3A_435 = arith.constant 0 : i32
        %dma_start3A_436 = arith.constant 0 : i32
        %dma_start3A_437 = tpu.memref_slice %arg2[%dma_start3A_435, %dma_start3A_436] : memref<20000x128xf32, #tpu.memory_space<hbm>> -> memref<20000x128xf32, #tpu.memory_space<hbm>>
        tpu.enqueue_indirect_dma source(%dma_start3A_437 : memref<20000x128xf32, #tpu.memory_space<hbm>>) target(%arg8 : memref<64x128xf32, #tpu.memory_space<vmem>>) offsets(%dma_start3A_434 : memref<64xi32, #tpu.memory_space<vmem>>) semaphore(%arg13 : memref<!tpu.dma_semaphore, #tpu.memory_space<semaphore_mem>>)
      } else {
      }
      %mul3A_354 = arith.constant 4 : i32
      %mul3A_355 = arith.muli %mul3A_354, %scan3A_332 : i32
      %add3A_356 = arith.constant 1 : i32
      %add3A_357 = arith.addi %mul3A_355, %add3A_356 : i32
      %dma_wait3A_358 = arith.constant 0 : i32
      %dma_wait3A_359 = tpu.memref_slice %arg6[%add3A_357, %dma_wait3A_358] : memref<40x64xi32, #tpu.memory_space<vmem>> -> memref<1x64xi32, #tpu.memory_space<vmem>>
      %dma_wait3A_360 = tpu.memref_squeeze %dma_wait3A_359 : memref<1x64xi32, #tpu.memory_space<vmem>> -> memref<64xi32, #tpu.memory_space<vmem>>
      %dma_wait3A_361 = arith.constant 0 : i32
      %dma_wait3A_362 = arith.constant 0 : i32
      %dma_wait3A_363 = tpu.memref_slice %arg2[%dma_wait3A_361, %dma_wait3A_362] : memref<20000x128xf32, #tpu.memory_space<hbm>> -> memref<20000x128xf32, #tpu.memory_space<hbm>>
      tpu.wait_indirect_dma semaphore(%arg14 : memref<!tpu.dma_semaphore, #tpu.memory_space<semaphore_mem>>) src(%dma_wait3A_363 : memref<20000x128xf32, #tpu.memory_space<hbm>>) dst(%arg9 : memref<64x128xf32, #tpu.memory_space<vmem>>)
      %dma_start3A_364 = arith.constant 0 : i32
      %dma_start3A_365 = tpu.memref_slice %arg7[%add3A_357, %dma_start3A_364] : memref<40x64xi32, #tpu.memory_space<vmem>> -> memref<1x64xi32, #tpu.memory_space<vmem>>
      %dma_start3A_366 = tpu.memref_squeeze %dma_start3A_365 : memref<1x64xi32, #tpu.memory_space<vmem>> -> memref<64xi32, #tpu.memory_space<vmem>>
      %dma_start3A_367 = arith.constant 0 : i32
      %dma_start3A_368 = arith.constant 0 : i32
      %dma_start3A_369 = tpu.memref_slice %arg12[%dma_start3A_367, %dma_start3A_368] : memref<10112x128xf32, #tpu.memory_space<vmem_shared>> -> memref<10112x128xf32, #tpu.memory_space<vmem_shared>>
      tpu.enqueue_indirect_dma source(%arg9 : memref<64x128xf32, #tpu.memory_space<vmem>>) target(%dma_start3A_369 : memref<10112x128xf32, #tpu.memory_space<vmem_shared>>) offsets(%dma_start3A_366 : memref<64xi32, #tpu.memory_space<vmem>>) semaphore(%arg18 : memref<!tpu.dma_semaphore, #tpu.memory_space<semaphore_mem>>) {add = true}
      %add3A_370 = arith.constant 4 : i32
      %add3A_371 = arith.addi %add3A_357, %add3A_370 : i32
      %lt3A_372 = arith.constant 40 : i32
      %lt3A_373 = arith.cmpi slt, %add3A_371, %lt3A_372 : i32
      %convert_element_type3A_374 = arith.extui %lt3A_373 : i1 to i32
      %cond3A_375 = arith.constant 0 : i32
      %cond3A_376 = arith.cmpi ne, %convert_element_type3A_374, %cond3A_375 : i32
      scf.if %cond3A_376 {
        %dma_wait3A_424 = arith.constant 0 : i32
        %dma_wait3A_425 = tpu.memref_slice %arg7[%add3A_357, %dma_wait3A_424] : memref<40x64xi32, #tpu.memory_space<vmem>> -> memref<1x64xi32, #tpu.memory_space<vmem>>
        %dma_wait3A_426 = tpu.memref_squeeze %dma_wait3A_425 : memref<1x64xi32, #tpu.memory_space<vmem>> -> memref<64xi32, #tpu.memory_space<vmem>>
        %dma_wait3A_427 = arith.constant 0 : i32
        %dma_wait3A_428 = arith.constant 0 : i32
        %dma_wait3A_429 = tpu.memref_slice %arg12[%dma_wait3A_427, %dma_wait3A_428] : memref<10112x128xf32, #tpu.memory_space<vmem_shared>> -> memref<10112x128xf32, #tpu.memory_space<vmem_shared>>
        tpu.wait_indirect_dma semaphore(%arg18 : memref<!tpu.dma_semaphore, #tpu.memory_space<semaphore_mem>>) src(%arg9 : memref<64x128xf32, #tpu.memory_space<vmem>>) dst(%dma_wait3A_429 : memref<10112x128xf32, #tpu.memory_space<vmem_shared>>)
        %add3A_430 = arith.constant 4 : i32
        %add3A_431 = arith.addi %add3A_357, %add3A_430 : i32
        %dma_start3A_432 = arith.constant 0 : i32
        %dma_start3A_433 = tpu.memref_slice %arg6[%add3A_431, %dma_start3A_432] : memref<40x64xi32, #tpu.memory_space<vmem>> -> memref<1x64xi32, #tpu.memory_space<vmem>>
        %dma_start3A_434 = tpu.memref_squeeze %dma_start3A_433 : memref<1x64xi32, #tpu.memory_space<vmem>> -> memref<64xi32, #tpu.memory_space<vmem>>
        %dma_start3A_435 = arith.constant 0 : i32
        %dma_start3A_436 = arith.constant 0 : i32
        %dma_start3A_437 = tpu.memref_slice %arg2[%dma_start3A_435, %dma_start3A_436] : memref<20000x128xf32, #tpu.memory_space<hbm>> -> memref<20000x128xf32, #tpu.memory_space<hbm>>
        tpu.enqueue_indirect_dma source(%dma_start3A_437 : memref<20000x128xf32, #tpu.memory_space<hbm>>) target(%arg9 : memref<64x128xf32, #tpu.memory_space<vmem>>) offsets(%dma_start3A_434 : memref<64xi32, #tpu.memory_space<vmem>>) semaphore(%arg14 : memref<!tpu.dma_semaphore, #tpu.memory_space<semaphore_mem>>)
      } else {
      }
      %mul3A_377 = arith.constant 4 : i32
      %mul3A_378 = arith.muli %mul3A_377, %scan3A_332 : i32
      %add3A_379 = arith.constant 2 : i32
      %add3A_380 = arith.addi %mul3A_378, %add3A_379 : i32
      %dma_wait3A_381 = arith.constant 0 : i32
      %dma_wait3A_382 = tpu.memref_slice %arg6[%add3A_380, %dma_wait3A_381] : memref<40x64xi32, #tpu.memory_space<vmem>> -> memref<1x64xi32, #tpu.memory_space<vmem>>
      %dma_wait3A_383 = tpu.memref_squeeze %dma_wait3A_382 : memref<1x64xi32, #tpu.memory_space<vmem>> -> memref<64xi32, #tpu.memory_space<vmem>>
      %dma_wait3A_384 = arith.constant 0 : i32
      %dma_wait3A_385 = arith.constant 0 : i32
      %dma_wait3A_386 = tpu.memref_slice %arg2[%dma_wait3A_384, %dma_wait3A_385] : memref<20000x128xf32, #tpu.memory_space<hbm>> -> memref<20000x128xf32, #tpu.memory_space<hbm>>
      tpu.wait_indirect_dma semaphore(%arg15 : memref<!tpu.dma_semaphore, #tpu.memory_space<semaphore_mem>>) src(%dma_wait3A_386 : memref<20000x128xf32, #tpu.memory_space<hbm>>) dst(%arg10 : memref<64x128xf32, #tpu.memory_space<vmem>>)
      %dma_start3A_387 = arith.constant 0 : i32
      %dma_start3A_388 = tpu.memref_slice %arg7[%add3A_380, %dma_start3A_387] : memref<40x64xi32, #tpu.memory_space<vmem>> -> memref<1x64xi32, #tpu.memory_space<vmem>>
      %dma_start3A_389 = tpu.memref_squeeze %dma_start3A_388 : memref<1x64xi32, #tpu.memory_space<vmem>> -> memref<64xi32, #tpu.memory_space<vmem>>
      %dma_start3A_390 = arith.constant 0 : i32
      %dma_start3A_391 = arith.constant 0 : i32
      %dma_start3A_392 = tpu.memref_slice %arg12[%dma_start3A_390, %dma_start3A_391] : memref<10112x128xf32, #tpu.memory_space<vmem_shared>> -> memref<10112x128xf32, #tpu.memory_space<vmem_shared>>
      tpu.enqueue_indirect_dma source(%arg10 : memref<64x128xf32, #tpu.memory_space<vmem>>) target(%dma_start3A_392 : memref<10112x128xf32, #tpu.memory_space<vmem_shared>>) offsets(%dma_start3A_389 : memref<64xi32, #tpu.memory_space<vmem>>) semaphore(%arg19 : memref<!tpu.dma_semaphore, #tpu.memory_space<semaphore_mem>>) {add = true}
      %add3A_393 = arith.constant 4 : i32
      %add3A_394 = arith.addi %add3A_380, %add3A_393 : i32
      %lt3A_395 = arith.constant 40 : i32
      %lt3A_396 = arith.cmpi slt, %add3A_394, %lt3A_395 : i32
      %convert_element_type3A_397 = arith.extui %lt3A_396 : i1 to i32
      %cond3A_398 = arith.constant 0 : i32
      %cond3A_399 = arith.cmpi ne, %convert_element_type3A_397, %cond3A_398 : i32
      scf.if %cond3A_399 {
        %dma_wait3A_424 = arith.constant 0 : i32
        %dma_wait3A_425 = tpu.memref_slice %arg7[%add3A_380, %dma_wait3A_424] : memref<40x64xi32, #tpu.memory_space<vmem>> -> memref<1x64xi32, #tpu.memory_space<vmem>>
        %dma_wait3A_426 = tpu.memref_squeeze %dma_wait3A_425 : memref<1x64xi32, #tpu.memory_space<vmem>> -> memref<64xi32, #tpu.memory_space<vmem>>
        %dma_wait3A_427 = arith.constant 0 : i32
        %dma_wait3A_428 = arith.constant 0 : i32
        %dma_wait3A_429 = tpu.memref_slice %arg12[%dma_wait3A_427, %dma_wait3A_428] : memref<10112x128xf32, #tpu.memory_space<vmem_shared>> -> memref<10112x128xf32, #tpu.memory_space<vmem_shared>>
        tpu.wait_indirect_dma semaphore(%arg19 : memref<!tpu.dma_semaphore, #tpu.memory_space<semaphore_mem>>) src(%arg10 : memref<64x128xf32, #tpu.memory_space<vmem>>) dst(%dma_wait3A_429 : memref<10112x128xf32, #tpu.memory_space<vmem_shared>>)
        %add3A_430 = arith.constant 4 : i32
        %add3A_431 = arith.addi %add3A_380, %add3A_430 : i32
        %dma_start3A_432 = arith.constant 0 : i32
        %dma_start3A_433 = tpu.memref_slice %arg6[%add3A_431, %dma_start3A_432] : memref<40x64xi32, #tpu.memory_space<vmem>> -> memref<1x64xi32, #tpu.memory_space<vmem>>
        %dma_start3A_434 = tpu.memref_squeeze %dma_start3A_433 : memref<1x64xi32, #tpu.memory_space<vmem>> -> memref<64xi32, #tpu.memory_space<vmem>>
        %dma_start3A_435 = arith.constant 0 : i32
        %dma_start3A_436 = arith.constant 0 : i32
        %dma_start3A_437 = tpu.memref_slice %arg2[%dma_start3A_435, %dma_start3A_436] : memref<20000x128xf32, #tpu.memory_space<hbm>> -> memref<20000x128xf32, #tpu.memory_space<hbm>>
        tpu.enqueue_indirect_dma source(%dma_start3A_437 : memref<20000x128xf32, #tpu.memory_space<hbm>>) target(%arg10 : memref<64x128xf32, #tpu.memory_space<vmem>>) offsets(%dma_start3A_434 : memref<64xi32, #tpu.memory_space<vmem>>) semaphore(%arg15 : memref<!tpu.dma_semaphore, #tpu.memory_space<semaphore_mem>>)
      } else {
      }
      %mul3A_400 = arith.constant 4 : i32
      %mul3A_401 = arith.muli %mul3A_400, %scan3A_332 : i32
      %add3A_402 = arith.constant 3 : i32
      %add3A_403 = arith.addi %mul3A_401, %add3A_402 : i32
      %dma_wait3A_404 = arith.constant 0 : i32
      %dma_wait3A_405 = tpu.memref_slice %arg6[%add3A_403, %dma_wait3A_404] : memref<40x64xi32, #tpu.memory_space<vmem>> -> memref<1x64xi32, #tpu.memory_space<vmem>>
      %dma_wait3A_406 = tpu.memref_squeeze %dma_wait3A_405 : memref<1x64xi32, #tpu.memory_space<vmem>> -> memref<64xi32, #tpu.memory_space<vmem>>
      %dma_wait3A_407 = arith.constant 0 : i32
      %dma_wait3A_408 = arith.constant 0 : i32
      %dma_wait3A_409 = tpu.memref_slice %arg2[%dma_wait3A_407, %dma_wait3A_408] : memref<20000x128xf32, #tpu.memory_space<hbm>> -> memref<20000x128xf32, #tpu.memory_space<hbm>>
      tpu.wait_indirect_dma semaphore(%arg16 : memref<!tpu.dma_semaphore, #tpu.memory_space<semaphore_mem>>) src(%dma_wait3A_409 : memref<20000x128xf32, #tpu.memory_space<hbm>>) dst(%arg11 : memref<64x128xf32, #tpu.memory_space<vmem>>)
      %dma_start3A_410 = arith.constant 0 : i32
      %dma_start3A_411 = tpu.memref_slice %arg7[%add3A_403, %dma_start3A_410] : memref<40x64xi32, #tpu.memory_space<vmem>> -> memref<1x64xi32, #tpu.memory_space<vmem>>
      %dma_start3A_412 = tpu.memref_squeeze %dma_start3A_411 : memref<1x64xi32, #tpu.memory_space<vmem>> -> memref<64xi32, #tpu.memory_space<vmem>>
      %dma_start3A_413 = arith.constant 0 : i32
      %dma_start3A_414 = arith.constant 0 : i32
      %dma_start3A_415 = tpu.memref_slice %arg12[%dma_start3A_413, %dma_start3A_414] : memref<10112x128xf32, #tpu.memory_space<vmem_shared>> -> memref<10112x128xf32, #tpu.memory_space<vmem_shared>>
      tpu.enqueue_indirect_dma source(%arg11 : memref<64x128xf32, #tpu.memory_space<vmem>>) target(%dma_start3A_415 : memref<10112x128xf32, #tpu.memory_space<vmem_shared>>) offsets(%dma_start3A_412 : memref<64xi32, #tpu.memory_space<vmem>>) semaphore(%arg20 : memref<!tpu.dma_semaphore, #tpu.memory_space<semaphore_mem>>) {add = true}
      %add3A_416 = arith.constant 4 : i32
      %add3A_417 = arith.addi %add3A_403, %add3A_416 : i32
      %lt3A_418 = arith.constant 40 : i32
      %lt3A_419 = arith.cmpi slt, %add3A_417, %lt3A_418 : i32
      %convert_element_type3A_420 = arith.extui %lt3A_419 : i1 to i32
      %cond3A_421 = arith.constant 0 : i32
      %cond3A_422 = arith.cmpi ne, %convert_element_type3A_420, %cond3A_421 : i32
      scf.if %cond3A_422 {
        %dma_wait3A_424 = arith.constant 0 : i32
        %dma_wait3A_425 = tpu.memref_slice %arg7[%add3A_403, %dma_wait3A_424] : memref<40x64xi32, #tpu.memory_space<vmem>> -> memref<1x64xi32, #tpu.memory_space<vmem>>
        %dma_wait3A_426 = tpu.memref_squeeze %dma_wait3A_425 : memref<1x64xi32, #tpu.memory_space<vmem>> -> memref<64xi32, #tpu.memory_space<vmem>>
        %dma_wait3A_427 = arith.constant 0 : i32
        %dma_wait3A_428 = arith.constant 0 : i32
        %dma_wait3A_429 = tpu.memref_slice %arg12[%dma_wait3A_427, %dma_wait3A_428] : memref<10112x128xf32, #tpu.memory_space<vmem_shared>> -> memref<10112x128xf32, #tpu.memory_space<vmem_shared>>
        tpu.wait_indirect_dma semaphore(%arg20 : memref<!tpu.dma_semaphore, #tpu.memory_space<semaphore_mem>>) src(%arg11 : memref<64x128xf32, #tpu.memory_space<vmem>>) dst(%dma_wait3A_429 : memref<10112x128xf32, #tpu.memory_space<vmem_shared>>)
        %add3A_430 = arith.constant 4 : i32
        %add3A_431 = arith.addi %add3A_403, %add3A_430 : i32
        %dma_start3A_432 = arith.constant 0 : i32
        %dma_start3A_433 = tpu.memref_slice %arg6[%add3A_431, %dma_start3A_432] : memref<40x64xi32, #tpu.memory_space<vmem>> -> memref<1x64xi32, #tpu.memory_space<vmem>>
        %dma_start3A_434 = tpu.memref_squeeze %dma_start3A_433 : memref<1x64xi32, #tpu.memory_space<vmem>> -> memref<64xi32, #tpu.memory_space<vmem>>
        %dma_start3A_435 = arith.constant 0 : i32
        %dma_start3A_436 = arith.constant 0 : i32
        %dma_start3A_437 = tpu.memref_slice %arg2[%dma_start3A_435, %dma_start3A_436] : memref<20000x128xf32, #tpu.memory_space<hbm>> -> memref<20000x128xf32, #tpu.memory_space<hbm>>
        tpu.enqueue_indirect_dma source(%dma_start3A_437 : memref<20000x128xf32, #tpu.memory_space<hbm>>) target(%arg11 : memref<64x128xf32, #tpu.memory_space<vmem>>) offsets(%dma_start3A_434 : memref<64xi32, #tpu.memory_space<vmem>>) semaphore(%arg16 : memref<!tpu.dma_semaphore, #tpu.memory_space<semaphore_mem>>)
      } else {
      }
      %scan3A_423 = arith.constant 0 : i32
      scf.yield %scan3A_423 : i32
    }
    %scan3A_156 = arith.constant 10 : i32
    %dma_wait3A_157 = arith.constant 36 : i32
    %dma_wait3A_158 = arith.constant 0 : i32
    %dma_wait3A_159 = tpu.memref_slice %arg7[%dma_wait3A_157, %dma_wait3A_158] : memref<40x64xi32, #tpu.memory_space<vmem>> -> memref<1x64xi32, #tpu.memory_space<vmem>>
    %dma_wait3A_160 = tpu.memref_squeeze %dma_wait3A_159 : memref<1x64xi32, #tpu.memory_space<vmem>> -> memref<64xi32, #tpu.memory_space<vmem>>
    %dma_wait3A_161 = arith.constant 0 : i32
    %dma_wait3A_162 = arith.constant 0 : i32
    %dma_wait3A_163 = tpu.memref_slice %arg12[%dma_wait3A_161, %dma_wait3A_162] : memref<10112x128xf32, #tpu.memory_space<vmem_shared>> -> memref<10112x128xf32, #tpu.memory_space<vmem_shared>>
    tpu.wait_indirect_dma semaphore(%arg17 : memref<!tpu.dma_semaphore, #tpu.memory_space<semaphore_mem>>) src(%arg8 : memref<64x128xf32, #tpu.memory_space<vmem>>) dst(%dma_wait3A_163 : memref<10112x128xf32, #tpu.memory_space<vmem_shared>>)
    %dma_wait3A_164 = arith.constant 37 : i32
    %dma_wait3A_165 = arith.constant 0 : i32
    %dma_wait3A_166 = tpu.memref_slice %arg7[%dma_wait3A_164, %dma_wait3A_165] : memref<40x64xi32, #tpu.memory_space<vmem>> -> memref<1x64xi32, #tpu.memory_space<vmem>>
    %dma_wait3A_167 = tpu.memref_squeeze %dma_wait3A_166 : memref<1x64xi32, #tpu.memory_space<vmem>> -> memref<64xi32, #tpu.memory_space<vmem>>
    %dma_wait3A_168 = arith.constant 0 : i32
    %dma_wait3A_169 = arith.constant 0 : i32
    %dma_wait3A_170 = tpu.memref_slice %arg12[%dma_wait3A_168, %dma_wait3A_169] : memref<10112x128xf32, #tpu.memory_space<vmem_shared>> -> memref<10112x128xf32, #tpu.memory_space<vmem_shared>>
    tpu.wait_indirect_dma semaphore(%arg18 : memref<!tpu.dma_semaphore, #tpu.memory_space<semaphore_mem>>) src(%arg9 : memref<64x128xf32, #tpu.memory_space<vmem>>) dst(%dma_wait3A_170 : memref<10112x128xf32, #tpu.memory_space<vmem_shared>>)
    %dma_wait3A_171 = arith.constant 38 : i32
    %dma_wait3A_172 = arith.constant 0 : i32
    %dma_wait3A_173 = tpu.memref_slice %arg7[%dma_wait3A_171, %dma_wait3A_172] : memref<40x64xi32, #tpu.memory_space<vmem>> -> memref<1x64xi32, #tpu.memory_space<vmem>>
    %dma_wait3A_174 = tpu.memref_squeeze %dma_wait3A_173 : memref<1x64xi32, #tpu.memory_space<vmem>> -> memref<64xi32, #tpu.memory_space<vmem>>
    %dma_wait3A_175 = arith.constant 0 : i32
    %dma_wait3A_176 = arith.constant 0 : i32
    %dma_wait3A_177 = tpu.memref_slice %arg12[%dma_wait3A_175, %dma_wait3A_176] : memref<10112x128xf32, #tpu.memory_space<vmem_shared>> -> memref<10112x128xf32, #tpu.memory_space<vmem_shared>>
    tpu.wait_indirect_dma semaphore(%arg19 : memref<!tpu.dma_semaphore, #tpu.memory_space<semaphore_mem>>) src(%arg10 : memref<64x128xf32, #tpu.memory_space<vmem>>) dst(%dma_wait3A_177 : memref<10112x128xf32, #tpu.memory_space<vmem_shared>>)
    %dma_wait3A_178 = arith.constant 39 : i32
    %dma_wait3A_179 = arith.constant 0 : i32
    %dma_wait3A_180 = tpu.memref_slice %arg7[%dma_wait3A_178, %dma_wait3A_179] : memref<40x64xi32, #tpu.memory_space<vmem>> -> memref<1x64xi32, #tpu.memory_space<vmem>>
    %dma_wait3A_181 = tpu.memref_squeeze %dma_wait3A_180 : memref<1x64xi32, #tpu.memory_space<vmem>> -> memref<64xi32, #tpu.memory_space<vmem>>
    %dma_wait3A_182 = arith.constant 0 : i32
    %dma_wait3A_183 = arith.constant 0 : i32
    %dma_wait3A_184 = tpu.memref_slice %arg12[%dma_wait3A_182, %dma_wait3A_183] : memref<10112x128xf32, #tpu.memory_space<vmem_shared>> -> memref<10112x128xf32, #tpu.memory_space<vmem_shared>>
    tpu.wait_indirect_dma semaphore(%arg20 : memref<!tpu.dma_semaphore, #tpu.memory_space<semaphore_mem>>) src(%arg11 : memref<64x128xf32, #tpu.memory_space<vmem>>) dst(%dma_wait3A_184 : memref<10112x128xf32, #tpu.memory_space<vmem_shared>>)
    %mul3A_185 = arith.constant 160 : i32
    %mul3A_186 = arith.muli %arg1, %mul3A_185 : i32
    %add3A_187 = arith.constant 80 : i32
    %add3A_188 = arith.addi %mul3A_186, %add3A_187 : i32
    "tpu.region"() ({
      %run_scoped3A = tpu.sem_alloc : memref<!tpu.dma_semaphore, #tpu.memory_space<semaphore_mem>>
      %dma_start3A_332 = arith.constant 0 : i32
      %dma_start3A_333 = tpu.memref_slice %arg3[%arg0, %add3A_188, %dma_start3A_332] : memref<2x2560x64xi32, #tpu.memory_space<hbm>> -> memref<1x40x64xi32, #tpu.memory_space<hbm>>
      %dma_start3A_334 = tpu.memref_squeeze %dma_start3A_333 : memref<1x40x64xi32, #tpu.memory_space<hbm>> -> memref<40x64xi32, #tpu.memory_space<hbm>>
      %dma_start3A_335 = arith.constant 0 : i32
      %dma_start3A_336 = tpu.memref_slice %arg3[%arg0, %add3A_188, %dma_start3A_335] : memref<2x2560x64xi32, #tpu.memory_space<hbm>> -> memref<1x40x64xi32, #tpu.memory_space<hbm>>
      %dma_start3A_337 = tpu.memref_squeeze %dma_start3A_336 : memref<1x40x64xi32, #tpu.memory_space<hbm>> -> memref<40x64xi32, #tpu.memory_space<hbm>>
      tpu.enqueue_dma source(%dma_start3A_337 : memref<40x64xi32, #tpu.memory_space<hbm>>) target(%arg6 : memref<40x64xi32, #tpu.memory_space<vmem>>) target_semaphore(%run_scoped3A : memref<!tpu.dma_semaphore, #tpu.memory_space<semaphore_mem>>)
      %dma_wait3A_338 = arith.constant 0 : i32
      %dma_wait3A_339 = tpu.memref_slice %arg3[%arg0, %add3A_188, %dma_wait3A_338] : memref<2x2560x64xi32, #tpu.memory_space<hbm>> -> memref<1x40x64xi32, #tpu.memory_space<hbm>>
      %dma_wait3A_340 = tpu.memref_squeeze %dma_wait3A_339 : memref<1x40x64xi32, #tpu.memory_space<hbm>> -> memref<40x64xi32, #tpu.memory_space<hbm>>
      %dma_wait3A_341 = arith.constant 0 : i32
      %dma_wait3A_342 = tpu.memref_slice %arg3[%arg0, %add3A_188, %dma_wait3A_341] : memref<2x2560x64xi32, #tpu.memory_space<hbm>> -> memref<1x40x64xi32, #tpu.memory_space<hbm>>
      %dma_wait3A_343 = tpu.memref_squeeze %dma_wait3A_342 : memref<1x40x64xi32, #tpu.memory_space<hbm>> -> memref<40x64xi32, #tpu.memory_space<hbm>>
      tpu.wait_dma2 semaphore(%run_scoped3A : memref<!tpu.dma_semaphore, #tpu.memory_space<semaphore_mem>>) src(%dma_wait3A_343 : memref<40x64xi32, #tpu.memory_space<hbm>>) dst(%arg6 : memref<40x64xi32, #tpu.memory_space<vmem>>)
      tpu.yield
    }) : () -> ()
    %mul3A_189 = arith.constant 160 : i32
    %mul3A_190 = arith.muli %arg1, %mul3A_189 : i32
    %add3A_191 = arith.constant 80 : i32
    %add3A_192 = arith.addi %mul3A_190, %add3A_191 : i32
    "tpu.region"() ({
      %run_scoped3A = tpu.sem_alloc : memref<!tpu.dma_semaphore, #tpu.memory_space<semaphore_mem>>
      %dma_start3A_332 = arith.constant 0 : i32
      %dma_start3A_333 = tpu.memref_slice %arg4[%add3A_192, %dma_start3A_332] : memref<2560x64xi32, #tpu.memory_space<hbm>> -> memref<40x64xi32, #tpu.memory_space<hbm>>
      %dma_start3A_334 = arith.constant 0 : i32
      %dma_start3A_335 = tpu.memref_slice %arg4[%add3A_192, %dma_start3A_334] : memref<2560x64xi32, #tpu.memory_space<hbm>> -> memref<40x64xi32, #tpu.memory_space<hbm>>
      tpu.enqueue_dma source(%dma_start3A_335 : memref<40x64xi32, #tpu.memory_space<hbm>>) target(%arg7 : memref<40x64xi32, #tpu.memory_space<vmem>>) target_semaphore(%run_scoped3A : memref<!tpu.dma_semaphore, #tpu.memory_space<semaphore_mem>>)
      %dma_wait3A_336 = arith.constant 0 : i32
      %dma_wait3A_337 = tpu.memref_slice %arg4[%add3A_192, %dma_wait3A_336] : memref<2560x64xi32, #tpu.memory_space<hbm>> -> memref<40x64xi32, #tpu.memory_space<hbm>>
      %dma_wait3A_338 = arith.constant 0 : i32
      %dma_wait3A_339 = tpu.memref_slice %arg4[%add3A_192, %dma_wait3A_338] : memref<2560x64xi32, #tpu.memory_space<hbm>> -> memref<40x64xi32, #tpu.memory_space<hbm>>
      tpu.wait_dma2 semaphore(%run_scoped3A : memref<!tpu.dma_semaphore, #tpu.memory_space<semaphore_mem>>) src(%dma_wait3A_339 : memref<40x64xi32, #tpu.memory_space<hbm>>) dst(%arg7 : memref<40x64xi32, #tpu.memory_space<vmem>>)
      tpu.yield
    }) : () -> ()
    %dma_start3A_193 = arith.constant 0 : i32
    %dma_start3A_194 = arith.constant 0 : i32
    %dma_start3A_195 = tpu.memref_slice %arg6[%dma_start3A_193, %dma_start3A_194] : memref<40x64xi32, #tpu.memory_space<vmem>> -> memref<1x64xi32, #tpu.memory_space<vmem>>
    %dma_start3A_196 = tpu.memref_squeeze %dma_start3A_195 : memref<1x64xi32, #tpu.memory_space<vmem>> -> memref<64xi32, #tpu.memory_space<vmem>>
    %dma_start3A_197 = arith.constant 0 : i32
    %dma_start3A_198 = arith.constant 0 : i32
    %dma_start3A_199 = tpu.memref_slice %arg2[%dma_start3A_197, %dma_start3A_198] : memref<20000x128xf32, #tpu.memory_space<hbm>> -> memref<20000x128xf32, #tpu.memory_space<hbm>>
    tpu.enqueue_indirect_dma source(%dma_start3A_199 : memref<20000x128xf32, #tpu.memory_space<hbm>>) target(%arg8 : memref<64x128xf32, #tpu.memory_space<vmem>>) offsets(%dma_start3A_196 : memref<64xi32, #tpu.memory_space<vmem>>) semaphore(%arg13 : memref<!tpu.dma_semaphore, #tpu.memory_space<semaphore_mem>>)
    %dma_start3A_200 = arith.constant 1 : i32
    %dma_start3A_201 = arith.constant 0 : i32
    %dma_start3A_202 = tpu.memref_slice %arg6[%dma_start3A_200, %dma_start3A_201] : memref<40x64xi32, #tpu.memory_space<vmem>> -> memref<1x64xi32, #tpu.memory_space<vmem>>
    %dma_start3A_203 = tpu.memref_squeeze %dma_start3A_202 : memref<1x64xi32, #tpu.memory_space<vmem>> -> memref<64xi32, #tpu.memory_space<vmem>>
    %dma_start3A_204 = arith.constant 0 : i32
    %dma_start3A_205 = arith.constant 0 : i32
    %dma_start3A_206 = tpu.memref_slice %arg2[%dma_start3A_204, %dma_start3A_205] : memref<20000x128xf32, #tpu.memory_space<hbm>> -> memref<20000x128xf32, #tpu.memory_space<hbm>>
    tpu.enqueue_indirect_dma source(%dma_start3A_206 : memref<20000x128xf32, #tpu.memory_space<hbm>>) target(%arg9 : memref<64x128xf32, #tpu.memory_space<vmem>>) offsets(%dma_start3A_203 : memref<64xi32, #tpu.memory_space<vmem>>) semaphore(%arg14 : memref<!tpu.dma_semaphore, #tpu.memory_space<semaphore_mem>>)
    %dma_start3A_207 = arith.constant 2 : i32
    %dma_start3A_208 = arith.constant 0 : i32
    %dma_start3A_209 = tpu.memref_slice %arg6[%dma_start3A_207, %dma_start3A_208] : memref<40x64xi32, #tpu.memory_space<vmem>> -> memref<1x64xi32, #tpu.memory_space<vmem>>
    %dma_start3A_210 = tpu.memref_squeeze %dma_start3A_209 : memref<1x64xi32, #tpu.memory_space<vmem>> -> memref<64xi32, #tpu.memory_space<vmem>>
    %dma_start3A_211 = arith.constant 0 : i32
    %dma_start3A_212 = arith.constant 0 : i32
    %dma_start3A_213 = tpu.memref_slice %arg2[%dma_start3A_211, %dma_start3A_212] : memref<20000x128xf32, #tpu.memory_space<hbm>> -> memref<20000x128xf32, #tpu.memory_space<hbm>>
    tpu.enqueue_indirect_dma source(%dma_start3A_213 : memref<20000x128xf32, #tpu.memory_space<hbm>>) target(%arg10 : memref<64x128xf32, #tpu.memory_space<vmem>>) offsets(%dma_start3A_210 : memref<64xi32, #tpu.memory_space<vmem>>) semaphore(%arg15 : memref<!tpu.dma_semaphore, #tpu.memory_space<semaphore_mem>>)
    %dma_start3A_214 = arith.constant 3 : i32
    %dma_start3A_215 = arith.constant 0 : i32
    %dma_start3A_216 = tpu.memref_slice %arg6[%dma_start3A_214, %dma_start3A_215] : memref<40x64xi32, #tpu.memory_space<vmem>> -> memref<1x64xi32, #tpu.memory_space<vmem>>
    %dma_start3A_217 = tpu.memref_squeeze %dma_start3A_216 : memref<1x64xi32, #tpu.memory_space<vmem>> -> memref<64xi32, #tpu.memory_space<vmem>>
    %dma_start3A_218 = arith.constant 0 : i32
    %dma_start3A_219 = arith.constant 0 : i32
    %dma_start3A_220 = tpu.memref_slice %arg2[%dma_start3A_218, %dma_start3A_219] : memref<20000x128xf32, #tpu.memory_space<hbm>> -> memref<20000x128xf32, #tpu.memory_space<hbm>>
    tpu.enqueue_indirect_dma source(%dma_start3A_220 : memref<20000x128xf32, #tpu.memory_space<hbm>>) target(%arg11 : memref<64x128xf32, #tpu.memory_space<vmem>>) offsets(%dma_start3A_217 : memref<64xi32, #tpu.memory_space<vmem>>) semaphore(%arg16 : memref<!tpu.dma_semaphore, #tpu.memory_space<semaphore_mem>>)
    %scan3A_221 = arith.constant 0 : i32
    %scan3A_222 = arith.constant 0 : i32
    %scan3A_223 = arith.constant 10 : i32
    %scan3A_224 = arith.addi %scan3A_222, %scan3A_223 : i32
    %scan3A_225 = arith.constant 1 : i32
    %scan3A_226 = scf.for %scan3A_332 = %scan3A_222 to %scan3A_224 step %scan3A_225 iter_args(%scan3A_333 = %scan3A_221) -> (i32)  : i32 {
      %mul3A_334 = arith.constant 4 : i32
      %mul3A_335 = arith.muli %mul3A_334, %scan3A_332 : i32
      %add3A_336 = arith.constant 0 : i32
      %add3A_337 = arith.addi %mul3A_335, %add3A_336 : i32
      %dma_wait3A_338 = arith.constant 0 : i32
      %dma_wait3A_339 = tpu.memref_slice %arg6[%add3A_337, %dma_wait3A_338] : memref<40x64xi32, #tpu.memory_space<vmem>> -> memref<1x64xi32, #tpu.memory_space<vmem>>
      %dma_wait3A_340 = tpu.memref_squeeze %dma_wait3A_339 : memref<1x64xi32, #tpu.memory_space<vmem>> -> memref<64xi32, #tpu.memory_space<vmem>>
      %dma_wait3A_341 = arith.constant 0 : i32
      %dma_wait3A_342 = arith.constant 0 : i32
      %dma_wait3A_343 = tpu.memref_slice %arg2[%dma_wait3A_341, %dma_wait3A_342] : memref<20000x128xf32, #tpu.memory_space<hbm>> -> memref<20000x128xf32, #tpu.memory_space<hbm>>
      tpu.wait_indirect_dma semaphore(%arg13 : memref<!tpu.dma_semaphore, #tpu.memory_space<semaphore_mem>>) src(%dma_wait3A_343 : memref<20000x128xf32, #tpu.memory_space<hbm>>) dst(%arg8 : memref<64x128xf32, #tpu.memory_space<vmem>>)
      %dma_start3A_344 = arith.constant 0 : i32
      %dma_start3A_345 = tpu.memref_slice %arg7[%add3A_337, %dma_start3A_344] : memref<40x64xi32, #tpu.memory_space<vmem>> -> memref<1x64xi32, #tpu.memory_space<vmem>>
      %dma_start3A_346 = tpu.memref_squeeze %dma_start3A_345 : memref<1x64xi32, #tpu.memory_space<vmem>> -> memref<64xi32, #tpu.memory_space<vmem>>
      %dma_start3A_347 = arith.constant 0 : i32
      %dma_start3A_348 = arith.constant 0 : i32
      %dma_start3A_349 = tpu.memref_slice %arg12[%dma_start3A_347, %dma_start3A_348] : memref<10112x128xf32, #tpu.memory_space<vmem_shared>> -> memref<10112x128xf32, #tpu.memory_space<vmem_shared>>
      tpu.enqueue_indirect_dma source(%arg8 : memref<64x128xf32, #tpu.memory_space<vmem>>) target(%dma_start3A_349 : memref<10112x128xf32, #tpu.memory_space<vmem_shared>>) offsets(%dma_start3A_346 : memref<64xi32, #tpu.memory_space<vmem>>) semaphore(%arg17 : memref<!tpu.dma_semaphore, #tpu.memory_space<semaphore_mem>>) {add = true}
      %add3A_350 = arith.constant 4 : i32
      %add3A_351 = arith.addi %add3A_337, %add3A_350 : i32
      %lt3A = arith.constant 40 : i32
      %lt3A_352 = arith.cmpi slt, %add3A_351, %lt3A : i32
      %convert_element_type3A = arith.extui %lt3A_352 : i1 to i32
      %cond3A = arith.constant 0 : i32
      %cond3A_353 = arith.cmpi ne, %convert_element_type3A, %cond3A : i32
      scf.if %cond3A_353 {
        %dma_wait3A_424 = arith.constant 0 : i32
        %dma_wait3A_425 = tpu.memref_slice %arg7[%add3A_337, %dma_wait3A_424] : memref<40x64xi32, #tpu.memory_space<vmem>> -> memref<1x64xi32, #tpu.memory_space<vmem>>
        %dma_wait3A_426 = tpu.memref_squeeze %dma_wait3A_425 : memref<1x64xi32, #tpu.memory_space<vmem>> -> memref<64xi32, #tpu.memory_space<vmem>>
        %dma_wait3A_427 = arith.constant 0 : i32
        %dma_wait3A_428 = arith.constant 0 : i32
        %dma_wait3A_429 = tpu.memref_slice %arg12[%dma_wait3A_427, %dma_wait3A_428] : memref<10112x128xf32, #tpu.memory_space<vmem_shared>> -> memref<10112x128xf32, #tpu.memory_space<vmem_shared>>
        tpu.wait_indirect_dma semaphore(%arg17 : memref<!tpu.dma_semaphore, #tpu.memory_space<semaphore_mem>>) src(%arg8 : memref<64x128xf32, #tpu.memory_space<vmem>>) dst(%dma_wait3A_429 : memref<10112x128xf32, #tpu.memory_space<vmem_shared>>)
        %add3A_430 = arith.constant 4 : i32
        %add3A_431 = arith.addi %add3A_337, %add3A_430 : i32
        %dma_start3A_432 = arith.constant 0 : i32
        %dma_start3A_433 = tpu.memref_slice %arg6[%add3A_431, %dma_start3A_432] : memref<40x64xi32, #tpu.memory_space<vmem>> -> memref<1x64xi32, #tpu.memory_space<vmem>>
        %dma_start3A_434 = tpu.memref_squeeze %dma_start3A_433 : memref<1x64xi32, #tpu.memory_space<vmem>> -> memref<64xi32, #tpu.memory_space<vmem>>
        %dma_start3A_435 = arith.constant 0 : i32
        %dma_start3A_436 = arith.constant 0 : i32
        %dma_start3A_437 = tpu.memref_slice %arg2[%dma_start3A_435, %dma_start3A_436] : memref<20000x128xf32, #tpu.memory_space<hbm>> -> memref<20000x128xf32, #tpu.memory_space<hbm>>
        tpu.enqueue_indirect_dma source(%dma_start3A_437 : memref<20000x128xf32, #tpu.memory_space<hbm>>) target(%arg8 : memref<64x128xf32, #tpu.memory_space<vmem>>) offsets(%dma_start3A_434 : memref<64xi32, #tpu.memory_space<vmem>>) semaphore(%arg13 : memref<!tpu.dma_semaphore, #tpu.memory_space<semaphore_mem>>)
      } else {
      }
      %mul3A_354 = arith.constant 4 : i32
      %mul3A_355 = arith.muli %mul3A_354, %scan3A_332 : i32
      %add3A_356 = arith.constant 1 : i32
      %add3A_357 = arith.addi %mul3A_355, %add3A_356 : i32
      %dma_wait3A_358 = arith.constant 0 : i32
      %dma_wait3A_359 = tpu.memref_slice %arg6[%add3A_357, %dma_wait3A_358] : memref<40x64xi32, #tpu.memory_space<vmem>> -> memref<1x64xi32, #tpu.memory_space<vmem>>
      %dma_wait3A_360 = tpu.memref_squeeze %dma_wait3A_359 : memref<1x64xi32, #tpu.memory_space<vmem>> -> memref<64xi32, #tpu.memory_space<vmem>>
      %dma_wait3A_361 = arith.constant 0 : i32
      %dma_wait3A_362 = arith.constant 0 : i32
      %dma_wait3A_363 = tpu.memref_slice %arg2[%dma_wait3A_361, %dma_wait3A_362] : memref<20000x128xf32, #tpu.memory_space<hbm>> -> memref<20000x128xf32, #tpu.memory_space<hbm>>
      tpu.wait_indirect_dma semaphore(%arg14 : memref<!tpu.dma_semaphore, #tpu.memory_space<semaphore_mem>>) src(%dma_wait3A_363 : memref<20000x128xf32, #tpu.memory_space<hbm>>) dst(%arg9 : memref<64x128xf32, #tpu.memory_space<vmem>>)
      %dma_start3A_364 = arith.constant 0 : i32
      %dma_start3A_365 = tpu.memref_slice %arg7[%add3A_357, %dma_start3A_364] : memref<40x64xi32, #tpu.memory_space<vmem>> -> memref<1x64xi32, #tpu.memory_space<vmem>>
      %dma_start3A_366 = tpu.memref_squeeze %dma_start3A_365 : memref<1x64xi32, #tpu.memory_space<vmem>> -> memref<64xi32, #tpu.memory_space<vmem>>
      %dma_start3A_367 = arith.constant 0 : i32
      %dma_start3A_368 = arith.constant 0 : i32
      %dma_start3A_369 = tpu.memref_slice %arg12[%dma_start3A_367, %dma_start3A_368] : memref<10112x128xf32, #tpu.memory_space<vmem_shared>> -> memref<10112x128xf32, #tpu.memory_space<vmem_shared>>
      tpu.enqueue_indirect_dma source(%arg9 : memref<64x128xf32, #tpu.memory_space<vmem>>) target(%dma_start3A_369 : memref<10112x128xf32, #tpu.memory_space<vmem_shared>>) offsets(%dma_start3A_366 : memref<64xi32, #tpu.memory_space<vmem>>) semaphore(%arg18 : memref<!tpu.dma_semaphore, #tpu.memory_space<semaphore_mem>>) {add = true}
      %add3A_370 = arith.constant 4 : i32
      %add3A_371 = arith.addi %add3A_357, %add3A_370 : i32
      %lt3A_372 = arith.constant 40 : i32
      %lt3A_373 = arith.cmpi slt, %add3A_371, %lt3A_372 : i32
      %convert_element_type3A_374 = arith.extui %lt3A_373 : i1 to i32
      %cond3A_375 = arith.constant 0 : i32
      %cond3A_376 = arith.cmpi ne, %convert_element_type3A_374, %cond3A_375 : i32
      scf.if %cond3A_376 {
        %dma_wait3A_424 = arith.constant 0 : i32
        %dma_wait3A_425 = tpu.memref_slice %arg7[%add3A_357, %dma_wait3A_424] : memref<40x64xi32, #tpu.memory_space<vmem>> -> memref<1x64xi32, #tpu.memory_space<vmem>>
        %dma_wait3A_426 = tpu.memref_squeeze %dma_wait3A_425 : memref<1x64xi32, #tpu.memory_space<vmem>> -> memref<64xi32, #tpu.memory_space<vmem>>
        %dma_wait3A_427 = arith.constant 0 : i32
        %dma_wait3A_428 = arith.constant 0 : i32
        %dma_wait3A_429 = tpu.memref_slice %arg12[%dma_wait3A_427, %dma_wait3A_428] : memref<10112x128xf32, #tpu.memory_space<vmem_shared>> -> memref<10112x128xf32, #tpu.memory_space<vmem_shared>>
        tpu.wait_indirect_dma semaphore(%arg18 : memref<!tpu.dma_semaphore, #tpu.memory_space<semaphore_mem>>) src(%arg9 : memref<64x128xf32, #tpu.memory_space<vmem>>) dst(%dma_wait3A_429 : memref<10112x128xf32, #tpu.memory_space<vmem_shared>>)
        %add3A_430 = arith.constant 4 : i32
        %add3A_431 = arith.addi %add3A_357, %add3A_430 : i32
        %dma_start3A_432 = arith.constant 0 : i32
        %dma_start3A_433 = tpu.memref_slice %arg6[%add3A_431, %dma_start3A_432] : memref<40x64xi32, #tpu.memory_space<vmem>> -> memref<1x64xi32, #tpu.memory_space<vmem>>
        %dma_start3A_434 = tpu.memref_squeeze %dma_start3A_433 : memref<1x64xi32, #tpu.memory_space<vmem>> -> memref<64xi32, #tpu.memory_space<vmem>>
        %dma_start3A_435 = arith.constant 0 : i32
        %dma_start3A_436 = arith.constant 0 : i32
        %dma_start3A_437 = tpu.memref_slice %arg2[%dma_start3A_435, %dma_start3A_436] : memref<20000x128xf32, #tpu.memory_space<hbm>> -> memref<20000x128xf32, #tpu.memory_space<hbm>>
        tpu.enqueue_indirect_dma source(%dma_start3A_437 : memref<20000x128xf32, #tpu.memory_space<hbm>>) target(%arg9 : memref<64x128xf32, #tpu.memory_space<vmem>>) offsets(%dma_start3A_434 : memref<64xi32, #tpu.memory_space<vmem>>) semaphore(%arg14 : memref<!tpu.dma_semaphore, #tpu.memory_space<semaphore_mem>>)
      } else {
      }
      %mul3A_377 = arith.constant 4 : i32
      %mul3A_378 = arith.muli %mul3A_377, %scan3A_332 : i32
      %add3A_379 = arith.constant 2 : i32
      %add3A_380 = arith.addi %mul3A_378, %add3A_379 : i32
      %dma_wait3A_381 = arith.constant 0 : i32
      %dma_wait3A_382 = tpu.memref_slice %arg6[%add3A_380, %dma_wait3A_381] : memref<40x64xi32, #tpu.memory_space<vmem>> -> memref<1x64xi32, #tpu.memory_space<vmem>>
      %dma_wait3A_383 = tpu.memref_squeeze %dma_wait3A_382 : memref<1x64xi32, #tpu.memory_space<vmem>> -> memref<64xi32, #tpu.memory_space<vmem>>
      %dma_wait3A_384 = arith.constant 0 : i32
      %dma_wait3A_385 = arith.constant 0 : i32
      %dma_wait3A_386 = tpu.memref_slice %arg2[%dma_wait3A_384, %dma_wait3A_385] : memref<20000x128xf32, #tpu.memory_space<hbm>> -> memref<20000x128xf32, #tpu.memory_space<hbm>>
      tpu.wait_indirect_dma semaphore(%arg15 : memref<!tpu.dma_semaphore, #tpu.memory_space<semaphore_mem>>) src(%dma_wait3A_386 : memref<20000x128xf32, #tpu.memory_space<hbm>>) dst(%arg10 : memref<64x128xf32, #tpu.memory_space<vmem>>)
      %dma_start3A_387 = arith.constant 0 : i32
      %dma_start3A_388 = tpu.memref_slice %arg7[%add3A_380, %dma_start3A_387] : memref<40x64xi32, #tpu.memory_space<vmem>> -> memref<1x64xi32, #tpu.memory_space<vmem>>
      %dma_start3A_389 = tpu.memref_squeeze %dma_start3A_388 : memref<1x64xi32, #tpu.memory_space<vmem>> -> memref<64xi32, #tpu.memory_space<vmem>>
      %dma_start3A_390 = arith.constant 0 : i32
      %dma_start3A_391 = arith.constant 0 : i32
      %dma_start3A_392 = tpu.memref_slice %arg12[%dma_start3A_390, %dma_start3A_391] : memref<10112x128xf32, #tpu.memory_space<vmem_shared>> -> memref<10112x128xf32, #tpu.memory_space<vmem_shared>>
      tpu.enqueue_indirect_dma source(%arg10 : memref<64x128xf32, #tpu.memory_space<vmem>>) target(%dma_start3A_392 : memref<10112x128xf32, #tpu.memory_space<vmem_shared>>) offsets(%dma_start3A_389 : memref<64xi32, #tpu.memory_space<vmem>>) semaphore(%arg19 : memref<!tpu.dma_semaphore, #tpu.memory_space<semaphore_mem>>) {add = true}
      %add3A_393 = arith.constant 4 : i32
      %add3A_394 = arith.addi %add3A_380, %add3A_393 : i32
      %lt3A_395 = arith.constant 40 : i32
      %lt3A_396 = arith.cmpi slt, %add3A_394, %lt3A_395 : i32
      %convert_element_type3A_397 = arith.extui %lt3A_396 : i1 to i32
      %cond3A_398 = arith.constant 0 : i32
      %cond3A_399 = arith.cmpi ne, %convert_element_type3A_397, %cond3A_398 : i32
      scf.if %cond3A_399 {
        %dma_wait3A_424 = arith.constant 0 : i32
        %dma_wait3A_425 = tpu.memref_slice %arg7[%add3A_380, %dma_wait3A_424] : memref<40x64xi32, #tpu.memory_space<vmem>> -> memref<1x64xi32, #tpu.memory_space<vmem>>
        %dma_wait3A_426 = tpu.memref_squeeze %dma_wait3A_425 : memref<1x64xi32, #tpu.memory_space<vmem>> -> memref<64xi32, #tpu.memory_space<vmem>>
        %dma_wait3A_427 = arith.constant 0 : i32
        %dma_wait3A_428 = arith.constant 0 : i32
        %dma_wait3A_429 = tpu.memref_slice %arg12[%dma_wait3A_427, %dma_wait3A_428] : memref<10112x128xf32, #tpu.memory_space<vmem_shared>> -> memref<10112x128xf32, #tpu.memory_space<vmem_shared>>
        tpu.wait_indirect_dma semaphore(%arg19 : memref<!tpu.dma_semaphore, #tpu.memory_space<semaphore_mem>>) src(%arg10 : memref<64x128xf32, #tpu.memory_space<vmem>>) dst(%dma_wait3A_429 : memref<10112x128xf32, #tpu.memory_space<vmem_shared>>)
        %add3A_430 = arith.constant 4 : i32
        %add3A_431 = arith.addi %add3A_380, %add3A_430 : i32
        %dma_start3A_432 = arith.constant 0 : i32
        %dma_start3A_433 = tpu.memref_slice %arg6[%add3A_431, %dma_start3A_432] : memref<40x64xi32, #tpu.memory_space<vmem>> -> memref<1x64xi32, #tpu.memory_space<vmem>>
        %dma_start3A_434 = tpu.memref_squeeze %dma_start3A_433 : memref<1x64xi32, #tpu.memory_space<vmem>> -> memref<64xi32, #tpu.memory_space<vmem>>
        %dma_start3A_435 = arith.constant 0 : i32
        %dma_start3A_436 = arith.constant 0 : i32
        %dma_start3A_437 = tpu.memref_slice %arg2[%dma_start3A_435, %dma_start3A_436] : memref<20000x128xf32, #tpu.memory_space<hbm>> -> memref<20000x128xf32, #tpu.memory_space<hbm>>
        tpu.enqueue_indirect_dma source(%dma_start3A_437 : memref<20000x128xf32, #tpu.memory_space<hbm>>) target(%arg10 : memref<64x128xf32, #tpu.memory_space<vmem>>) offsets(%dma_start3A_434 : memref<64xi32, #tpu.memory_space<vmem>>) semaphore(%arg15 : memref<!tpu.dma_semaphore, #tpu.memory_space<semaphore_mem>>)
      } else {
      }
      %mul3A_400 = arith.constant 4 : i32
      %mul3A_401 = arith.muli %mul3A_400, %scan3A_332 : i32
      %add3A_402 = arith.constant 3 : i32
      %add3A_403 = arith.addi %mul3A_401, %add3A_402 : i32
      %dma_wait3A_404 = arith.constant 0 : i32
      %dma_wait3A_405 = tpu.memref_slice %arg6[%add3A_403, %dma_wait3A_404] : memref<40x64xi32, #tpu.memory_space<vmem>> -> memref<1x64xi32, #tpu.memory_space<vmem>>
      %dma_wait3A_406 = tpu.memref_squeeze %dma_wait3A_405 : memref<1x64xi32, #tpu.memory_space<vmem>> -> memref<64xi32, #tpu.memory_space<vmem>>
      %dma_wait3A_407 = arith.constant 0 : i32
      %dma_wait3A_408 = arith.constant 0 : i32
      %dma_wait3A_409 = tpu.memref_slice %arg2[%dma_wait3A_407, %dma_wait3A_408] : memref<20000x128xf32, #tpu.memory_space<hbm>> -> memref<20000x128xf32, #tpu.memory_space<hbm>>
      tpu.wait_indirect_dma semaphore(%arg16 : memref<!tpu.dma_semaphore, #tpu.memory_space<semaphore_mem>>) src(%dma_wait3A_409 : memref<20000x128xf32, #tpu.memory_space<hbm>>) dst(%arg11 : memref<64x128xf32, #tpu.memory_space<vmem>>)
      %dma_start3A_410 = arith.constant 0 : i32
      %dma_start3A_411 = tpu.memref_slice %arg7[%add3A_403, %dma_start3A_410] : memref<40x64xi32, #tpu.memory_space<vmem>> -> memref<1x64xi32, #tpu.memory_space<vmem>>
      %dma_start3A_412 = tpu.memref_squeeze %dma_start3A_411 : memref<1x64xi32, #tpu.memory_space<vmem>> -> memref<64xi32, #tpu.memory_space<vmem>>
      %dma_start3A_413 = arith.constant 0 : i32
      %dma_start3A_414 = arith.constant 0 : i32
      %dma_start3A_415 = tpu.memref_slice %arg12[%dma_start3A_413, %dma_start3A_414] : memref<10112x128xf32, #tpu.memory_space<vmem_shared>> -> memref<10112x128xf32, #tpu.memory_space<vmem_shared>>
      tpu.enqueue_indirect_dma source(%arg11 : memref<64x128xf32, #tpu.memory_space<vmem>>) target(%dma_start3A_415 : memref<10112x128xf32, #tpu.memory_space<vmem_shared>>) offsets(%dma_start3A_412 : memref<64xi32, #tpu.memory_space<vmem>>) semaphore(%arg20 : memref<!tpu.dma_semaphore, #tpu.memory_space<semaphore_mem>>) {add = true}
      %add3A_416 = arith.constant 4 : i32
      %add3A_417 = arith.addi %add3A_403, %add3A_416 : i32
      %lt3A_418 = arith.constant 40 : i32
      %lt3A_419 = arith.cmpi slt, %add3A_417, %lt3A_418 : i32
      %convert_element_type3A_420 = arith.extui %lt3A_419 : i1 to i32
      %cond3A_421 = arith.constant 0 : i32
      %cond3A_422 = arith.cmpi ne, %convert_element_type3A_420, %cond3A_421 : i32
      scf.if %cond3A_422 {
        %dma_wait3A_424 = arith.constant 0 : i32
        %dma_wait3A_425 = tpu.memref_slice %arg7[%add3A_403, %dma_wait3A_424] : memref<40x64xi32, #tpu.memory_space<vmem>> -> memref<1x64xi32, #tpu.memory_space<vmem>>
        %dma_wait3A_426 = tpu.memref_squeeze %dma_wait3A_425 : memref<1x64xi32, #tpu.memory_space<vmem>> -> memref<64xi32, #tpu.memory_space<vmem>>
        %dma_wait3A_427 = arith.constant 0 : i32
        %dma_wait3A_428 = arith.constant 0 : i32
        %dma_wait3A_429 = tpu.memref_slice %arg12[%dma_wait3A_427, %dma_wait3A_428] : memref<10112x128xf32, #tpu.memory_space<vmem_shared>> -> memref<10112x128xf32, #tpu.memory_space<vmem_shared>>
        tpu.wait_indirect_dma semaphore(%arg20 : memref<!tpu.dma_semaphore, #tpu.memory_space<semaphore_mem>>) src(%arg11 : memref<64x128xf32, #tpu.memory_space<vmem>>) dst(%dma_wait3A_429 : memref<10112x128xf32, #tpu.memory_space<vmem_shared>>)
        %add3A_430 = arith.constant 4 : i32
        %add3A_431 = arith.addi %add3A_403, %add3A_430 : i32
        %dma_start3A_432 = arith.constant 0 : i32
        %dma_start3A_433 = tpu.memref_slice %arg6[%add3A_431, %dma_start3A_432] : memref<40x64xi32, #tpu.memory_space<vmem>> -> memref<1x64xi32, #tpu.memory_space<vmem>>
        %dma_start3A_434 = tpu.memref_squeeze %dma_start3A_433 : memref<1x64xi32, #tpu.memory_space<vmem>> -> memref<64xi32, #tpu.memory_space<vmem>>
        %dma_start3A_435 = arith.constant 0 : i32
        %dma_start3A_436 = arith.constant 0 : i32
        %dma_start3A_437 = tpu.memref_slice %arg2[%dma_start3A_435, %dma_start3A_436] : memref<20000x128xf32, #tpu.memory_space<hbm>> -> memref<20000x128xf32, #tpu.memory_space<hbm>>
        tpu.enqueue_indirect_dma source(%dma_start3A_437 : memref<20000x128xf32, #tpu.memory_space<hbm>>) target(%arg11 : memref<64x128xf32, #tpu.memory_space<vmem>>) offsets(%dma_start3A_434 : memref<64xi32, #tpu.memory_space<vmem>>) semaphore(%arg16 : memref<!tpu.dma_semaphore, #tpu.memory_space<semaphore_mem>>)
      } else {
      }
      %scan3A_423 = arith.constant 0 : i32
      scf.yield %scan3A_423 : i32
    }
    %scan3A_227 = arith.constant 10 : i32
    %dma_wait3A_228 = arith.constant 36 : i32
    %dma_wait3A_229 = arith.constant 0 : i32
    %dma_wait3A_230 = tpu.memref_slice %arg7[%dma_wait3A_228, %dma_wait3A_229] : memref<40x64xi32, #tpu.memory_space<vmem>> -> memref<1x64xi32, #tpu.memory_space<vmem>>
    %dma_wait3A_231 = tpu.memref_squeeze %dma_wait3A_230 : memref<1x64xi32, #tpu.memory_space<vmem>> -> memref<64xi32, #tpu.memory_space<vmem>>
    %dma_wait3A_232 = arith.constant 0 : i32
    %dma_wait3A_233 = arith.constant 0 : i32
    %dma_wait3A_234 = tpu.memref_slice %arg12[%dma_wait3A_232, %dma_wait3A_233] : memref<10112x128xf32, #tpu.memory_space<vmem_shared>> -> memref<10112x128xf32, #tpu.memory_space<vmem_shared>>
    tpu.wait_indirect_dma semaphore(%arg17 : memref<!tpu.dma_semaphore, #tpu.memory_space<semaphore_mem>>) src(%arg8 : memref<64x128xf32, #tpu.memory_space<vmem>>) dst(%dma_wait3A_234 : memref<10112x128xf32, #tpu.memory_space<vmem_shared>>)
    %dma_wait3A_235 = arith.constant 37 : i32
    %dma_wait3A_236 = arith.constant 0 : i32
    %dma_wait3A_237 = tpu.memref_slice %arg7[%dma_wait3A_235, %dma_wait3A_236] : memref<40x64xi32, #tpu.memory_space<vmem>> -> memref<1x64xi32, #tpu.memory_space<vmem>>
    %dma_wait3A_238 = tpu.memref_squeeze %dma_wait3A_237 : memref<1x64xi32, #tpu.memory_space<vmem>> -> memref<64xi32, #tpu.memory_space<vmem>>
    %dma_wait3A_239 = arith.constant 0 : i32
    %dma_wait3A_240 = arith.constant 0 : i32
    %dma_wait3A_241 = tpu.memref_slice %arg12[%dma_wait3A_239, %dma_wait3A_240] : memref<10112x128xf32, #tpu.memory_space<vmem_shared>> -> memref<10112x128xf32, #tpu.memory_space<vmem_shared>>
    tpu.wait_indirect_dma semaphore(%arg18 : memref<!tpu.dma_semaphore, #tpu.memory_space<semaphore_mem>>) src(%arg9 : memref<64x128xf32, #tpu.memory_space<vmem>>) dst(%dma_wait3A_241 : memref<10112x128xf32, #tpu.memory_space<vmem_shared>>)
    %dma_wait3A_242 = arith.constant 38 : i32
    %dma_wait3A_243 = arith.constant 0 : i32
    %dma_wait3A_244 = tpu.memref_slice %arg7[%dma_wait3A_242, %dma_wait3A_243] : memref<40x64xi32, #tpu.memory_space<vmem>> -> memref<1x64xi32, #tpu.memory_space<vmem>>
    %dma_wait3A_245 = tpu.memref_squeeze %dma_wait3A_244 : memref<1x64xi32, #tpu.memory_space<vmem>> -> memref<64xi32, #tpu.memory_space<vmem>>
    %dma_wait3A_246 = arith.constant 0 : i32
    %dma_wait3A_247 = arith.constant 0 : i32
    %dma_wait3A_248 = tpu.memref_slice %arg12[%dma_wait3A_246, %dma_wait3A_247] : memref<10112x128xf32, #tpu.memory_space<vmem_shared>> -> memref<10112x128xf32, #tpu.memory_space<vmem_shared>>
    tpu.wait_indirect_dma semaphore(%arg19 : memref<!tpu.dma_semaphore, #tpu.memory_space<semaphore_mem>>) src(%arg10 : memref<64x128xf32, #tpu.memory_space<vmem>>) dst(%dma_wait3A_248 : memref<10112x128xf32, #tpu.memory_space<vmem_shared>>)
    %dma_wait3A_249 = arith.constant 39 : i32
    %dma_wait3A_250 = arith.constant 0 : i32
    %dma_wait3A_251 = tpu.memref_slice %arg7[%dma_wait3A_249, %dma_wait3A_250] : memref<40x64xi32, #tpu.memory_space<vmem>> -> memref<1x64xi32, #tpu.memory_space<vmem>>
    %dma_wait3A_252 = tpu.memref_squeeze %dma_wait3A_251 : memref<1x64xi32, #tpu.memory_space<vmem>> -> memref<64xi32, #tpu.memory_space<vmem>>
    %dma_wait3A_253 = arith.constant 0 : i32
    %dma_wait3A_254 = arith.constant 0 : i32
    %dma_wait3A_255 = tpu.memref_slice %arg12[%dma_wait3A_253, %dma_wait3A_254] : memref<10112x128xf32, #tpu.memory_space<vmem_shared>> -> memref<10112x128xf32, #tpu.memory_space<vmem_shared>>
    tpu.wait_indirect_dma semaphore(%arg20 : memref<!tpu.dma_semaphore, #tpu.memory_space<semaphore_mem>>) src(%arg11 : memref<64x128xf32, #tpu.memory_space<vmem>>) dst(%dma_wait3A_255 : memref<10112x128xf32, #tpu.memory_space<vmem_shared>>)
    %mul3A_256 = arith.constant 160 : i32
    %mul3A_257 = arith.muli %arg1, %mul3A_256 : i32
    %add3A_258 = arith.constant 120 : i32
    %add3A_259 = arith.addi %mul3A_257, %add3A_258 : i32
    "tpu.region"() ({
      %run_scoped3A = tpu.sem_alloc : memref<!tpu.dma_semaphore, #tpu.memory_space<semaphore_mem>>
      %dma_start3A_332 = arith.constant 0 : i32
      %dma_start3A_333 = tpu.memref_slice %arg3[%arg0, %add3A_259, %dma_start3A_332] : memref<2x2560x64xi32, #tpu.memory_space<hbm>> -> memref<1x40x64xi32, #tpu.memory_space<hbm>>
      %dma_start3A_334 = tpu.memref_squeeze %dma_start3A_333 : memref<1x40x64xi32, #tpu.memory_space<hbm>> -> memref<40x64xi32, #tpu.memory_space<hbm>>
      %dma_start3A_335 = arith.constant 0 : i32
      %dma_start3A_336 = tpu.memref_slice %arg3[%arg0, %add3A_259, %dma_start3A_335] : memref<2x2560x64xi32, #tpu.memory_space<hbm>> -> memref<1x40x64xi32, #tpu.memory_space<hbm>>
      %dma_start3A_337 = tpu.memref_squeeze %dma_start3A_336 : memref<1x40x64xi32, #tpu.memory_space<hbm>> -> memref<40x64xi32, #tpu.memory_space<hbm>>
      tpu.enqueue_dma source(%dma_start3A_337 : memref<40x64xi32, #tpu.memory_space<hbm>>) target(%arg6 : memref<40x64xi32, #tpu.memory_space<vmem>>) target_semaphore(%run_scoped3A : memref<!tpu.dma_semaphore, #tpu.memory_space<semaphore_mem>>)
      %dma_wait3A_338 = arith.constant 0 : i32
      %dma_wait3A_339 = tpu.memref_slice %arg3[%arg0, %add3A_259, %dma_wait3A_338] : memref<2x2560x64xi32, #tpu.memory_space<hbm>> -> memref<1x40x64xi32, #tpu.memory_space<hbm>>
      %dma_wait3A_340 = tpu.memref_squeeze %dma_wait3A_339 : memref<1x40x64xi32, #tpu.memory_space<hbm>> -> memref<40x64xi32, #tpu.memory_space<hbm>>
      %dma_wait3A_341 = arith.constant 0 : i32
      %dma_wait3A_342 = tpu.memref_slice %arg3[%arg0, %add3A_259, %dma_wait3A_341] : memref<2x2560x64xi32, #tpu.memory_space<hbm>> -> memref<1x40x64xi32, #tpu.memory_space<hbm>>
      %dma_wait3A_343 = tpu.memref_squeeze %dma_wait3A_342 : memref<1x40x64xi32, #tpu.memory_space<hbm>> -> memref<40x64xi32, #tpu.memory_space<hbm>>
      tpu.wait_dma2 semaphore(%run_scoped3A : memref<!tpu.dma_semaphore, #tpu.memory_space<semaphore_mem>>) src(%dma_wait3A_343 : memref<40x64xi32, #tpu.memory_space<hbm>>) dst(%arg6 : memref<40x64xi32, #tpu.memory_space<vmem>>)
      tpu.yield
    }) : () -> ()
    %mul3A_260 = arith.constant 160 : i32
    %mul3A_261 = arith.muli %arg1, %mul3A_260 : i32
    %add3A_262 = arith.constant 120 : i32
    %add3A_263 = arith.addi %mul3A_261, %add3A_262 : i32
    "tpu.region"() ({
      %run_scoped3A = tpu.sem_alloc : memref<!tpu.dma_semaphore, #tpu.memory_space<semaphore_mem>>
      %dma_start3A_332 = arith.constant 0 : i32
      %dma_start3A_333 = tpu.memref_slice %arg4[%add3A_263, %dma_start3A_332] : memref<2560x64xi32, #tpu.memory_space<hbm>> -> memref<40x64xi32, #tpu.memory_space<hbm>>
      %dma_start3A_334 = arith.constant 0 : i32
      %dma_start3A_335 = tpu.memref_slice %arg4[%add3A_263, %dma_start3A_334] : memref<2560x64xi32, #tpu.memory_space<hbm>> -> memref<40x64xi32, #tpu.memory_space<hbm>>
      tpu.enqueue_dma source(%dma_start3A_335 : memref<40x64xi32, #tpu.memory_space<hbm>>) target(%arg7 : memref<40x64xi32, #tpu.memory_space<vmem>>) target_semaphore(%run_scoped3A : memref<!tpu.dma_semaphore, #tpu.memory_space<semaphore_mem>>)
      %dma_wait3A_336 = arith.constant 0 : i32
      %dma_wait3A_337 = tpu.memref_slice %arg4[%add3A_263, %dma_wait3A_336] : memref<2560x64xi32, #tpu.memory_space<hbm>> -> memref<40x64xi32, #tpu.memory_space<hbm>>
      %dma_wait3A_338 = arith.constant 0 : i32
      %dma_wait3A_339 = tpu.memref_slice %arg4[%add3A_263, %dma_wait3A_338] : memref<2560x64xi32, #tpu.memory_space<hbm>> -> memref<40x64xi32, #tpu.memory_space<hbm>>
      tpu.wait_dma2 semaphore(%run_scoped3A : memref<!tpu.dma_semaphore, #tpu.memory_space<semaphore_mem>>) src(%dma_wait3A_339 : memref<40x64xi32, #tpu.memory_space<hbm>>) dst(%arg7 : memref<40x64xi32, #tpu.memory_space<vmem>>)
      tpu.yield
    }) : () -> ()
    %dma_start3A_264 = arith.constant 0 : i32
    %dma_start3A_265 = arith.constant 0 : i32
    %dma_start3A_266 = tpu.memref_slice %arg6[%dma_start3A_264, %dma_start3A_265] : memref<40x64xi32, #tpu.memory_space<vmem>> -> memref<1x64xi32, #tpu.memory_space<vmem>>
    %dma_start3A_267 = tpu.memref_squeeze %dma_start3A_266 : memref<1x64xi32, #tpu.memory_space<vmem>> -> memref<64xi32, #tpu.memory_space<vmem>>
    %dma_start3A_268 = arith.constant 0 : i32
    %dma_start3A_269 = arith.constant 0 : i32
    %dma_start3A_270 = tpu.memref_slice %arg2[%dma_start3A_268, %dma_start3A_269] : memref<20000x128xf32, #tpu.memory_space<hbm>> -> memref<20000x128xf32, #tpu.memory_space<hbm>>
    tpu.enqueue_indirect_dma source(%dma_start3A_270 : memref<20000x128xf32, #tpu.memory_space<hbm>>) target(%arg8 : memref<64x128xf32, #tpu.memory_space<vmem>>) offsets(%dma_start3A_267 : memref<64xi32, #tpu.memory_space<vmem>>) semaphore(%arg13 : memref<!tpu.dma_semaphore, #tpu.memory_space<semaphore_mem>>)
    %dma_start3A_271 = arith.constant 1 : i32
    %dma_start3A_272 = arith.constant 0 : i32
    %dma_start3A_273 = tpu.memref_slice %arg6[%dma_start3A_271, %dma_start3A_272] : memref<40x64xi32, #tpu.memory_space<vmem>> -> memref<1x64xi32, #tpu.memory_space<vmem>>
    %dma_start3A_274 = tpu.memref_squeeze %dma_start3A_273 : memref<1x64xi32, #tpu.memory_space<vmem>> -> memref<64xi32, #tpu.memory_space<vmem>>
    %dma_start3A_275 = arith.constant 0 : i32
    %dma_start3A_276 = arith.constant 0 : i32
    %dma_start3A_277 = tpu.memref_slice %arg2[%dma_start3A_275, %dma_start3A_276] : memref<20000x128xf32, #tpu.memory_space<hbm>> -> memref<20000x128xf32, #tpu.memory_space<hbm>>
    tpu.enqueue_indirect_dma source(%dma_start3A_277 : memref<20000x128xf32, #tpu.memory_space<hbm>>) target(%arg9 : memref<64x128xf32, #tpu.memory_space<vmem>>) offsets(%dma_start3A_274 : memref<64xi32, #tpu.memory_space<vmem>>) semaphore(%arg14 : memref<!tpu.dma_semaphore, #tpu.memory_space<semaphore_mem>>)
    %dma_start3A_278 = arith.constant 2 : i32
    %dma_start3A_279 = arith.constant 0 : i32
    %dma_start3A_280 = tpu.memref_slice %arg6[%dma_start3A_278, %dma_start3A_279] : memref<40x64xi32, #tpu.memory_space<vmem>> -> memref<1x64xi32, #tpu.memory_space<vmem>>
    %dma_start3A_281 = tpu.memref_squeeze %dma_start3A_280 : memref<1x64xi32, #tpu.memory_space<vmem>> -> memref<64xi32, #tpu.memory_space<vmem>>
    %dma_start3A_282 = arith.constant 0 : i32
    %dma_start3A_283 = arith.constant 0 : i32
    %dma_start3A_284 = tpu.memref_slice %arg2[%dma_start3A_282, %dma_start3A_283] : memref<20000x128xf32, #tpu.memory_space<hbm>> -> memref<20000x128xf32, #tpu.memory_space<hbm>>
    tpu.enqueue_indirect_dma source(%dma_start3A_284 : memref<20000x128xf32, #tpu.memory_space<hbm>>) target(%arg10 : memref<64x128xf32, #tpu.memory_space<vmem>>) offsets(%dma_start3A_281 : memref<64xi32, #tpu.memory_space<vmem>>) semaphore(%arg15 : memref<!tpu.dma_semaphore, #tpu.memory_space<semaphore_mem>>)
    %dma_start3A_285 = arith.constant 3 : i32
    %dma_start3A_286 = arith.constant 0 : i32
    %dma_start3A_287 = tpu.memref_slice %arg6[%dma_start3A_285, %dma_start3A_286] : memref<40x64xi32, #tpu.memory_space<vmem>> -> memref<1x64xi32, #tpu.memory_space<vmem>>
    %dma_start3A_288 = tpu.memref_squeeze %dma_start3A_287 : memref<1x64xi32, #tpu.memory_space<vmem>> -> memref<64xi32, #tpu.memory_space<vmem>>
    %dma_start3A_289 = arith.constant 0 : i32
    %dma_start3A_290 = arith.constant 0 : i32
    %dma_start3A_291 = tpu.memref_slice %arg2[%dma_start3A_289, %dma_start3A_290] : memref<20000x128xf32, #tpu.memory_space<hbm>> -> memref<20000x128xf32, #tpu.memory_space<hbm>>
    tpu.enqueue_indirect_dma source(%dma_start3A_291 : memref<20000x128xf32, #tpu.memory_space<hbm>>) target(%arg11 : memref<64x128xf32, #tpu.memory_space<vmem>>) offsets(%dma_start3A_288 : memref<64xi32, #tpu.memory_space<vmem>>) semaphore(%arg16 : memref<!tpu.dma_semaphore, #tpu.memory_space<semaphore_mem>>)
    %scan3A_292 = arith.constant 0 : i32
    %scan3A_293 = arith.constant 0 : i32
    %scan3A_294 = arith.constant 10 : i32
    %scan3A_295 = arith.addi %scan3A_293, %scan3A_294 : i32
    %scan3A_296 = arith.constant 1 : i32
    %scan3A_297 = scf.for %scan3A_332 = %scan3A_293 to %scan3A_295 step %scan3A_296 iter_args(%scan3A_333 = %scan3A_292) -> (i32)  : i32 {
      %mul3A_334 = arith.constant 4 : i32
      %mul3A_335 = arith.muli %mul3A_334, %scan3A_332 : i32
      %add3A_336 = arith.constant 0 : i32
      %add3A_337 = arith.addi %mul3A_335, %add3A_336 : i32
      %dma_wait3A_338 = arith.constant 0 : i32
      %dma_wait3A_339 = tpu.memref_slice %arg6[%add3A_337, %dma_wait3A_338] : memref<40x64xi32, #tpu.memory_space<vmem>> -> memref<1x64xi32, #tpu.memory_space<vmem>>
      %dma_wait3A_340 = tpu.memref_squeeze %dma_wait3A_339 : memref<1x64xi32, #tpu.memory_space<vmem>> -> memref<64xi32, #tpu.memory_space<vmem>>
      %dma_wait3A_341 = arith.constant 0 : i32
      %dma_wait3A_342 = arith.constant 0 : i32
      %dma_wait3A_343 = tpu.memref_slice %arg2[%dma_wait3A_341, %dma_wait3A_342] : memref<20000x128xf32, #tpu.memory_space<hbm>> -> memref<20000x128xf32, #tpu.memory_space<hbm>>
      tpu.wait_indirect_dma semaphore(%arg13 : memref<!tpu.dma_semaphore, #tpu.memory_space<semaphore_mem>>) src(%dma_wait3A_343 : memref<20000x128xf32, #tpu.memory_space<hbm>>) dst(%arg8 : memref<64x128xf32, #tpu.memory_space<vmem>>)
      %dma_start3A_344 = arith.constant 0 : i32
      %dma_start3A_345 = tpu.memref_slice %arg7[%add3A_337, %dma_start3A_344] : memref<40x64xi32, #tpu.memory_space<vmem>> -> memref<1x64xi32, #tpu.memory_space<vmem>>
      %dma_start3A_346 = tpu.memref_squeeze %dma_start3A_345 : memref<1x64xi32, #tpu.memory_space<vmem>> -> memref<64xi32, #tpu.memory_space<vmem>>
      %dma_start3A_347 = arith.constant 0 : i32
      %dma_start3A_348 = arith.constant 0 : i32
      %dma_start3A_349 = tpu.memref_slice %arg12[%dma_start3A_347, %dma_start3A_348] : memref<10112x128xf32, #tpu.memory_space<vmem_shared>> -> memref<10112x128xf32, #tpu.memory_space<vmem_shared>>
      tpu.enqueue_indirect_dma source(%arg8 : memref<64x128xf32, #tpu.memory_space<vmem>>) target(%dma_start3A_349 : memref<10112x128xf32, #tpu.memory_space<vmem_shared>>) offsets(%dma_start3A_346 : memref<64xi32, #tpu.memory_space<vmem>>) semaphore(%arg17 : memref<!tpu.dma_semaphore, #tpu.memory_space<semaphore_mem>>) {add = true}
      %add3A_350 = arith.constant 4 : i32
      %add3A_351 = arith.addi %add3A_337, %add3A_350 : i32
      %lt3A = arith.constant 40 : i32
      %lt3A_352 = arith.cmpi slt, %add3A_351, %lt3A : i32
      %convert_element_type3A = arith.extui %lt3A_352 : i1 to i32
      %cond3A = arith.constant 0 : i32
      %cond3A_353 = arith.cmpi ne, %convert_element_type3A, %cond3A : i32
      scf.if %cond3A_353 {
        %dma_wait3A_424 = arith.constant 0 : i32
        %dma_wait3A_425 = tpu.memref_slice %arg7[%add3A_337, %dma_wait3A_424] : memref<40x64xi32, #tpu.memory_space<vmem>> -> memref<1x64xi32, #tpu.memory_space<vmem>>
        %dma_wait3A_426 = tpu.memref_squeeze %dma_wait3A_425 : memref<1x64xi32, #tpu.memory_space<vmem>> -> memref<64xi32, #tpu.memory_space<vmem>>
        %dma_wait3A_427 = arith.constant 0 : i32
        %dma_wait3A_428 = arith.constant 0 : i32
        %dma_wait3A_429 = tpu.memref_slice %arg12[%dma_wait3A_427, %dma_wait3A_428] : memref<10112x128xf32, #tpu.memory_space<vmem_shared>> -> memref<10112x128xf32, #tpu.memory_space<vmem_shared>>
        tpu.wait_indirect_dma semaphore(%arg17 : memref<!tpu.dma_semaphore, #tpu.memory_space<semaphore_mem>>) src(%arg8 : memref<64x128xf32, #tpu.memory_space<vmem>>) dst(%dma_wait3A_429 : memref<10112x128xf32, #tpu.memory_space<vmem_shared>>)
        %add3A_430 = arith.constant 4 : i32
        %add3A_431 = arith.addi %add3A_337, %add3A_430 : i32
        %dma_start3A_432 = arith.constant 0 : i32
        %dma_start3A_433 = tpu.memref_slice %arg6[%add3A_431, %dma_start3A_432] : memref<40x64xi32, #tpu.memory_space<vmem>> -> memref<1x64xi32, #tpu.memory_space<vmem>>
        %dma_start3A_434 = tpu.memref_squeeze %dma_start3A_433 : memref<1x64xi32, #tpu.memory_space<vmem>> -> memref<64xi32, #tpu.memory_space<vmem>>
        %dma_start3A_435 = arith.constant 0 : i32
        %dma_start3A_436 = arith.constant 0 : i32
        %dma_start3A_437 = tpu.memref_slice %arg2[%dma_start3A_435, %dma_start3A_436] : memref<20000x128xf32, #tpu.memory_space<hbm>> -> memref<20000x128xf32, #tpu.memory_space<hbm>>
        tpu.enqueue_indirect_dma source(%dma_start3A_437 : memref<20000x128xf32, #tpu.memory_space<hbm>>) target(%arg8 : memref<64x128xf32, #tpu.memory_space<vmem>>) offsets(%dma_start3A_434 : memref<64xi32, #tpu.memory_space<vmem>>) semaphore(%arg13 : memref<!tpu.dma_semaphore, #tpu.memory_space<semaphore_mem>>)
      } else {
      }
      %mul3A_354 = arith.constant 4 : i32
      %mul3A_355 = arith.muli %mul3A_354, %scan3A_332 : i32
      %add3A_356 = arith.constant 1 : i32
      %add3A_357 = arith.addi %mul3A_355, %add3A_356 : i32
      %dma_wait3A_358 = arith.constant 0 : i32
      %dma_wait3A_359 = tpu.memref_slice %arg6[%add3A_357, %dma_wait3A_358] : memref<40x64xi32, #tpu.memory_space<vmem>> -> memref<1x64xi32, #tpu.memory_space<vmem>>
      %dma_wait3A_360 = tpu.memref_squeeze %dma_wait3A_359 : memref<1x64xi32, #tpu.memory_space<vmem>> -> memref<64xi32, #tpu.memory_space<vmem>>
      %dma_wait3A_361 = arith.constant 0 : i32
      %dma_wait3A_362 = arith.constant 0 : i32
      %dma_wait3A_363 = tpu.memref_slice %arg2[%dma_wait3A_361, %dma_wait3A_362] : memref<20000x128xf32, #tpu.memory_space<hbm>> -> memref<20000x128xf32, #tpu.memory_space<hbm>>
      tpu.wait_indirect_dma semaphore(%arg14 : memref<!tpu.dma_semaphore, #tpu.memory_space<semaphore_mem>>) src(%dma_wait3A_363 : memref<20000x128xf32, #tpu.memory_space<hbm>>) dst(%arg9 : memref<64x128xf32, #tpu.memory_space<vmem>>)
      %dma_start3A_364 = arith.constant 0 : i32
      %dma_start3A_365 = tpu.memref_slice %arg7[%add3A_357, %dma_start3A_364] : memref<40x64xi32, #tpu.memory_space<vmem>> -> memref<1x64xi32, #tpu.memory_space<vmem>>
      %dma_start3A_366 = tpu.memref_squeeze %dma_start3A_365 : memref<1x64xi32, #tpu.memory_space<vmem>> -> memref<64xi32, #tpu.memory_space<vmem>>
      %dma_start3A_367 = arith.constant 0 : i32
      %dma_start3A_368 = arith.constant 0 : i32
      %dma_start3A_369 = tpu.memref_slice %arg12[%dma_start3A_367, %dma_start3A_368] : memref<10112x128xf32, #tpu.memory_space<vmem_shared>> -> memref<10112x128xf32, #tpu.memory_space<vmem_shared>>
      tpu.enqueue_indirect_dma source(%arg9 : memref<64x128xf32, #tpu.memory_space<vmem>>) target(%dma_start3A_369 : memref<10112x128xf32, #tpu.memory_space<vmem_shared>>) offsets(%dma_start3A_366 : memref<64xi32, #tpu.memory_space<vmem>>) semaphore(%arg18 : memref<!tpu.dma_semaphore, #tpu.memory_space<semaphore_mem>>) {add = true}
      %add3A_370 = arith.constant 4 : i32
      %add3A_371 = arith.addi %add3A_357, %add3A_370 : i32
      %lt3A_372 = arith.constant 40 : i32
      %lt3A_373 = arith.cmpi slt, %add3A_371, %lt3A_372 : i32
      %convert_element_type3A_374 = arith.extui %lt3A_373 : i1 to i32
      %cond3A_375 = arith.constant 0 : i32
      %cond3A_376 = arith.cmpi ne, %convert_element_type3A_374, %cond3A_375 : i32
      scf.if %cond3A_376 {
        %dma_wait3A_424 = arith.constant 0 : i32
        %dma_wait3A_425 = tpu.memref_slice %arg7[%add3A_357, %dma_wait3A_424] : memref<40x64xi32, #tpu.memory_space<vmem>> -> memref<1x64xi32, #tpu.memory_space<vmem>>
        %dma_wait3A_426 = tpu.memref_squeeze %dma_wait3A_425 : memref<1x64xi32, #tpu.memory_space<vmem>> -> memref<64xi32, #tpu.memory_space<vmem>>
        %dma_wait3A_427 = arith.constant 0 : i32
        %dma_wait3A_428 = arith.constant 0 : i32
        %dma_wait3A_429 = tpu.memref_slice %arg12[%dma_wait3A_427, %dma_wait3A_428] : memref<10112x128xf32, #tpu.memory_space<vmem_shared>> -> memref<10112x128xf32, #tpu.memory_space<vmem_shared>>
        tpu.wait_indirect_dma semaphore(%arg18 : memref<!tpu.dma_semaphore, #tpu.memory_space<semaphore_mem>>) src(%arg9 : memref<64x128xf32, #tpu.memory_space<vmem>>) dst(%dma_wait3A_429 : memref<10112x128xf32, #tpu.memory_space<vmem_shared>>)
        %add3A_430 = arith.constant 4 : i32
        %add3A_431 = arith.addi %add3A_357, %add3A_430 : i32
        %dma_start3A_432 = arith.constant 0 : i32
        %dma_start3A_433 = tpu.memref_slice %arg6[%add3A_431, %dma_start3A_432] : memref<40x64xi32, #tpu.memory_space<vmem>> -> memref<1x64xi32, #tpu.memory_space<vmem>>
        %dma_start3A_434 = tpu.memref_squeeze %dma_start3A_433 : memref<1x64xi32, #tpu.memory_space<vmem>> -> memref<64xi32, #tpu.memory_space<vmem>>
        %dma_start3A_435 = arith.constant 0 : i32
        %dma_start3A_436 = arith.constant 0 : i32
        %dma_start3A_437 = tpu.memref_slice %arg2[%dma_start3A_435, %dma_start3A_436] : memref<20000x128xf32, #tpu.memory_space<hbm>> -> memref<20000x128xf32, #tpu.memory_space<hbm>>
        tpu.enqueue_indirect_dma source(%dma_start3A_437 : memref<20000x128xf32, #tpu.memory_space<hbm>>) target(%arg9 : memref<64x128xf32, #tpu.memory_space<vmem>>) offsets(%dma_start3A_434 : memref<64xi32, #tpu.memory_space<vmem>>) semaphore(%arg14 : memref<!tpu.dma_semaphore, #tpu.memory_space<semaphore_mem>>)
      } else {
      }
      %mul3A_377 = arith.constant 4 : i32
      %mul3A_378 = arith.muli %mul3A_377, %scan3A_332 : i32
      %add3A_379 = arith.constant 2 : i32
      %add3A_380 = arith.addi %mul3A_378, %add3A_379 : i32
      %dma_wait3A_381 = arith.constant 0 : i32
      %dma_wait3A_382 = tpu.memref_slice %arg6[%add3A_380, %dma_wait3A_381] : memref<40x64xi32, #tpu.memory_space<vmem>> -> memref<1x64xi32, #tpu.memory_space<vmem>>
      %dma_wait3A_383 = tpu.memref_squeeze %dma_wait3A_382 : memref<1x64xi32, #tpu.memory_space<vmem>> -> memref<64xi32, #tpu.memory_space<vmem>>
      %dma_wait3A_384 = arith.constant 0 : i32
      %dma_wait3A_385 = arith.constant 0 : i32
      %dma_wait3A_386 = tpu.memref_slice %arg2[%dma_wait3A_384, %dma_wait3A_385] : memref<20000x128xf32, #tpu.memory_space<hbm>> -> memref<20000x128xf32, #tpu.memory_space<hbm>>
      tpu.wait_indirect_dma semaphore(%arg15 : memref<!tpu.dma_semaphore, #tpu.memory_space<semaphore_mem>>) src(%dma_wait3A_386 : memref<20000x128xf32, #tpu.memory_space<hbm>>) dst(%arg10 : memref<64x128xf32, #tpu.memory_space<vmem>>)
      %dma_start3A_387 = arith.constant 0 : i32
      %dma_start3A_388 = tpu.memref_slice %arg7[%add3A_380, %dma_start3A_387] : memref<40x64xi32, #tpu.memory_space<vmem>> -> memref<1x64xi32, #tpu.memory_space<vmem>>
      %dma_start3A_389 = tpu.memref_squeeze %dma_start3A_388 : memref<1x64xi32, #tpu.memory_space<vmem>> -> memref<64xi32, #tpu.memory_space<vmem>>
      %dma_start3A_390 = arith.constant 0 : i32
      %dma_start3A_391 = arith.constant 0 : i32
      %dma_start3A_392 = tpu.memref_slice %arg12[%dma_start3A_390, %dma_start3A_391] : memref<10112x128xf32, #tpu.memory_space<vmem_shared>> -> memref<10112x128xf32, #tpu.memory_space<vmem_shared>>
      tpu.enqueue_indirect_dma source(%arg10 : memref<64x128xf32, #tpu.memory_space<vmem>>) target(%dma_start3A_392 : memref<10112x128xf32, #tpu.memory_space<vmem_shared>>) offsets(%dma_start3A_389 : memref<64xi32, #tpu.memory_space<vmem>>) semaphore(%arg19 : memref<!tpu.dma_semaphore, #tpu.memory_space<semaphore_mem>>) {add = true}
      %add3A_393 = arith.constant 4 : i32
      %add3A_394 = arith.addi %add3A_380, %add3A_393 : i32
      %lt3A_395 = arith.constant 40 : i32
      %lt3A_396 = arith.cmpi slt, %add3A_394, %lt3A_395 : i32
      %convert_element_type3A_397 = arith.extui %lt3A_396 : i1 to i32
      %cond3A_398 = arith.constant 0 : i32
      %cond3A_399 = arith.cmpi ne, %convert_element_type3A_397, %cond3A_398 : i32
      scf.if %cond3A_399 {
        %dma_wait3A_424 = arith.constant 0 : i32
        %dma_wait3A_425 = tpu.memref_slice %arg7[%add3A_380, %dma_wait3A_424] : memref<40x64xi32, #tpu.memory_space<vmem>> -> memref<1x64xi32, #tpu.memory_space<vmem>>
        %dma_wait3A_426 = tpu.memref_squeeze %dma_wait3A_425 : memref<1x64xi32, #tpu.memory_space<vmem>> -> memref<64xi32, #tpu.memory_space<vmem>>
        %dma_wait3A_427 = arith.constant 0 : i32
        %dma_wait3A_428 = arith.constant 0 : i32
        %dma_wait3A_429 = tpu.memref_slice %arg12[%dma_wait3A_427, %dma_wait3A_428] : memref<10112x128xf32, #tpu.memory_space<vmem_shared>> -> memref<10112x128xf32, #tpu.memory_space<vmem_shared>>
        tpu.wait_indirect_dma semaphore(%arg19 : memref<!tpu.dma_semaphore, #tpu.memory_space<semaphore_mem>>) src(%arg10 : memref<64x128xf32, #tpu.memory_space<vmem>>) dst(%dma_wait3A_429 : memref<10112x128xf32, #tpu.memory_space<vmem_shared>>)
        %add3A_430 = arith.constant 4 : i32
        %add3A_431 = arith.addi %add3A_380, %add3A_430 : i32
        %dma_start3A_432 = arith.constant 0 : i32
        %dma_start3A_433 = tpu.memref_slice %arg6[%add3A_431, %dma_start3A_432] : memref<40x64xi32, #tpu.memory_space<vmem>> -> memref<1x64xi32, #tpu.memory_space<vmem>>
        %dma_start3A_434 = tpu.memref_squeeze %dma_start3A_433 : memref<1x64xi32, #tpu.memory_space<vmem>> -> memref<64xi32, #tpu.memory_space<vmem>>
        %dma_start3A_435 = arith.constant 0 : i32
        %dma_start3A_436 = arith.constant 0 : i32
        %dma_start3A_437 = tpu.memref_slice %arg2[%dma_start3A_435, %dma_start3A_436] : memref<20000x128xf32, #tpu.memory_space<hbm>> -> memref<20000x128xf32, #tpu.memory_space<hbm>>
        tpu.enqueue_indirect_dma source(%dma_start3A_437 : memref<20000x128xf32, #tpu.memory_space<hbm>>) target(%arg10 : memref<64x128xf32, #tpu.memory_space<vmem>>) offsets(%dma_start3A_434 : memref<64xi32, #tpu.memory_space<vmem>>) semaphore(%arg15 : memref<!tpu.dma_semaphore, #tpu.memory_space<semaphore_mem>>)
      } else {
      }
      %mul3A_400 = arith.constant 4 : i32
      %mul3A_401 = arith.muli %mul3A_400, %scan3A_332 : i32
      %add3A_402 = arith.constant 3 : i32
      %add3A_403 = arith.addi %mul3A_401, %add3A_402 : i32
      %dma_wait3A_404 = arith.constant 0 : i32
      %dma_wait3A_405 = tpu.memref_slice %arg6[%add3A_403, %dma_wait3A_404] : memref<40x64xi32, #tpu.memory_space<vmem>> -> memref<1x64xi32, #tpu.memory_space<vmem>>
      %dma_wait3A_406 = tpu.memref_squeeze %dma_wait3A_405 : memref<1x64xi32, #tpu.memory_space<vmem>> -> memref<64xi32, #tpu.memory_space<vmem>>
      %dma_wait3A_407 = arith.constant 0 : i32
      %dma_wait3A_408 = arith.constant 0 : i32
      %dma_wait3A_409 = tpu.memref_slice %arg2[%dma_wait3A_407, %dma_wait3A_408] : memref<20000x128xf32, #tpu.memory_space<hbm>> -> memref<20000x128xf32, #tpu.memory_space<hbm>>
      tpu.wait_indirect_dma semaphore(%arg16 : memref<!tpu.dma_semaphore, #tpu.memory_space<semaphore_mem>>) src(%dma_wait3A_409 : memref<20000x128xf32, #tpu.memory_space<hbm>>) dst(%arg11 : memref<64x128xf32, #tpu.memory_space<vmem>>)
      %dma_start3A_410 = arith.constant 0 : i32
      %dma_start3A_411 = tpu.memref_slice %arg7[%add3A_403, %dma_start3A_410] : memref<40x64xi32, #tpu.memory_space<vmem>> -> memref<1x64xi32, #tpu.memory_space<vmem>>
      %dma_start3A_412 = tpu.memref_squeeze %dma_start3A_411 : memref<1x64xi32, #tpu.memory_space<vmem>> -> memref<64xi32, #tpu.memory_space<vmem>>
      %dma_start3A_413 = arith.constant 0 : i32
      %dma_start3A_414 = arith.constant 0 : i32
      %dma_start3A_415 = tpu.memref_slice %arg12[%dma_start3A_413, %dma_start3A_414] : memref<10112x128xf32, #tpu.memory_space<vmem_shared>> -> memref<10112x128xf32, #tpu.memory_space<vmem_shared>>
      tpu.enqueue_indirect_dma source(%arg11 : memref<64x128xf32, #tpu.memory_space<vmem>>) target(%dma_start3A_415 : memref<10112x128xf32, #tpu.memory_space<vmem_shared>>) offsets(%dma_start3A_412 : memref<64xi32, #tpu.memory_space<vmem>>) semaphore(%arg20 : memref<!tpu.dma_semaphore, #tpu.memory_space<semaphore_mem>>) {add = true}
      %add3A_416 = arith.constant 4 : i32
      %add3A_417 = arith.addi %add3A_403, %add3A_416 : i32
      %lt3A_418 = arith.constant 40 : i32
      %lt3A_419 = arith.cmpi slt, %add3A_417, %lt3A_418 : i32
      %convert_element_type3A_420 = arith.extui %lt3A_419 : i1 to i32
      %cond3A_421 = arith.constant 0 : i32
      %cond3A_422 = arith.cmpi ne, %convert_element_type3A_420, %cond3A_421 : i32
      scf.if %cond3A_422 {
        %dma_wait3A_424 = arith.constant 0 : i32
        %dma_wait3A_425 = tpu.memref_slice %arg7[%add3A_403, %dma_wait3A_424] : memref<40x64xi32, #tpu.memory_space<vmem>> -> memref<1x64xi32, #tpu.memory_space<vmem>>
        %dma_wait3A_426 = tpu.memref_squeeze %dma_wait3A_425 : memref<1x64xi32, #tpu.memory_space<vmem>> -> memref<64xi32, #tpu.memory_space<vmem>>
        %dma_wait3A_427 = arith.constant 0 : i32
        %dma_wait3A_428 = arith.constant 0 : i32
        %dma_wait3A_429 = tpu.memref_slice %arg12[%dma_wait3A_427, %dma_wait3A_428] : memref<10112x128xf32, #tpu.memory_space<vmem_shared>> -> memref<10112x128xf32, #tpu.memory_space<vmem_shared>>
        tpu.wait_indirect_dma semaphore(%arg20 : memref<!tpu.dma_semaphore, #tpu.memory_space<semaphore_mem>>) src(%arg11 : memref<64x128xf32, #tpu.memory_space<vmem>>) dst(%dma_wait3A_429 : memref<10112x128xf32, #tpu.memory_space<vmem_shared>>)
        %add3A_430 = arith.constant 4 : i32
        %add3A_431 = arith.addi %add3A_403, %add3A_430 : i32
        %dma_start3A_432 = arith.constant 0 : i32
        %dma_start3A_433 = tpu.memref_slice %arg6[%add3A_431, %dma_start3A_432] : memref<40x64xi32, #tpu.memory_space<vmem>> -> memref<1x64xi32, #tpu.memory_space<vmem>>
        %dma_start3A_434 = tpu.memref_squeeze %dma_start3A_433 : memref<1x64xi32, #tpu.memory_space<vmem>> -> memref<64xi32, #tpu.memory_space<vmem>>
        %dma_start3A_435 = arith.constant 0 : i32
        %dma_start3A_436 = arith.constant 0 : i32
        %dma_start3A_437 = tpu.memref_slice %arg2[%dma_start3A_435, %dma_start3A_436] : memref<20000x128xf32, #tpu.memory_space<hbm>> -> memref<20000x128xf32, #tpu.memory_space<hbm>>
        tpu.enqueue_indirect_dma source(%dma_start3A_437 : memref<20000x128xf32, #tpu.memory_space<hbm>>) target(%arg11 : memref<64x128xf32, #tpu.memory_space<vmem>>) offsets(%dma_start3A_434 : memref<64xi32, #tpu.memory_space<vmem>>) semaphore(%arg16 : memref<!tpu.dma_semaphore, #tpu.memory_space<semaphore_mem>>)
      } else {
      }
      %scan3A_423 = arith.constant 0 : i32
      scf.yield %scan3A_423 : i32
    }
    %scan3A_298 = arith.constant 10 : i32
    %dma_wait3A_299 = arith.constant 36 : i32
    %dma_wait3A_300 = arith.constant 0 : i32
    %dma_wait3A_301 = tpu.memref_slice %arg7[%dma_wait3A_299, %dma_wait3A_300] : memref<40x64xi32, #tpu.memory_space<vmem>> -> memref<1x64xi32, #tpu.memory_space<vmem>>
    %dma_wait3A_302 = tpu.memref_squeeze %dma_wait3A_301 : memref<1x64xi32, #tpu.memory_space<vmem>> -> memref<64xi32, #tpu.memory_space<vmem>>
    %dma_wait3A_303 = arith.constant 0 : i32
    %dma_wait3A_304 = arith.constant 0 : i32
    %dma_wait3A_305 = tpu.memref_slice %arg12[%dma_wait3A_303, %dma_wait3A_304] : memref<10112x128xf32, #tpu.memory_space<vmem_shared>> -> memref<10112x128xf32, #tpu.memory_space<vmem_shared>>
    tpu.wait_indirect_dma semaphore(%arg17 : memref<!tpu.dma_semaphore, #tpu.memory_space<semaphore_mem>>) src(%arg8 : memref<64x128xf32, #tpu.memory_space<vmem>>) dst(%dma_wait3A_305 : memref<10112x128xf32, #tpu.memory_space<vmem_shared>>)
    %dma_wait3A_306 = arith.constant 37 : i32
    %dma_wait3A_307 = arith.constant 0 : i32
    %dma_wait3A_308 = tpu.memref_slice %arg7[%dma_wait3A_306, %dma_wait3A_307] : memref<40x64xi32, #tpu.memory_space<vmem>> -> memref<1x64xi32, #tpu.memory_space<vmem>>
    %dma_wait3A_309 = tpu.memref_squeeze %dma_wait3A_308 : memref<1x64xi32, #tpu.memory_space<vmem>> -> memref<64xi32, #tpu.memory_space<vmem>>
    %dma_wait3A_310 = arith.constant 0 : i32
    %dma_wait3A_311 = arith.constant 0 : i32
    %dma_wait3A_312 = tpu.memref_slice %arg12[%dma_wait3A_310, %dma_wait3A_311] : memref<10112x128xf32, #tpu.memory_space<vmem_shared>> -> memref<10112x128xf32, #tpu.memory_space<vmem_shared>>
    tpu.wait_indirect_dma semaphore(%arg18 : memref<!tpu.dma_semaphore, #tpu.memory_space<semaphore_mem>>) src(%arg9 : memref<64x128xf32, #tpu.memory_space<vmem>>) dst(%dma_wait3A_312 : memref<10112x128xf32, #tpu.memory_space<vmem_shared>>)
    %dma_wait3A_313 = arith.constant 38 : i32
    %dma_wait3A_314 = arith.constant 0 : i32
    %dma_wait3A_315 = tpu.memref_slice %arg7[%dma_wait3A_313, %dma_wait3A_314] : memref<40x64xi32, #tpu.memory_space<vmem>> -> memref<1x64xi32, #tpu.memory_space<vmem>>
    %dma_wait3A_316 = tpu.memref_squeeze %dma_wait3A_315 : memref<1x64xi32, #tpu.memory_space<vmem>> -> memref<64xi32, #tpu.memory_space<vmem>>
    %dma_wait3A_317 = arith.constant 0 : i32
    %dma_wait3A_318 = arith.constant 0 : i32
    %dma_wait3A_319 = tpu.memref_slice %arg12[%dma_wait3A_317, %dma_wait3A_318] : memref<10112x128xf32, #tpu.memory_space<vmem_shared>> -> memref<10112x128xf32, #tpu.memory_space<vmem_shared>>
    tpu.wait_indirect_dma semaphore(%arg19 : memref<!tpu.dma_semaphore, #tpu.memory_space<semaphore_mem>>) src(%arg10 : memref<64x128xf32, #tpu.memory_space<vmem>>) dst(%dma_wait3A_319 : memref<10112x128xf32, #tpu.memory_space<vmem_shared>>)
    %dma_wait3A_320 = arith.constant 39 : i32
    %dma_wait3A_321 = arith.constant 0 : i32
    %dma_wait3A_322 = tpu.memref_slice %arg7[%dma_wait3A_320, %dma_wait3A_321] : memref<40x64xi32, #tpu.memory_space<vmem>> -> memref<1x64xi32, #tpu.memory_space<vmem>>
    %dma_wait3A_323 = tpu.memref_squeeze %dma_wait3A_322 : memref<1x64xi32, #tpu.memory_space<vmem>> -> memref<64xi32, #tpu.memory_space<vmem>>
    %dma_wait3A_324 = arith.constant 0 : i32
    %dma_wait3A_325 = arith.constant 0 : i32
    %dma_wait3A_326 = tpu.memref_slice %arg12[%dma_wait3A_324, %dma_wait3A_325] : memref<10112x128xf32, #tpu.memory_space<vmem_shared>> -> memref<10112x128xf32, #tpu.memory_space<vmem_shared>>
    tpu.wait_indirect_dma semaphore(%arg20 : memref<!tpu.dma_semaphore, #tpu.memory_space<semaphore_mem>>) src(%arg11 : memref<64x128xf32, #tpu.memory_space<vmem>>) dst(%dma_wait3A_326 : memref<10112x128xf32, #tpu.memory_space<vmem_shared>>)
    %barrier3A_327 = arith.constant 0 : index
    tpu.barrier barrier_id(%barrier3A_327)
    %mul3A_328 = arith.constant 632 : i32
    %mul3A_329 = arith.muli %arg1, %mul3A_328 : i32
    %mul3A_330 = arith.constant 632 : i32
    %mul3A_331 = arith.muli %arg1, %mul3A_330 : i32
    "tpu.region"() ({
      %run_scoped3A = tpu.sem_alloc : memref<!tpu.dma_semaphore, #tpu.memory_space<semaphore_mem>>
      %dma_start3A_332 = arith.constant 0 : i32
      %dma_start3A_333 = tpu.memref_slice %arg5[%arg0, %mul3A_331, %dma_start3A_332] : memref<2x10112x128xf32, #tpu.memory_space<hbm>> -> memref<1x632x128xf32, #tpu.memory_space<hbm>>
      %dma_start3A_334 = tpu.memref_squeeze %dma_start3A_333 : memref<1x632x128xf32, #tpu.memory_space<hbm>> -> memref<632x128xf32, #tpu.memory_space<hbm>>
      %dma_start3A_335 = arith.constant 0 : i32
      %dma_start3A_336 = tpu.memref_slice %arg12[%mul3A_329, %dma_start3A_335] : memref<10112x128xf32, #tpu.memory_space<vmem_shared>> -> memref<632x128xf32, #tpu.memory_space<vmem_shared>>
      tpu.enqueue_dma source(%dma_start3A_336 : memref<632x128xf32, #tpu.memory_space<vmem_shared>>) target(%dma_start3A_334 : memref<632x128xf32, #tpu.memory_space<hbm>>) target_semaphore(%run_scoped3A : memref<!tpu.dma_semaphore, #tpu.memory_space<semaphore_mem>>)
      %dma_wait3A_337 = arith.constant 0 : i32
      %dma_wait3A_338 = tpu.memref_slice %arg5[%arg0, %mul3A_331, %dma_wait3A_337] : memref<2x10112x128xf32, #tpu.memory_space<hbm>> -> memref<1x632x128xf32, #tpu.memory_space<hbm>>
      %dma_wait3A_339 = tpu.memref_squeeze %dma_wait3A_338 : memref<1x632x128xf32, #tpu.memory_space<hbm>> -> memref<632x128xf32, #tpu.memory_space<hbm>>
      %dma_wait3A_340 = arith.constant 0 : i32
      %dma_wait3A_341 = tpu.memref_slice %arg12[%mul3A_329, %dma_wait3A_340] : memref<10112x128xf32, #tpu.memory_space<vmem_shared>> -> memref<632x128xf32, #tpu.memory_space<vmem_shared>>
      tpu.wait_dma2 semaphore(%run_scoped3A : memref<!tpu.dma_semaphore, #tpu.memory_space<semaphore_mem>>) src(%dma_wait3A_341 : memref<632x128xf32, #tpu.memory_space<vmem_shared>>) dst(%dma_wait3A_339 : memref<632x128xf32, #tpu.memory_space<hbm>>)
      tpu.yield
    }) : () -> ()
    return
  }
}

module attributes {stable_mosaic.version = 14 : i64} {
  func.func @_tc_body(%arg0: i32, %arg1: memref<2x512x128xf32, #tpu.memory_space<vmem>>, %arg2: memref<2x128x256xf32, #tpu.memory_space<vmem>>, %arg3: memref<1x256xf32, #tpu.memory_space<vmem>>, %arg4: memref<512x256xf32, #tpu.memory_space<vmem>>) attributes {dimension_semantics = [#tpu.dimension_semantics<arbitrary>], iteration_bounds = array<i64: 20>, scalar_prefetch = 0 : i64, scratch_operands = 0 : i64, tpu.core_type = #tpu.core_type<tc>, window_params = [{transform_indices = @transform_0, window_bounds = array<i64: 2, 512, 128>}, {pipeline_mode = #tpu.pipeline_mode<synchronous>, transform_indices = @transform_1, window_bounds = array<i64: 2, 128, 256>}, {pipeline_mode = #tpu.pipeline_mode<synchronous>, transform_indices = @transform_2, window_bounds = array<i64: 1, 256>}, {transform_indices = @transform_3, window_bounds = array<i64: 512, 256>}]} {
    %get3A = arith.constant 0 : index
    %get3A_0 = arith.constant 0 : index
    %get3A_1 = arith.constant 0 : index
    %get3A_2 = vector.load %arg1[%get3A, %get3A_0, %get3A_1] : memref<2x512x128xf32, #tpu.memory_space<vmem>>, vector<1x512x128xf32>
    %get3A_3 = vector.shape_cast %get3A_2 : vector<1x512x128xf32> to vector<512x128xf32>
    %get3A_4 = arith.constant 0 : index
    %get3A_5 = arith.constant 0 : index
    %get3A_6 = arith.constant 0 : index
    %get3A_7 = vector.load %arg2[%get3A_4, %get3A_5, %get3A_6] : memref<2x128x256xf32, #tpu.memory_space<vmem>>, vector<1x128x256xf32>
    %get3A_8 = vector.shape_cast %get3A_7 : vector<1x128x256xf32> to vector<128x256xf32>
    %dot_general3A = arith.constant dense<0.000000e+00> : vector<512x256xf32>
    %dot_general3A_9 = tpu.matmul %get3A_3, %get3A_8, %dot_general3A {dimension_numbers = #tpu.dot_dimension_numbers<[1], [0], [0], [1], [0, 0, 1, 1], [], []>, transpose_lhs_hint = false} : vector<512x128xf32>, vector<128x256xf32>, vector<512x256xf32> -> vector<512x256xf32>
    %get3A_10 = arith.constant 1 : index
    %get3A_11 = arith.constant 0 : index
    %get3A_12 = arith.constant 0 : index
    %get3A_13 = vector.load %arg1[%get3A_10, %get3A_11, %get3A_12] : memref<2x512x128xf32, #tpu.memory_space<vmem>>, vector<1x512x128xf32>
    %get3A_14 = vector.shape_cast %get3A_13 : vector<1x512x128xf32> to vector<512x128xf32>
    %get3A_15 = arith.constant 1 : index
    %get3A_16 = arith.constant 0 : index
    %get3A_17 = arith.constant 0 : index
    %get3A_18 = vector.load %arg2[%get3A_15, %get3A_16, %get3A_17] : memref<2x128x256xf32, #tpu.memory_space<vmem>>, vector<1x128x256xf32>
    %get3A_19 = vector.shape_cast %get3A_18 : vector<1x128x256xf32> to vector<128x256xf32>
    %dot_general3A_20 = arith.constant dense<0.000000e+00> : vector<512x256xf32>
    %dot_general3A_21 = tpu.matmul %get3A_14, %get3A_19, %dot_general3A_20 {dimension_numbers = #tpu.dot_dimension_numbers<[1], [0], [0], [1], [0, 0, 1, 1], [], []>, transpose_lhs_hint = false} : vector<512x128xf32>, vector<128x256xf32>, vector<512x256xf32> -> vector<512x256xf32>
    %add3A = arith.addf %dot_general3A_9, %dot_general3A_21 : vector<512x256xf32>
    %get3A_22 = arith.constant 0 : index
    %get3A_23 = arith.constant 0 : index
    %get3A_24 = vector.load %arg3[%get3A_22, %get3A_23] : memref<1x256xf32, #tpu.memory_space<vmem>>, vector<1x256xf32>
    %add3A_25 = vector.broadcast %get3A_24 : vector<1x256xf32> to vector<512x256xf32>
    %add3A_26 = arith.addf %add3A, %add3A_25 : vector<512x256xf32>
    %swap3A = arith.constant 0 : index
    %swap3A_27 = arith.constant 0 : index
    %swap3A_28 = vector.load %arg4[%swap3A, %swap3A_27] : memref<512x256xf32, #tpu.memory_space<vmem>>, vector<512x256xf32>
    tpu.vector_store %arg4[%swap3A, %swap3A_27], %add3A_26 {strides = array<i32>} : memref<512x256xf32, #tpu.memory_space<vmem>>, vector<512x256xf32>,
    return
  }
  func.func @transform_0(%arg0: i32) -> (i32, i32, i32) {
    %c0_i32 = arith.constant 0 : i32
    %c0_i32_0 = arith.constant 0 : i32
    %c0_i32_1 = arith.constant 0 : i32
    return %c0_i32, %arg0, %c0_i32_0 : i32, i32, i32
  }
  func.func @transform_1(%arg0: i32) -> (i32, i32, i32) {
    %c0_i32 = arith.constant 0 : i32
    %c0_i32_0 = arith.constant 0 : i32
    %c0_i32_1 = arith.constant 0 : i32
    %c0_i32_2 = arith.constant 0 : i32
    return %c0_i32, %c0_i32_0, %c0_i32_1 : i32, i32, i32
  }
  func.func @transform_2(%arg0: i32) -> (i32, i32) {
    %c0_i32 = arith.constant 0 : i32
    %c0_i32_0 = arith.constant 0 : i32
    %c0_i32_1 = arith.constant 0 : i32
    return %c0_i32, %c0_i32_0 : i32, i32
  }
  func.func @transform_3(%arg0: i32) -> (i32, i32) {
    %c0_i32 = arith.constant 0 : i32
    %c0_i32_0 = arith.constant 0 : i32
    return %arg0, %c0_i32 : i32, i32
  }
}

</mosaic_0001>

<sc_bundles>
// kernel: kernel.4.cloned.1.call-start
scs
__scs_entry_jumppad:
0x0: {  	(pc) =	sbr.rel $0x88, $3  }
0x1: {  	(tag) =	ssettag $0x0;
	lr =	simm.s32 $0x1  }
0x2: {  	[smem:$0x3F9D] =	sst lr;
	_ =	strace $0xD0000000  }
0x3: {  	_ = 	snop  }
0x4: {  	_ = 	snop  }
0x5: {  	_ = 	snop  }
0x6: {  	_ = 	snop  }
0x7: {  	_ = 	snop  }
__scs_overlays_trampoline_lowered:
0x8: {  	[smem:$0x3FAC] =	sst s0  }
0x9: {  	[smem:$0x3FAD] =	sst s1  }
0xa: {  	[smem:$0x3FAE] =	sst s2  }
0xb: {  	[smem:$0x3FAF] =	sst s3  }
0xc: {  	[smem:$0x3FB0] =	sst s4  }
0xd: {  	[smem:$0x3FB1] =	sst s5  }
0xe: {  	[smem:$0x3FB2] =	sst s6  }
0xf: {  	[smem:$0x3FB3] =	sst s7  }
0x10: {  	[smem:$0x3FB4] =	sst s8  }
0x11: {  	[smem:$0x3FB5] =	sst s9;
	s0 =	simm.s32 @!p0 $0x0  }
0x12: {  	s1 =	sld [smem:$0x3F9B];
	s0 =	simm.s32 @p0 $0x1  }
0x13: {  	[smem:$0x3FB6] =	sst s0;
	s0 =	simm.s32 @!p1 $0x0  }
0x14: {  	s2 =	sld [smem:$0x3F9A];
	s0 =	simm.s32 @p1 $0x1  }
0x15: {  	[smem:$0x3FB7] =	sst s0;
	s0 =	simm.s32 @!p2 $0x0  }
0x16: {  	s3 =	sld [smem:$0x3FDB];
	s0 =	simm.s32 @p2 $0x1  }
0x17: {  	s4 =	simm.s32 $0x1BF5;
	[smem:$0x3FB9] =	sst s0  }
0x18: {  	s0 =	sld [smem:$0x3F9C];
	_ =	swait.ge [sflag:s4], $0x0  }
0x19: {  	s7 =	sld [smem:$0x3F9D]  }
0x1a: {  	s8 =	sadd.s32 $0xFFFFE003, lr  }
0x1b: {  	s9 =	sadd.s32 $0xFFFFFEF7, lr;
	s5 =	simm.s32 $0xFFFFFFFF;
	p2 =	slt.u32 s8, $0xFFFFF086  }
0x1c: {  	p1 =	slt.u32 s9, $0xF7A;
	s5 =	simm.s32 @!p2 $0x0  }
0x1d: {  	s5 =	simm.s32 @p1 $0x1;
	p0 =	seq.s32 s7, s2  }
0x1e: {  	s7 =	smul.u32 @!p0 $0xF7A, s2;
	p2 =	seq.s32 @!p0 s5, $0x0  }
0x1f: {  	s9 =	smul.u32 $0xF7A, s1;
	s8 =	simm.s32 @!p0 $0x1BF5;
	p2 =	por !p2, p0  }
0x20: {  	[sflag:s8] =	ssyncset.s32 @!p0 $0xFFFFF086;
	s6 =	sadd.s32 @!p0 s3, s7;
	s7 =	simm.s32 @!p0 $0x108  }
0x21: {  	s3 =	sadd.s32 s3, s9;
	s6 =	sadd.s32 @!p0 $0x88, s6;
	s7 =	simm.s32 @p2 $0x1082  }
0x22: {  	[simem:s7], [sflag:s8] =	dma.local @!p0 [hbm:s6], $0xF7A  }
0x23: {  	s9 =	sor.u32 $0xD0000000, s2;
	s6 =	simm.s32 $0x108;
	_ =	swait.ge @!p0 [sflag:s8], $0x0  }
0x24: {  	s3 =	sadd.s32 $0x88, s3;
	s6 =	simm.s32 @!p1 $0x1082;
	[sflag:s4] =	ssyncset.s32 $0xFFFFF086  }
0x25: {  	[simem:s6], [sflag:s4] =	dma.local [hbm:s3], $0xF7A  }
0x26: {  	[smem:$0x3F9D] =	sst s1;
	(tag) =	ssettag s2;
	_ =	strace s9  }
0x27: {  	s1 =	sld [smem:$0x3FAD]  }
0x28: {  	s2 =	sld [smem:$0x3FAE]  }
0x29: {  	s4 =	sld [smem:$0x3FB0]  }
0x2a: {  	p0 =	seq.s32 s5, $0x0;
	s5 =	sld [smem:$0x3FB1]  }
0x2b: {  	s6 =	sld [smem:$0x3FB2]  }
0x2c: {  	s7 =	sld [smem:$0x3FB3]  }
0x2d: {  	s3 =	simm.s32 $0x108;
	s8 =	sld [smem:$0x3FB4]  }
0x2e: {  	s3 =	simm.s32 @!p0 $0x1082;
	s9 =	sld [smem:$0x3FB5]  }
0x2f: {  	lr =	sadd.s32 s0, s3;
	s0 =	sld [smem:$0x3FAC]  }
0x30: {  	s3 =	sld [smem:$0x3FAF]  }
0x31: {  	[smem:$0x3FB8] =	sst s10  }
0x32: {  	s10 =	sld [smem:$0x3FB6];
	_ =	sdelay $0x3  }
0x33: {  	p0 =	seq.s32 s10, $0x1;
	s10 =	sld [smem:$0x3FB8];
	_ =	sdelay $0x3  }
0x34: {  	[smem:$0x3FB8] =	sst s10  }
0x35: {  	s10 =	sld [smem:$0x3FB7];
	_ =	sdelay $0x3  }
0x36: {  	p1 =	seq.s32 s10, $0x1;
	s10 =	sld [smem:$0x3FB8];
	_ =	sdelay $0x3  }
0x37: {  	[smem:$0x3FB8] =	sst s10  }
0x38: {  	s10 =	sld [smem:$0x3FB9]  }
0x39: {  	_ = 	snop;
	(pc) =	sbr.ind lr, $3  }
0x3a: {  	_ = 	snop  }
0x3b: {  	_ = 	snop  }
0x3c: {  	p2 =	seq.s32 s10, $0x1;
	s10 =	sld [smem:$0x3FB8]  }
0x3d: {  	_ =	shalt  }
0x3e: {  	_ =	shalt  }
0x3f: {  	_ =	shalt  }
0x40: {  	_ =	shalt  }
0x41: {  	_ =	shalt  }
0x42: {  	_ =	shalt  }
0x43: {  	_ =	shalt  }
0x44: {  	_ =	shalt  }
0x45: {  	_ =	shalt  }
0x46: {  	_ =	shalt  }
0x47: {  	_ =	shalt  }
0x48: {  	_ =	shalt  }
0x49: {  	_ =	shalt  }
0x4a: {  	_ =	shalt  }
0x4b: {  	_ =	shalt  }
0x4c: {  	_ =	shalt  }
0x4d: {  	_ =	shalt  }
0x4e: {  	_ =	shalt  }
0x4f: {  	_ =	shalt  }
0x50: {  	_ =	shalt  }
0x51: {  	_ =	shalt  }
0x52: {  	_ =	shalt  }
0x53: {  	_ =	shalt  }
0x54: {  	_ =	shalt  }
0x55: {  	_ =	shalt  }
0x56: {  	_ =	shalt  }
0x57: {  	_ =	shalt  }
0x58: {  	_ =	shalt  }
0x59: {  	_ =	shalt  }
0x5a: {  	_ =	shalt  }
0x5b: {  	_ =	shalt  }
0x5c: {  	_ =	shalt  }
0x5d: {  	_ =	shalt  }
0x5e: {  	_ =	shalt  }
0x5f: {  	_ =	shalt  }
0x60: {  	_ =	shalt  }
0x61: {  	_ =	shalt  }
0x62: {  	_ =	shalt  }
0x63: {  	_ =	shalt  }
0x64: {  	_ =	shalt  }
0x65: {  	_ =	shalt  }
0x66: {  	_ =	shalt  }
0x67: {  	_ =	shalt  }
0x68: {  	_ =	shalt  }
0x69: {  	_ =	shalt  }
0x6a: {  	_ =	shalt  }
0x6b: {  	_ =	shalt  }
0x6c: {  	_ =	shalt  }
0x6d: {  	_ =	shalt  }
0x6e: {  	_ =	shalt  }
0x6f: {  	_ =	shalt  }
0x70: {  	_ =	shalt  }
0x71: {  	_ =	shalt  }
0x72: {  	_ =	shalt  }
0x73: {  	_ =	shalt  }
0x74: {  	_ =	shalt  }
0x75: {  	_ =	shalt  }
0x76: {  	_ =	shalt  }
0x77: {  	_ =	shalt  }
0x78: {  	_ =	shalt  }
0x79: {  	_ =	shalt  }
0x7a: {  	_ =	shalt  }
0x7b: {  	_ =	shalt  }
0x7c: {  	_ =	shalt  }
0x7d: {  	_ =	shalt  }
0x7e: {  	_ =	shalt  }
0x7f: {  	_ =	shalt  }
0x80: {  	_ =	shalt  }
0x81: {  	_ =	shalt  }
0x82: {  	_ =	shalt  }
0x83: {  	_ =	shalt  }
0x84: {  	_ =	shalt  }
0x85: {  	_ =	shalt  }
0x86: {  	_ =	shalt  }
0x87: {  	_ =	shalt  }
.Lfunc_end0:
.L_simem_size_0:
called_computation_lowered:
.L_overlay_start_0:
0x88: {  	s2 =	sld [smem:$0x3FD9]  }
0x89: {  	s3 =	sld [smem:$0x3FFE];
	_ =	sdelay $0x1  }
0x8a: {  	s1 =	srdreg.scid  }
0x8b: {  	s0 =	sand.u32 $0x1, s1  }
0x8c: {  	s17 =	sshll.u32 s0, $0xA;
	s2 =	sadd.s32 s3, s2  }
0x8d: {  	s2 =	sadd.s32 s2, s17  }
0x8e: {  	[smem:$0x3FC4] =	sst s2  }
0x8f: {  	_ = 	snop  }
0x90: {  	s2 =	sld [smem:$0x3FD0];
	(tm) =	ssettm $0x1  }
0x91: {  	s18 =	sld [smem:$0x3FFB];
	_ =	sdelay $0x3  }
0x92: {  	_ =	strace s18  }
0x93: {  	s3 =	sld [smem:$0x3FFC];
	_ =	sdelay $0x3  }
0x94: {  	_ =	strace s3  }
0x95: {  	s3 =	sld [smem:$0x3FFD];
	_ =	sdelay $0x3  }
0x96: {  	_ =	strace s3  }
0x97: {  	_ =	strace $0x8FFFFFFF  }
0x98: {  	s19 =	sld [smem:$0x3FDB];
	_ =	sdelay $0x1  }
0x99: {  	s4 =	simm.s32 $_scs_section_size  }
0x9a: {  	s5 =	simm.s32 $_size__tile_overlayer_lowered;
	s6 =	simm.s32 $_tile_overlayer_lowered  }
0x9b: {  	s22 =	simm.s32 $0x1BFF;
	s21 =	sshll.u32 s6, $0x1;
	s3 =	sadd.s32 s4, s19  }
0x9c: {  	s7 =	simm.s32 $0x0;
	s20 =	sshll.u32 s5, $0x1;
	s5 =	sadd.s32 s21, s3  }
0x9d: {  	[timem:s7], [sflag:s22] =	dma.local [hbm:s5], s20  }
0x9e: {  	_ =	swait.ge [sflag:s22], s20  }
0x9f: {  	s4 =	ssub.s32 $0x0, s20;
	[sflag:s22] =	ssyncset.done $0x0  }
0xa0: {  	[sflag:s22] =	ssyncadd.s32 s4;
	_ =	sdelay $0x1  }
0xa1: {  	s23 =	simm.s32 $0x1B8B  }
0xa2: {  	_ =	swait.ge [sflag:s23], $0x1  }
0xa3: {  	[sflag:s23] =	ssyncset.done $0x0  }
0xa4: {  	s25 =	simm.s32 $0x1B8E;
	s24 =	sld [smem:$0x3FFE];
	[sflag:s23] =	ssyncadd.s32 $0xFFFFFFFF  }
0xa5: {  	s26 =	simm.s32 $execute0_lowered;
	[smem:$0x3FD2] =	sst s25  }
0xa6: {  	s5 =	sshll.u32 s26, $0x1;
	_ =	strace $0x80000046;
	[dreg:$0x1] =	wrdreg $0xFFFFFFFF  }
0xa7: {  	s28 =	simm.s32 $_size_execute0_lowered;
	s3 =	sadd.s32 s3, s5;
	[dreg:$0x0] =	wrdreg $0x0  }
0xa8: {  	s5 =	sshll.u32 s28, $0x1;
	[dreg:$0x2] =	wrdreg s3  }
0xa9: {  	[dreg:$0x3] =	wrdreg s5  }
0xaa: {  	[dreg:$0x4] =	wrdreg $0xC0  }
0xab: {  	_ =	task [dreg:s7], $0x5FFFF  }
0xac: {  	[dreg:$0x1] =	wrdreg $0xFFFFFFFF  }
0xad: {  	[dreg:$0x0] =	wrdreg $0x60  }
0xae: {  	[dreg:$0x2] =	wrdreg s2  }
0xaf: {  	[dreg:$0x3] =	wrdreg s24  }
0xb0: {  	[dreg:$0x4] =	wrdreg $0xA8000  }
0xb1: {  	[dreg:$0x5] =	wrdreg $0x9  }
0xb2: {  	_ =	task.clear_ibuf [dreg:s7], $0x6FFFF;
	_ =	strace $0x90000046  }
0xb3: {  	s29 =	simm.s32 $0x9;
	_ =	strace $0x80000048  }
0xb4: {  	_ =	swait.ge [sflag:s29], $0x1  }
0xb5: {  	[sflag:s29] =	ssyncadd.s32 $0xFFFFFFFF  }
0xb6: {  	_ =	strace $0x90000048  }
0xb7: {  	_ =	sfence  }
0xb8: {  	s30 =	sld [smem:$0x0];
	_ =	sdelay $0x2  }
0xb9: {  	s31 =	sshll.u32 s1, $0xD;
	s1 =	sshrl.u32 s1, $0x2  }
0xba: {  	s3 =	sand.u32 $0x4000, s31;
	s1 =	sadd.s32 s1, s30  }
0xbb: {  	s0 =	sor.u32 s3, s0;
	s1 =	sshll.u32 s1, $0x11  }
0xbc: {  	s0 =	sor.u32 s1, s0  }
0xbd: {  	s0 =	sadd.s32 $0x8F2B, s0  }
0xbe: {  	[sflag:s0] =	ssyncadd.remote.s32 $0x1  }
0xbf: {  	_ =	sfence.sel $0xFFFF  }
0xc0: {  	[dreg:$0x0] =	wrdreg $0xFFFFFFFF;
	(pc) =	sbr.abs _section_cstart, $3  }
0xc1: {  	[dreg:$0x1] =	wrdreg $0xFFFFFFFF  }
0xc2: {  	_ =	task.clear_ibuf [dreg:s7], $0x2FFFF;
	_ =	strace $0x9FFFFFFF  }
0xc3: {  	(tm) =	ssettm $0x7FFFFFFF  }
tec
execute0_lowered:
.L_overlay_start_1:
0x0: {  	(tag) =	ssettag $0x1  }
0x1: {  	s1 =	rddreg [dreg:$0x0];
	s0 =	srdreg.scid  }
0x2: {  	s2 =	rddreg [dreg:$0x1];
	s10 =	stileid.u32  }
0x3: {  	s3 =	rddreg [dreg:$0x2];
	s4 =	simm.s32 $0x0;
	s28 =	simm.s32 $0x1400  }
0x4: {  	s29 =	simm.s32 $0x40;
	s30 =	simm.s32 $0x80;
	s6 =	smul.u32 $0x13C00, s10  }
0x5: {  	s31 =	simm.s32 $0x4800;
	s0 =	sand.u32 $0x1, s0;
	s22 =	smul.u32 $0x4F000, s10  }
0x6: {  	[smem:$0x7FF] =	sst s4;
	s7 =	sadd.s32 $0xA600, s2;
	s10 =	smul.u32 $0x5000, s10  }
0x7: {  	s8 =	sadd.s32 $0x600, s2;
	s5 =	smul.u32 $0x13C000, s0;
	_ =	strace $0x80000047  }
0x8: {  	s9 =	ssub.s32 $0x2, s0;
	s0 =	smul.u32 $0x50000, s0;
	s23 =	sshrl.u32 s22, $0x2  }
0x9: {  	s24 =	sshrl.u32 s9, $0x1;
	s17 =	sshrl.u32 s10, $0x3;
	s5 =	sadd.s32 s6, s5  }
0xa: {  	s6 =	ssub.s32 s9, s24;
	s13 =	sadd.s32 s10, s0;
	s21 =	sadd.s32 s8, s17  }
0xb: {  	s5 =	sshrl.u32 s5, $0x3;
	s9 =	sshrl.u32 s13, $0x3;
	[dreg:$0x11] =	wrdreg s21  }
0xc: {  	s2 =	sadd.s32 s5, s2;
	s5 =	sadd.s32 s23, s3;
	s9 =	sadd.s32 s7, s9  }
0xd: {  	s18 =	sadd.s32 $0x1400, s10;
	s25 =	sadd.s32 $0x2000, s5;
	[dreg:$0xc] =	wrdreg s9  }
0xe: {  	s22 =	sshrl.u32 s18, $0x3;
	s26 =	sadd.s32 $0x4000, s5;
	[dreg:$0x4] =	wrdreg s25  }
0xf: {  	s17 =	simm.s32 $0x2680;
	s11 =	sadd.s32 $0x6000, s5;
	[dreg:$0x5] =	wrdreg s26  }
0x10: {  	s13 =	sadd.s32 s0, s18;
	s12 =	sadd.s32 $0x8000, s5;
	[dreg:$0x6] =	wrdreg s11  }
0x11: {  	s18 =	simm.s32 $0x2700;
	s14 =	sadd.s32 $0xC000, s5;
	[dreg:$0x7] =	wrdreg s12  }
0x12: {  	s13 =	sshrl.u32 s13, $0x3;
	s15 =	sadd.s32 $0xE000, s5;
	[dreg:$0x9] =	wrdreg s14  }
0x13: {  	s16 =	sadd.s32 $0x10000, s5;
	s13 =	sadd.s32 s7, s13;
	[dreg:$0xa] =	wrdreg s15  }
0x14: {  	s20 =	sadd.s32 $0x12000, s5;
	s9 =	simm.s32 $0x5;
	[dreg:$0xb] =	wrdreg s16  }
0x15: {  	s11 =	sadd.s32 $0xA000, s5;
	s12 =	sadd.s32 $0x2800, s10;
	[dreg:$0xd] =	wrdreg s13  }
0x16: {  	s10 =	sadd.s32 $0x3C00, s10;
	[dreg:$0x10] =	wrdreg s20;
	s13 =	simm.s32 $0x7  }
0x17: {  	s15 =	simm.s32 $0x8;
	s16 =	simm.s32 $0x2600;
	[dreg:$0x8] =	wrdreg s11  }
0x18: {  	s14 =	sadd.s32 s0, s12;
	s0 =	sadd.s32 s0, s10;
	s23 =	sshrl.u32 s12, $0x3  }
0x19: {  	s24 =	sshrl.u32 s10, $0x3;
	s10 =	simm.s32 $0x2;
	s11 =	simm.s32 $0x6  }
0x1a: {  	s12 =	simm.s32 $0x3;
	s14 =	sshrl.u32 s14, $0x3;
	s0 =	sshrl.u32 s0, $0x3  }
0x1b: {  	s25 =	sadd.s32 s8, s23;
	s26 =	sadd.s32 s8, s24;
	s23 =	sadd.s32 $0x1E600, s2  }
0x1c: {  	s24 =	smax.u32 s6, $0x1;
	s2 =	simm.s32 $0x100;
	s6 =	simm.s32 $0x180  }
0x1d: {  	s19 =	sadd.s32 s7, s14;
	s0 =	sadd.s32 s7, s0;
	[dreg:$0x13] =	wrdreg s25  }
0x1e: {  	[dreg:$0x14] =	wrdreg s26;
	s25 =	simm.s32 $0x2800;
	s26 =	simm.s32 $0x9  }
0x1f: {  	s7 =	simm.s32 $0x8800;
	s14 =	simm.s32 $0x4;
	[dreg:$0xe] =	wrdreg s19  }
0x20: {  	[dreg:$0xf] =	wrdreg s0;
	s0 =	sadd.s32 s8, s22;
	s8 =	simm.s32 $0x1  }
0x21: {  	v0 =	vimm.f32 $0.0e+00;
	s19 =	simm.s32 $0x2780;
	[dreg:$0x12] =	wrdreg s0;
	s0 =	simm.s32 $0x6800  }
.LBB2_1:
0x22: {  	s20 =	simm.s32 $0x0;
	s21 =	simm.s32 $0x200  }
.LBB2_2:
0x23: {  	p0 =	sne.s32 s21, $0x7E00;
	[tilespmem:s20+$0x2870] =	vst v0  }
0x24: {  	[tilespmem:s20+$0x2800] =	vst v0  }
0x25: {  	[tilespmem:s20+$0x2810] =	vst v0  }
.Ltmp0:
0x26: {  	[tilespmem:s20+$0x2820] =	vst v0;
	(pc) =	sbr.rel @p0 .LBB2_2-.Ltmp0, $4  }
0x27: {  	[tilespmem:s20+$0x2830] =	vst v0  }
0x28: {  	[tilespmem:s20+$0x2840] =	vst v0  }
0x29: {  	[tilespmem:s20+$0x2850] =	vst v0  }
0x2a: {  	[tilespmem:s20+$0x2860] =	vst v0;
	s20 =	sshra.s32 s21, $0x2;
	s21 =	sadd.s32 $0x200, s21  }
0x2b: {  	[tilespmem:s20+$0x2870] =	vst v0  }
0x2c: {  	[tilespmem:s20+$0x2800] =	vst v0  }
0x2d: {  	[tilespmem:s20+$0x2810] =	vst v0  }
0x2e: {  	[tilespmem:s20+$0x2820] =	vst v0  }
0x2f: {  	[tilespmem:s20+$0x2830] =	vst v0  }
0x30: {  	[tilespmem:s20+$0x2840] =	vst v0  }
0x31: {  	[tilespmem:s20+$0x2850] =	vst v0  }
0x32: {  	[tilespmem:s20+$0x2860] =	vst v0  }
0x33: {  	[spmem:s5] =	stream.linear.scatter [tilespmem:s25], [sflag:$0x9], $0x2000, $0x38;
	[tilespmem:$0x1E400] =	vst v63  }
0x34: {  	_ =	swait.ge [sflag:s26], $0x2000  }
0x35: {  	[sflag:s26] =	ssyncset.done $0x0  }
0x36: {  	s21 =	rddreg [dreg:$0x4];
	[sflag:s26] =	ssyncadd.s32 $0xFFFFE000  }
0x37: {  	[spmem:s21] =	stream.linear.scatter [tilespmem:s25], [sflag:$0x9], $0x2000, $0x38;
	[tilespmem:$0x1E400] =	vst v63  }
0x38: {  	_ =	swait.ge [sflag:s26], $0x2000  }
0x39: {  	[sflag:s26] =	ssyncset.done $0x0  }
0x3a: {  	s22 =	rddreg [dreg:$0x5];
	[sflag:s26] =	ssyncadd.s32 $0xFFFFE000  }
0x3b: {  	[spmem:s22] =	stream.linear.scatter [tilespmem:s25], [sflag:$0x9], $0x2000, $0x38;
	[tilespmem:$0x1E400] =	vst v63  }
0x3c: {  	_ =	swait.ge [sflag:s26], $0x2000  }
0x3d: {  	[sflag:s26] =	ssyncset.done $0x0  }
0x3e: {  	s21 =	rddreg [dreg:$0x6];
	[sflag:s26] =	ssyncadd.s32 $0xFFFFE000  }
0x3f: {  	[spmem:s21] =	stream.linear.scatter [tilespmem:s25], [sflag:$0x9], $0x2000, $0x38;
	[tilespmem:$0x1E400] =	vst v63  }
0x40: {  	_ =	swait.ge [sflag:s26], $0x2000  }
0x41: {  	[sflag:s26] =	ssyncset.done $0x0  }
0x42: {  	s22 =	rddreg [dreg:$0x7];
	[sflag:s26] =	ssyncadd.s32 $0xFFFFE000  }
0x43: {  	[spmem:s22] =	stream.linear.scatter [tilespmem:s25], [sflag:$0x9], $0x2000, $0x38;
	[tilespmem:$0x1E400] =	vst v63  }
0x44: {  	_ =	swait.ge [sflag:s26], $0x2000  }
0x45: {  	[sflag:s26] =	ssyncset.done $0x0  }
0x46: {  	s21 =	rddreg [dreg:$0x8];
	[sflag:s26] =	ssyncadd.s32 $0xFFFFE000  }
0x47: {  	[spmem:s21] =	stream.linear.scatter [tilespmem:s25], [sflag:$0x9], $0x2000, $0x38;
	[tilespmem:$0x1E400] =	vst v63  }
0x48: {  	_ =	swait.ge [sflag:s26], $0x2000  }
0x49: {  	[sflag:s26] =	ssyncset.done $0x0  }
0x4a: {  	s22 =	rddreg [dreg:$0x9];
	[sflag:s26] =	ssyncadd.s32 $0xFFFFE000  }
0x4b: {  	[spmem:s22] =	stream.linear.scatter [tilespmem:s25], [sflag:$0x9], $0x2000, $0x38;
	[tilespmem:$0x1E400] =	vst v63  }
0x4c: {  	_ =	swait.ge [sflag:s26], $0x2000  }
0x4d: {  	[sflag:s26] =	ssyncset.done $0x0  }
0x4e: {  	s21 =	rddreg [dreg:$0xa];
	[sflag:s26] =	ssyncadd.s32 $0xFFFFE000  }
0x4f: {  	[spmem:s21] =	stream.linear.scatter [tilespmem:s25], [sflag:$0x9], $0x2000, $0x38;
	[tilespmem:$0x1E400] =	vst v63  }
0x50: {  	_ =	swait.ge [sflag:s26], $0x2000  }
0x51: {  	[sflag:s26] =	ssyncset.done $0x0  }
0x52: {  	s22 =	rddreg [dreg:$0xb];
	[sflag:s26] =	ssyncadd.s32 $0xFFFFE000  }
0x53: {  	[spmem:s22] =	stream.linear.scatter [tilespmem:s25], [sflag:$0x9], $0x2000, $0x38;
	[tilespmem:$0x1E400] =	vst v63  }
0x54: {  	_ =	swait.ge [sflag:s26], $0x2000  }
0x55: {  	[sflag:s26] =	ssyncset.done $0x0  }
0x56: {  	s21 =	rddreg [dreg:$0x10];
	[sflag:s26] =	ssyncadd.s32 $0xFFFFE000  }
0x57: {  	[spmem:s21] =	stream.linear.scatter [tilespmem:s25], [sflag:$0x9], $0x1C00, $0x38;
	[tilespmem:$0x1E400] =	vst v63  }
0x58: {  	_ =	swait.ge [sflag:s26], $0x1C00  }
0x59: {  	[sflag:s26] =	ssyncset.done $0x0  }
0x5a: {  	[sflag:s26] =	ssyncadd.s32 $0xFFFFE400  }
0x5b: {  	[bflag:$0x0] =	sbarrier.arrive $0xFFFF  }
0x5c: {  	s20 =	simm.s32 $0x0;
	s21 =	rddreg [dreg:$0xc]  }
0x5d: {  	[tilespmem:s20], [sflag:$0x9] =	stream.linear.gather [hbm4b:s21+s20], $0x1400, $0x38;
	[tilespmem:$0x1E400] =	vst v63  }
0x5e: {  	_ =	swait.ge [sflag:s26], $0x1400  }
0x5f: {  	[sflag:s26] =	ssyncset.done $0x0  }
0x60: {  	s22 =	rddreg [dreg:$0x11];
	[sflag:s26] =	ssyncadd.s32 $0xFFFFEC00  }
0x61: {  	[tilespmem:s28], [sflag:$0x9] =	stream.linear.gather [hbm4b:s22+s20], $0x1400, $0x38;
	[tilespmem:$0x1E400] =	vst v63  }
0x62: {  	_ =	swait.ge [sflag:s26], $0x1400  }
0x63: {  	[sflag:s26] =	ssyncset.done $0x0  }
0x64: {  	[sflag:s26] =	ssyncadd.s32 $0xFFFFEC00  }
0x65: {  	[tilespmem:s25], [sflag:$0x1] =	stream.indirect.gather [hbm4b:s1+s29], $0x80, s20, s29, $0xb8;
	[tilespmem:$0x1E400] =	vst v63  }
0x66: {  	_ = 	snop  }
0x67: {  	[tilespmem:s31], [sflag:$0x2] =	stream.indirect.gather [hbm4b:s1+s29], $0x80, s30, s29, $0xb8;
	[tilespmem:$0x1E400] =	vst v63  }
0x68: {  	_ = 	snop  }
0x69: {  	[tilespmem:s0], [sflag:$0x3] =	stream.indirect.gather [hbm4b:s1+s29], $0x80, s2, s29, $0xb8;
	[tilespmem:$0x1E400] =	vst v63  }
0x6a: {  	_ = 	snop  }
0x6b: {  	[tilespmem:s7], [sflag:$0x4] =	stream.indirect.gather [hbm4b:s1+s29], $0x80, s6, s29, $0xb8;
	[tilespmem:$0x1E400] =	vst v63  }
0x6c: {  	_ =	swait.ge [sflag:s8], $0x2000  }
0x6d: {  	[sflag:s8] =	ssyncset.done $0x0  }
0x6e: {  	s22 =	simm.s32 $0x1400;
	[sflag:s8] =	ssyncadd.s32 $0xFFFFE000  }
0x6f: {  	[spmem:s3] =	stream.indirect.scatter.add.f32 [tilespmem:s25], [sflag:$0x5], $0x80, s22, s29, $0xb8;
	[tilespmem:$0x1E400] =	vst v63  }
0x70: {  	_ =	swait.ge [sflag:s9], $0x2000  }
0x71: {  	[sflag:s9] =	ssyncset.done $0x0  }
0x72: {  	s21 =	simm.s32 $0x200;
	[sflag:s9] =	ssyncadd.s32 $0xFFFFE000  }
0x73: {  	[tilespmem:s25], [sflag:$0x1] =	stream.indirect.gather [hbm4b:s1+s29], $0x80, s21, s29, $0xb8;
	[tilespmem:$0x1E400] =	vst v63  }
0x74: {  	_ =	swait.ge [sflag:s10], $0x2000  }
0x75: {  	[sflag:s10] =	ssyncset.done $0x0  }
0x76: {  	s22 =	simm.s32 $0x1480;
	[sflag:s10] =	ssyncadd.s32 $0xFFFFE000  }
0x77: {  	[spmem:s3] =	stream.indirect.scatter.add.f32 [tilespmem:s31], [sflag:$0x6], $0x80, s22, s29, $0xb8;
	[tilespmem:$0x1E400] =	vst v63  }
0x78: {  	_ =	swait.ge [sflag:s11], $0x2000  }
0x79: {  	[sflag:s11] =	ssyncset.done $0x0  }
0x7a: {  	s21 =	simm.s32 $0x280;
	[sflag:s11] =	ssyncadd.s32 $0xFFFFE000  }
0x7b: {  	[tilespmem:s31], [sflag:$0x2] =	stream.indirect.gather [hbm4b:s1+s29], $0x80, s21, s29, $0xb8;
	[tilespmem:$0x1E400] =	vst v63  }
0x7c: {  	_ =	swait.ge [sflag:s12], $0x2000  }
0x7d: {  	[sflag:s12] =	ssyncset.done $0x0  }
0x7e: {  	s22 =	simm.s32 $0x1500;
	[sflag:s12] =	ssyncadd.s32 $0xFFFFE000  }
0x7f: {  	[spmem:s3] =	stream.indirect.scatter.add.f32 [tilespmem:s0], [sflag:$0x7], $0x80, s22, s29, $0xb8;
	[tilespmem:$0x1E400] =	vst v63  }
0x80: {  	_ =	swait.ge [sflag:s13], $0x2000  }
0x81: {  	[sflag:s13] =	ssyncset.done $0x0  }
0x82: {  	s21 =	simm.s32 $0x300;
	[sflag:s13] =	ssyncadd.s32 $0xFFFFE000  }
0x83: {  	[tilespmem:s0], [sflag:$0x3] =	stream.indirect.gather [hbm4b:s1+s29], $0x80, s21, s29, $0xb8;
	[tilespmem:$0x1E400] =	vst v63  }
0x84: {  	_ =	swait.ge [sflag:s14], $0x2000  }
0x85: {  	[sflag:s14] =	ssyncset.done $0x0  }
0x86: {  	s22 =	simm.s32 $0x1580;
	[sflag:s14] =	ssyncadd.s32 $0xFFFFE000  }
0x87: {  	[spmem:s3] =	stream.indirect.scatter.add.f32 [tilespmem:s7], [sflag:$0x8], $0x80, s22, s29, $0xb8;
	[tilespmem:$0x1E400] =	vst v63  }
0x88: {  	_ =	swait.ge [sflag:s15], $0x2000  }
0x89: {  	[sflag:s15] =	ssyncset.done $0x0  }
0x8a: {  	s20 =	simm.s32 $0x800;
	s21 =	simm.s32 $0x380;
	[sflag:s15] =	ssyncadd.s32 $0xFFFFE000  }
.LBB2_4:
0x8b: {  	[tilespmem:s7], [sflag:$0x4] =	stream.indirect.gather [hbm4b:s1+s29], $0x80, s21, s29, $0xb8;
	[tilespmem:$0x1E400] =	vst v63  }
0x8c: {  	s21 =	smov.u32 s20  }
0x8d: {  	p0 =	sne.s32 s20, $0x4000;
	s20 =	sadd.s32 $0x800, s20;
	_ =	swait.ge [sflag:s8], $0x2000  }
0x8e: {  	s21 =	sshra.s32 s21, $0x2;
	[sflag:s8] =	ssyncset.done $0x0  }
0x8f: {  	s22 =	sadd.s32 $0x1400, s21;
	[sflag:s8] =	ssyncadd.s32 $0xFFFFE000  }
0x90: {  	[spmem:s3] =	stream.indirect.scatter.add.f32 [tilespmem:s25], [sflag:$0x5], $0x80, s22, s29, $0xb8;
	[tilespmem:$0x1E400] =	vst v63  }
0x91: {  	_ =	swait.ge [sflag:s9], $0x2000  }
0x92: {  	[sflag:s9] =	ssyncset.done $0x0  }
0x93: {  	s22 =	sadd.s32 $0x200, s21;
	[sflag:s9] =	ssyncadd.s32 $0xFFFFE000  }
0x94: {  	[tilespmem:s25], [sflag:$0x1] =	stream.indirect.gather [hbm4b:s1+s29], $0x80, s22, s29, $0xb8;
	[tilespmem:$0x1E400] =	vst v63  }
0x95: {  	_ =	swait.ge [sflag:s10], $0x2000  }
0x96: {  	[sflag:s10] =	ssyncset.done $0x0  }
0x97: {  	s22 =	sadd.s32 $0x1480, s21;
	[sflag:s10] =	ssyncadd.s32 $0xFFFFE000  }
0x98: {  	[spmem:s3] =	stream.indirect.scatter.add.f32 [tilespmem:s31], [sflag:$0x6], $0x80, s22, s29, $0xb8;
	[tilespmem:$0x1E400] =	vst v63  }
0x99: {  	_ =	swait.ge [sflag:s11], $0x2000  }
0x9a: {  	[sflag:s11] =	ssyncset.done $0x0  }
0x9b: {  	s22 =	sadd.s32 $0x280, s21;
	[sflag:s11] =	ssyncadd.s32 $0xFFFFE000  }
0x9c: {  	[tilespmem:s31], [sflag:$0x2] =	stream.indirect.gather [hbm4b:s1+s29], $0x80, s22, s29, $0xb8;
	[tilespmem:$0x1E400] =	vst v63  }
0x9d: {  	_ =	swait.ge [sflag:s12], $0x2000  }
0x9e: {  	[sflag:s12] =	ssyncset.done $0x0  }
0x9f: {  	s22 =	sadd.s32 $0x1500, s21;
	[sflag:s12] =	ssyncadd.s32 $0xFFFFE000  }
0xa0: {  	[spmem:s3] =	stream.indirect.scatter.add.f32 [tilespmem:s0], [sflag:$0x7], $0x80, s22, s29, $0xb8;
	[tilespmem:$0x1E400] =	vst v63  }
0xa1: {  	_ =	swait.ge [sflag:s13], $0x2000  }
0xa2: {  	[sflag:s13] =	ssyncset.done $0x0  }
0xa3: {  	s22 =	sadd.s32 $0x300, s21;
	[sflag:s13] =	ssyncadd.s32 $0xFFFFE000  }
0xa4: {  	[tilespmem:s0], [sflag:$0x3] =	stream.indirect.gather [hbm4b:s1+s29], $0x80, s22, s29, $0xb8;
	[tilespmem:$0x1E400] =	vst v63  }
0xa5: {  	_ =	swait.ge [sflag:s14], $0x2000  }
0xa6: {  	[sflag:s14] =	ssyncset.done $0x0  }
.Ltmp1:
0xa7: {  	s22 =	sadd.s32 $0x1580, s21;
	[sflag:s14] =	ssyncadd.s32 $0xFFFFE000;
	(pc) =	sbr.rel @p0 .LBB2_4-.Ltmp1, $4  }
0xa8: {  	[spmem:s3] =	stream.indirect.scatter.add.f32 [tilespmem:s7], [sflag:$0x8], $0x80, s22, s29, $0xb8;
	[tilespmem:$0x1E400] =	vst v63  }
0xa9: {  	_ =	swait.ge [sflag:s15], $0x2000  }
0xaa: {  	[sflag:s15] =	ssyncset.done $0x0  }
0xab: {  	s21 =	sadd.s32 $0x380, s21;
	[sflag:s15] =	ssyncadd.s32 $0xFFFFE000  }
0xac: {  	[tilespmem:s7], [sflag:$0x4] =	stream.indirect.gather [hbm4b:s1+s29], $0x80, s21, s29, $0xb8;
	[tilespmem:$0x1E400] =	vst v63  }
0xad: {  	_ =	swait.ge [sflag:s8], $0x2000  }
0xae: {  	[sflag:s8] =	ssyncset.done $0x0  }
0xaf: {  	[sflag:s8] =	ssyncadd.s32 $0xFFFFE000  }
0xb0: {  	[spmem:s3] =	stream.indirect.scatter.add.f32 [tilespmem:s25], [sflag:$0x5], $0x80, s16, s29, $0xb8;
	[tilespmem:$0x1E400] =	vst v63  }
0xb1: {  	_ =	swait.ge [sflag:s10], $0x2000  }
0xb2: {  	[sflag:s10] =	ssyncset.done $0x0  }
0xb3: {  	[sflag:s10] =	ssyncadd.s32 $0xFFFFE000  }
0xb4: {  	[spmem:s3] =	stream.indirect.scatter.add.f32 [tilespmem:s31], [sflag:$0x6], $0x80, s17, s29, $0xb8;
	[tilespmem:$0x1E400] =	vst v63  }
0xb5: {  	_ =	swait.ge [sflag:s12], $0x2000  }
0xb6: {  	[sflag:s12] =	ssyncset.done $0x0  }
0xb7: {  	[sflag:s12] =	ssyncadd.s32 $0xFFFFE000  }
0xb8: {  	[spmem:s3] =	stream.indirect.scatter.add.f32 [tilespmem:s0], [sflag:$0x7], $0x80, s18, s29, $0xb8;
	[tilespmem:$0x1E400] =	vst v63  }
0xb9: {  	_ =	swait.ge [sflag:s14], $0x2000  }
0xba: {  	[sflag:s14] =	ssyncset.done $0x0  }
0xbb: {  	[sflag:s14] =	ssyncadd.s32 $0xFFFFE000  }
0xbc: {  	[spmem:s3] =	stream.indirect.scatter.add.f32 [tilespmem:s7], [sflag:$0x8], $0x80, s19, s29, $0xb8;
	[tilespmem:$0x1E400] =	vst v63  }
0xbd: {  	_ =	swait.ge [sflag:s9], $0x2000  }
0xbe: {  	[sflag:s9] =	ssyncset.done $0x0  }
0xbf: {  	[sflag:s9] =	ssyncadd.s32 $0xFFFFE000  }
0xc0: {  	_ =	swait.ge [sflag:s11], $0x2000  }
0xc1: {  	[sflag:s11] =	ssyncset.done $0x0  }
0xc2: {  	[sflag:s11] =	ssyncadd.s32 $0xFFFFE000  }
0xc3: {  	_ =	swait.ge [sflag:s13], $0x2000  }
0xc4: {  	[sflag:s13] =	ssyncset.done $0x0  }
0xc5: {  	[sflag:s13] =	ssyncadd.s32 $0xFFFFE000  }
0xc6: {  	_ =	swait.ge [sflag:s15], $0x2000  }
0xc7: {  	[sflag:s15] =	ssyncset.done $0x0  }
0xc8: {  	s20 =	simm.s32 $0x0;
	s22 =	rddreg [dreg:$0xd];
	[sflag:s15] =	ssyncadd.s32 $0xFFFFE000  }
0xc9: {  	[tilespmem:s20], [sflag:$0x9] =	stream.linear.gather [hbm4b:s22+s20], $0x1400, $0x38;
	[tilespmem:$0x1E400] =	vst v63  }
0xca: {  	_ =	swait.ge [sflag:s26], $0x1400  }
0xcb: {  	[sflag:s26] =	ssyncset.done $0x0  }
0xcc: {  	s22 =	rddreg [dreg:$0x12];
	[sflag:s26] =	ssyncadd.s32 $0xFFFFEC00  }
0xcd: {  	[tilespmem:s28], [sflag:$0x9] =	stream.linear.gather [hbm4b:s22+s20], $0x1400, $0x38;
	[tilespmem:$0x1E400] =	vst v63  }
0xce: {  	_ =	swait.ge [sflag:s26], $0x1400  }
0xcf: {  	[sflag:s26] =	ssyncset.done $0x0  }
0xd0: {  	[sflag:s26] =	ssyncadd.s32 $0xFFFFEC00  }
0xd1: {  	[tilespmem:s25], [sflag:$0x1] =	stream.indirect.gather [hbm4b:s1+s29], $0x80, s20, s29, $0xb8;
	[tilespmem:$0x1E400] =	vst v63  }
0xd2: {  	_ = 	snop  }
0xd3: {  	[tilespmem:s31], [sflag:$0x2] =	stream.indirect.gather [hbm4b:s1+s29], $0x80, s30, s29, $0xb8;
	[tilespmem:$0x1E400] =	vst v63  }
0xd4: {  	_ = 	snop  }
0xd5: {  	[tilespmem:s0], [sflag:$0x3] =	stream.indirect.gather [hbm4b:s1+s29], $0x80, s2, s29, $0xb8;
	[tilespmem:$0x1E400] =	vst v63  }
0xd6: {  	_ = 	snop  }
0xd7: {  	[tilespmem:s7], [sflag:$0x4] =	stream.indirect.gather [hbm4b:s1+s29], $0x80, s6, s29, $0xb8;
	[tilespmem:$0x1E400] =	vst v63  }
0xd8: {  	_ =	swait.ge [sflag:s8], $0x2000  }
0xd9: {  	[sflag:s8] =	ssyncset.done $0x0  }
0xda: {  	s22 =	simm.s32 $0x1400;
	[sflag:s8] =	ssyncadd.s32 $0xFFFFE000  }
0xdb: {  	[spmem:s3] =	stream.indirect.scatter.add.f32 [tilespmem:s25], [sflag:$0x5], $0x80, s22, s29, $0xb8;
	[tilespmem:$0x1E400] =	vst v63  }
0xdc: {  	_ =	swait.ge [sflag:s9], $0x2000  }
0xdd: {  	[sflag:s9] =	ssyncset.done $0x0  }
0xde: {  	s21 =	simm.s32 $0x200;
	[sflag:s9] =	ssyncadd.s32 $0xFFFFE000  }
0xdf: {  	[tilespmem:s25], [sflag:$0x1] =	stream.indirect.gather [hbm4b:s1+s29], $0x80, s21, s29, $0xb8;
	[tilespmem:$0x1E400] =	vst v63  }
0xe0: {  	_ =	swait.ge [sflag:s10], $0x2000  }
0xe1: {  	[sflag:s10] =	ssyncset.done $0x0  }
0xe2: {  	s22 =	simm.s32 $0x1480;
	[sflag:s10] =	ssyncadd.s32 $0xFFFFE000  }
0xe3: {  	[spmem:s3] =	stream.indirect.scatter.add.f32 [tilespmem:s31], [sflag:$0x6], $0x80, s22, s29, $0xb8;
	[tilespmem:$0x1E400] =	vst v63  }
0xe4: {  	_ =	swait.ge [sflag:s11], $0x2000  }
0xe5: {  	[sflag:s11] =	ssyncset.done $0x0  }
0xe6: {  	s21 =	simm.s32 $0x280;
	[sflag:s11] =	ssyncadd.s32 $0xFFFFE000  }
0xe7: {  	[tilespmem:s31], [sflag:$0x2] =	stream.indirect.gather [hbm4b:s1+s29], $0x80, s21, s29, $0xb8;
	[tilespmem:$0x1E400] =	vst v63  }
0xe8: {  	_ =	swait.ge [sflag:s12], $0x2000  }
0xe9: {  	[sflag:s12] =	ssyncset.done $0x0  }
0xea: {  	s22 =	simm.s32 $0x1500;
	[sflag:s12] =	ssyncadd.s32 $0xFFFFE000  }
0xeb: {  	[spmem:s3] =	stream.indirect.scatter.add.f32 [tilespmem:s0], [sflag:$0x7], $0x80, s22, s29, $0xb8;
	[tilespmem:$0x1E400] =	vst v63  }
0xec: {  	_ =	swait.ge [sflag:s13], $0x2000  }
0xed: {  	[sflag:s13] =	ssyncset.done $0x0  }
0xee: {  	s21 =	simm.s32 $0x300;
	[sflag:s13] =	ssyncadd.s32 $0xFFFFE000  }
0xef: {  	[tilespmem:s0], [sflag:$0x3] =	stream.indirect.gather [hbm4b:s1+s29], $0x80, s21, s29, $0xb8;
	[tilespmem:$0x1E400] =	vst v63  }
0xf0: {  	_ =	swait.ge [sflag:s14], $0x2000  }
0xf1: {  	[sflag:s14] =	ssyncset.done $0x0  }
0xf2: {  	s22 =	simm.s32 $0x1580;
	[sflag:s14] =	ssyncadd.s32 $0xFFFFE000  }
0xf3: {  	[spmem:s3] =	stream.indirect.scatter.add.f32 [tilespmem:s7], [sflag:$0x8], $0x80, s22, s29, $0xb8;
	[tilespmem:$0x1E400] =	vst v63  }
0xf4: {  	_ =	swait.ge [sflag:s15], $0x2000  }
0xf5: {  	[sflag:s15] =	ssyncset.done $0x0  }
0xf6: {  	s20 =	simm.s32 $0x800;
	s21 =	simm.s32 $0x380;
	[sflag:s15] =	ssyncadd.s32 $0xFFFFE000  }
.LBB2_6:
0xf7: {  	[tilespmem:s7], [sflag:$0x4] =	stream.indirect.gather [hbm4b:s1+s29], $0x80, s21, s29, $0xb8;
	[tilespmem:$0x1E400] =	vst v63  }
0xf8: {  	s21 =	smov.u32 s20  }
0xf9: {  	p0 =	sne.s32 s20, $0x4000;
	s20 =	sadd.s32 $0x800, s20;
	_ =	swait.ge [sflag:s8], $0x2000  }
0xfa: {  	s21 =	sshra.s32 s21, $0x2;
	[sflag:s8] =	ssyncset.done $0x0  }
0xfb: {  	s22 =	sadd.s32 $0x1400, s21;
	[sflag:s8] =	ssyncadd.s32 $0xFFFFE000  }
0xfc: {  	[spmem:s3] =	stream.indirect.scatter.add.f32 [tilespmem:s25], [sflag:$0x5], $0x80, s22, s29, $0xb8;
	[tilespmem:$0x1E400] =	vst v63  }
0xfd: {  	_ =	swait.ge [sflag:s9], $0x2000  }
0xfe: {  	[sflag:s9] =	ssyncset.done $0x0  }
0xff: {  	s22 =	sadd.s32 $0x200, s21;
	[sflag:s9] =	ssyncadd.s32 $0xFFFFE000  }
0x100: {  	[tilespmem:s25], [sflag:$0x1] =	stream.indirect.gather [hbm4b:s1+s29], $0x80, s22, s29, $0xb8;
	[tilespmem:$0x1E400] =	vst v63  }
0x101: {  	_ =	swait.ge [sflag:s10], $0x2000  }
0x102: {  	[sflag:s10] =	ssyncset.done $0x0  }
0x103: {  	s22 =	sadd.s32 $0x1480, s21;
	[sflag:s10] =	ssyncadd.s32 $0xFFFFE000  }
0x104: {  	[spmem:s3] =	stream.indirect.scatter.add.f32 [tilespmem:s31], [sflag:$0x6], $0x80, s22, s29, $0xb8;
	[tilespmem:$0x1E400] =	vst v63  }
0x105: {  	_ =	swait.ge [sflag:s11], $0x2000  }
0x106: {  	[sflag:s11] =	ssyncset.done $0x0  }
0x107: {  	s22 =	sadd.s32 $0x280, s21;
	[sflag:s11] =	ssyncadd.s32 $0xFFFFE000  }
0x108: {  	[tilespmem:s31], [sflag:$0x2] =	stream.indirect.gather [hbm4b:s1+s29], $0x80, s22, s29, $0xb8;
	[tilespmem:$0x1E400] =	vst v63  }
0x109: {  	_ =	swait.ge [sflag:s12], $0x2000  }
0x10a: {  	[sflag:s12] =	ssyncset.done $0x0  }
0x10b: {  	s22 =	sadd.s32 $0x1500, s21;
	[sflag:s12] =	ssyncadd.s32 $0xFFFFE000  }
0x10c: {  	[spmem:s3] =	stream.indirect.scatter.add.f32 [tilespmem:s0], [sflag:$0x7], $0x80, s22, s29, $0xb8;
	[tilespmem:$0x1E400] =	vst v63  }
0x10d: {  	_ =	swait.ge [sflag:s13], $0x2000  }
0x10e: {  	[sflag:s13] =	ssyncset.done $0x0  }
0x10f: {  	s22 =	sadd.s32 $0x300, s21;
	[sflag:s13] =	ssyncadd.s32 $0xFFFFE000  }
0x110: {  	[tilespmem:s0], [sflag:$0x3] =	stream.indirect.gather [hbm4b:s1+s29], $0x80, s22, s29, $0xb8;
	[tilespmem:$0x1E400] =	vst v63  }
0x111: {  	_ =	swait.ge [sflag:s14], $0x2000  }
0x112: {  	[sflag:s14] =	ssyncset.done $0x0  }
.Ltmp2:
0x113: {  	s22 =	sadd.s32 $0x1580, s21;
	[sflag:s14] =	ssyncadd.s32 $0xFFFFE000;
	(pc) =	sbr.rel @p0 .LBB2_6-.Ltmp2, $4  }
0x114: {  	[spmem:s3] =	stream.indirect.scatter.add.f32 [tilespmem:s7], [sflag:$0x8], $0x80, s22, s29, $0xb8;
	[tilespmem:$0x1E400] =	vst v63  }
0x115: {  	_ =	swait.ge [sflag:s15], $0x2000  }
0x116: {  	[sflag:s15] =	ssyncset.done $0x0  }
0x117: {  	s21 =	sadd.s32 $0x380, s21;
	[sflag:s15] =	ssyncadd.s32 $0xFFFFE000  }
0x118: {  	[tilespmem:s7], [sflag:$0x4] =	stream.indirect.gather [hbm4b:s1+s29], $0x80, s21, s29, $0xb8;
	[tilespmem:$0x1E400] =	vst v63  }
0x119: {  	_ =	swait.ge [sflag:s8], $0x2000  }
0x11a: {  	[sflag:s8] =	ssyncset.done $0x0  }
0x11b: {  	[sflag:s8] =	ssyncadd.s32 $0xFFFFE000  }
0x11c: {  	[spmem:s3] =	stream.indirect.scatter.add.f32 [tilespmem:s25], [sflag:$0x5], $0x80, s16, s29, $0xb8;
	[tilespmem:$0x1E400] =	vst v63  }
0x11d: {  	_ =	swait.ge [sflag:s10], $0x2000  }
0x11e: {  	[sflag:s10] =	ssyncset.done $0x0  }
0x11f: {  	[sflag:s10] =	ssyncadd.s32 $0xFFFFE000  }
0x120: {  	[spmem:s3] =	stream.indirect.scatter.add.f32 [tilespmem:s31], [sflag:$0x6], $0x80, s17, s29, $0xb8;
	[tilespmem:$0x1E400] =	vst v63  }
0x121: {  	_ =	swait.ge [sflag:s12], $0x2000  }
0x122: {  	[sflag:s12] =	ssyncset.done $0x0  }
0x123: {  	[sflag:s12] =	ssyncadd.s32 $0xFFFFE000  }
0x124: {  	[spmem:s3] =	stream.indirect.scatter.add.f32 [tilespmem:s0], [sflag:$0x7], $0x80, s18, s29, $0xb8;
	[tilespmem:$0x1E400] =	vst v63  }
0x125: {  	_ =	swait.ge [sflag:s14], $0x2000  }
0x126: {  	[sflag:s14] =	ssyncset.done $0x0  }
0x127: {  	[sflag:s14] =	ssyncadd.s32 $0xFFFFE000  }
0x128: {  	[spmem:s3] =	stream.indirect.scatter.add.f32 [tilespmem:s7], [sflag:$0x8], $0x80, s19, s29, $0xb8;
	[tilespmem:$0x1E400] =	vst v63  }
0x129: {  	_ =	swait.ge [sflag:s9], $0x2000  }
0x12a: {  	[sflag:s9] =	ssyncset.done $0x0  }
0x12b: {  	[sflag:s9] =	ssyncadd.s32 $0xFFFFE000  }
0x12c: {  	_ =	swait.ge [sflag:s11], $0x2000  }
0x12d: {  	[sflag:s11] =	ssyncset.done $0x0  }
0x12e: {  	[sflag:s11] =	ssyncadd.s32 $0xFFFFE000  }
0x12f: {  	_ =	swait.ge [sflag:s13], $0x2000  }
0x130: {  	[sflag:s13] =	ssyncset.done $0x0  }
0x131: {  	[sflag:s13] =	ssyncadd.s32 $0xFFFFE000  }
0x132: {  	_ =	swait.ge [sflag:s15], $0x2000  }
0x133: {  	[sflag:s15] =	ssyncset.done $0x0  }
0x134: {  	s20 =	simm.s32 $0x0;
	s22 =	rddreg [dreg:$0xe];
	[sflag:s15] =	ssyncadd.s32 $0xFFFFE000  }
0x135: {  	[tilespmem:s20], [sflag:$0x9] =	stream.linear.gather [hbm4b:s22+s20], $0x1400, $0x38;
	[tilespmem:$0x1E400] =	vst v63  }
0x136: {  	_ =	swait.ge [sflag:s26], $0x1400  }
0x137: {  	[sflag:s26] =	ssyncset.done $0x0  }
0x138: {  	s22 =	rddreg [dreg:$0x13];
	[sflag:s26] =	ssyncadd.s32 $0xFFFFEC00  }
0x139: {  	[tilespmem:s28], [sflag:$0x9] =	stream.linear.gather [hbm4b:s22+s20], $0x1400, $0x38;
	[tilespmem:$0x1E400] =	vst v63  }
0x13a: {  	_ =	swait.ge [sflag:s26], $0x1400  }
0x13b: {  	[sflag:s26] =	ssyncset.done $0x0  }
0x13c: {  	[sflag:s26] =	ssyncadd.s32 $0xFFFFEC00  }
0x13d: {  	[tilespmem:s25], [sflag:$0x1] =	stream.indirect.gather [hbm4b:s1+s29], $0x80, s20, s29, $0xb8;
	[tilespmem:$0x1E400] =	vst v63  }
0x13e: {  	_ = 	snop  }
0x13f: {  	[tilespmem:s31], [sflag:$0x2] =	stream.indirect.gather [hbm4b:s1+s29], $0x80, s30, s29, $0xb8;
	[tilespmem:$0x1E400] =	vst v63  }
0x140: {  	_ = 	snop  }
0x141: {  	[tilespmem:s0], [sflag:$0x3] =	stream.indirect.gather [hbm4b:s1+s29], $0x80, s2, s29, $0xb8;
	[tilespmem:$0x1E400] =	vst v63  }
0x142: {  	_ = 	snop  }
0x143: {  	[tilespmem:s7], [sflag:$0x4] =	stream.indirect.gather [hbm4b:s1+s29], $0x80, s6, s29, $0xb8;
	[tilespmem:$0x1E400] =	vst v63  }
0x144: {  	_ =	swait.ge [sflag:s8], $0x2000  }
0x145: {  	[sflag:s8] =	ssyncset.done $0x0  }
0x146: {  	s22 =	simm.s32 $0x1400;
	[sflag:s8] =	ssyncadd.s32 $0xFFFFE000  }
0x147: {  	[spmem:s3] =	stream.indirect.scatter.add.f32 [tilespmem:s25], [sflag:$0x5], $0x80, s22, s29, $0xb8;
	[tilespmem:$0x1E400] =	vst v63  }
0x148: {  	_ =	swait.ge [sflag:s9], $0x2000  }
0x149: {  	[sflag:s9] =	ssyncset.done $0x0  }
0x14a: {  	s21 =	simm.s32 $0x200;
	[sflag:s9] =	ssyncadd.s32 $0xFFFFE000  }
0x14b: {  	[tilespmem:s25], [sflag:$0x1] =	stream.indirect.gather [hbm4b:s1+s29], $0x80, s21, s29, $0xb8;
	[tilespmem:$0x1E400] =	vst v63  }
0x14c: {  	_ =	swait.ge [sflag:s10], $0x2000  }
0x14d: {  	[sflag:s10] =	ssyncset.done $0x0  }
0x14e: {  	s22 =	simm.s32 $0x1480;
	[sflag:s10] =	ssyncadd.s32 $0xFFFFE000  }
0x14f: {  	[spmem:s3] =	stream.indirect.scatter.add.f32 [tilespmem:s31], [sflag:$0x6], $0x80, s22, s29, $0xb8;
	[tilespmem:$0x1E400] =	vst v63  }
0x150: {  	_ =	swait.ge [sflag:s11], $0x2000  }
0x151: {  	[sflag:s11] =	ssyncset.done $0x0  }
0x152: {  	s21 =	simm.s32 $0x280;
	[sflag:s11] =	ssyncadd.s32 $0xFFFFE000  }
0x153: {  	[tilespmem:s31], [sflag:$0x2] =	stream.indirect.gather [hbm4b:s1+s29], $0x80, s21, s29, $0xb8;
	[tilespmem:$0x1E400] =	vst v63  }
0x154: {  	_ =	swait.ge [sflag:s12], $0x2000  }
0x155: {  	[sflag:s12] =	ssyncset.done $0x0  }
0x156: {  	s22 =	simm.s32 $0x1500;
	[sflag:s12] =	ssyncadd.s32 $0xFFFFE000  }
0x157: {  	[spmem:s3] =	stream.indirect.scatter.add.f32 [tilespmem:s0], [sflag:$0x7], $0x80, s22, s29, $0xb8;
	[tilespmem:$0x1E400] =	vst v63  }
0x158: {  	_ =	swait.ge [sflag:s13], $0x2000  }
0x159: {  	[sflag:s13] =	ssyncset.done $0x0  }
0x15a: {  	s21 =	simm.s32 $0x300;
	[sflag:s13] =	ssyncadd.s32 $0xFFFFE000  }
0x15b: {  	[tilespmem:s0], [sflag:$0x3] =	stream.indirect.gather [hbm4b:s1+s29], $0x80, s21, s29, $0xb8;
	[tilespmem:$0x1E400] =	vst v63  }
0x15c: {  	_ =	swait.ge [sflag:s14], $0x2000  }
0x15d: {  	[sflag:s14] =	ssyncset.done $0x0  }
0x15e: {  	s22 =	simm.s32 $0x1580;
	[sflag:s14] =	ssyncadd.s32 $0xFFFFE000  }
0x15f: {  	[spmem:s3] =	stream.indirect.scatter.add.f32 [tilespmem:s7], [sflag:$0x8], $0x80, s22, s29, $0xb8;
	[tilespmem:$0x1E400] =	vst v63  }
0x160: {  	_ =	swait.ge [sflag:s15], $0x2000  }
0x161: {  	[sflag:s15] =	ssyncset.done $0x0  }
0x162: {  	s20 =	simm.s32 $0x800;
	s21 =	simm.s32 $0x380;
	[sflag:s15] =	ssyncadd.s32 $0xFFFFE000  }
.LBB2_8:
0x163: {  	[tilespmem:s7], [sflag:$0x4] =	stream.indirect.gather [hbm4b:s1+s29], $0x80, s21, s29, $0xb8;
	[tilespmem:$0x1E400] =	vst v63  }
0x164: {  	s21 =	smov.u32 s20  }
0x165: {  	p0 =	sne.s32 s20, $0x4000;
	s20 =	sadd.s32 $0x800, s20;
	_ =	swait.ge [sflag:s8], $0x2000  }
0x166: {  	s21 =	sshra.s32 s21, $0x2;
	[sflag:s8] =	ssyncset.done $0x0  }
0x167: {  	s22 =	sadd.s32 $0x1400, s21;
	[sflag:s8] =	ssyncadd.s32 $0xFFFFE000  }
0x168: {  	[spmem:s3] =	stream.indirect.scatter.add.f32 [tilespmem:s25], [sflag:$0x5], $0x80, s22, s29, $0xb8;
	[tilespmem:$0x1E400] =	vst v63  }
0x169: {  	_ =	swait.ge [sflag:s9], $0x2000  }
0x16a: {  	[sflag:s9] =	ssyncset.done $0x0  }
0x16b: {  	s22 =	sadd.s32 $0x200, s21;
	[sflag:s9] =	ssyncadd.s32 $0xFFFFE000  }
0x16c: {  	[tilespmem:s25], [sflag:$0x1] =	stream.indirect.gather [hbm4b:s1+s29], $0x80, s22, s29, $0xb8;
	[tilespmem:$0x1E400] =	vst v63  }
0x16d: {  	_ =	swait.ge [sflag:s10], $0x2000  }
0x16e: {  	[sflag:s10] =	ssyncset.done $0x0  }
0x16f: {  	s22 =	sadd.s32 $0x1480, s21;
	[sflag:s10] =	ssyncadd.s32 $0xFFFFE000  }
0x170: {  	[spmem:s3] =	stream.indirect.scatter.add.f32 [tilespmem:s31], [sflag:$0x6], $0x80, s22, s29, $0xb8;
	[tilespmem:$0x1E400] =	vst v63  }
0x171: {  	_ =	swait.ge [sflag:s11], $0x2000  }
0x172: {  	[sflag:s11] =	ssyncset.done $0x0  }
0x173: {  	s22 =	sadd.s32 $0x280, s21;
	[sflag:s11] =	ssyncadd.s32 $0xFFFFE000  }
0x174: {  	[tilespmem:s31], [sflag:$0x2] =	stream.indirect.gather [hbm4b:s1+s29], $0x80, s22, s29, $0xb8;
	[tilespmem:$0x1E400] =	vst v63  }
0x175: {  	_ =	swait.ge [sflag:s12], $0x2000  }
0x176: {  	[sflag:s12] =	ssyncset.done $0x0  }
0x177: {  	s22 =	sadd.s32 $0x1500, s21;
	[sflag:s12] =	ssyncadd.s32 $0xFFFFE000  }
0x178: {  	[spmem:s3] =	stream.indirect.scatter.add.f32 [tilespmem:s0], [sflag:$0x7], $0x80, s22, s29, $0xb8;
	[tilespmem:$0x1E400] =	vst v63  }
0x179: {  	_ =	swait.ge [sflag:s13], $0x2000  }
0x17a: {  	[sflag:s13] =	ssyncset.done $0x0  }
0x17b: {  	s22 =	sadd.s32 $0x300, s21;
	[sflag:s13] =	ssyncadd.s32 $0xFFFFE000  }
0x17c: {  	[tilespmem:s0], [sflag:$0x3] =	stream.indirect.gather [hbm4b:s1+s29], $0x80, s22, s29, $0xb8;
	[tilespmem:$0x1E400] =	vst v63  }
0x17d: {  	_ =	swait.ge [sflag:s14], $0x2000  }
0x17e: {  	[sflag:s14] =	ssyncset.done $0x0  }
.Ltmp3:
0x17f: {  	s22 =	sadd.s32 $0x1580, s21;
	[sflag:s14] =	ssyncadd.s32 $0xFFFFE000;
	(pc) =	sbr.rel @p0 .LBB2_8-.Ltmp3, $4  }
0x180: {  	[spmem:s3] =	stream.indirect.scatter.add.f32 [tilespmem:s7], [sflag:$0x8], $0x80, s22, s29, $0xb8;
	[tilespmem:$0x1E400] =	vst v63  }
0x181: {  	_ =	swait.ge [sflag:s15], $0x2000  }
0x182: {  	[sflag:s15] =	ssyncset.done $0x0  }
0x183: {  	s21 =	sadd.s32 $0x380, s21;
	[sflag:s15] =	ssyncadd.s32 $0xFFFFE000  }
0x184: {  	[tilespmem:s7], [sflag:$0x4] =	stream.indirect.gather [hbm4b:s1+s29], $0x80, s21, s29, $0xb8;
	[tilespmem:$0x1E400] =	vst v63  }
0x185: {  	_ =	swait.ge [sflag:s8], $0x2000  }
0x186: {  	[sflag:s8] =	ssyncset.done $0x0  }
0x187: {  	[sflag:s8] =	ssyncadd.s32 $0xFFFFE000  }
0x188: {  	[spmem:s3] =	stream.indirect.scatter.add.f32 [tilespmem:s25], [sflag:$0x5], $0x80, s16, s29, $0xb8;
	[tilespmem:$0x1E400] =	vst v63  }
0x189: {  	_ =	swait.ge [sflag:s10], $0x2000  }
0x18a: {  	[sflag:s10] =	ssyncset.done $0x0  }
0x18b: {  	[sflag:s10] =	ssyncadd.s32 $0xFFFFE000  }
0x18c: {  	[spmem:s3] =	stream.indirect.scatter.add.f32 [tilespmem:s31], [sflag:$0x6], $0x80, s17, s29, $0xb8;
	[tilespmem:$0x1E400] =	vst v63  }
0x18d: {  	_ =	swait.ge [sflag:s12], $0x2000  }
0x18e: {  	[sflag:s12] =	ssyncset.done $0x0  }
0x18f: {  	[sflag:s12] =	ssyncadd.s32 $0xFFFFE000  }
0x190: {  	[spmem:s3] =	stream.indirect.scatter.add.f32 [tilespmem:s0], [sflag:$0x7], $0x80, s18, s29, $0xb8;
	[tilespmem:$0x1E400] =	vst v63  }
0x191: {  	_ =	swait.ge [sflag:s14], $0x2000  }
0x192: {  	[sflag:s14] =	ssyncset.done $0x0  }
0x193: {  	[sflag:s14] =	ssyncadd.s32 $0xFFFFE000  }
0x194: {  	[spmem:s3] =	stream.indirect.scatter.add.f32 [tilespmem:s7], [sflag:$0x8], $0x80, s19, s29, $0xb8;
	[tilespmem:$0x1E400] =	vst v63  }
0x195: {  	_ =	swait.ge [sflag:s9], $0x2000  }
0x196: {  	[sflag:s9] =	ssyncset.done $0x0  }
0x197: {  	[sflag:s9] =	ssyncadd.s32 $0xFFFFE000  }
0x198: {  	_ =	swait.ge [sflag:s11], $0x2000  }
0x199: {  	[sflag:s11] =	ssyncset.done $0x0  }
0x19a: {  	[sflag:s11] =	ssyncadd.s32 $0xFFFFE000  }
0x19b: {  	_ =	swait.ge [sflag:s13], $0x2000  }
0x19c: {  	[sflag:s13] =	ssyncset.done $0x0  }
0x19d: {  	[sflag:s13] =	ssyncadd.s32 $0xFFFFE000  }
0x19e: {  	_ =	swait.ge [sflag:s15], $0x2000  }
0x19f: {  	[sflag:s15] =	ssyncset.done $0x0  }
0x1a0: {  	s20 =	simm.s32 $0x0;
	s22 =	rddreg [dreg:$0xf];
	[sflag:s15] =	ssyncadd.s32 $0xFFFFE000  }
0x1a1: {  	[tilespmem:s20], [sflag:$0x9] =	stream.linear.gather [hbm4b:s22+s20], $0x1400, $0x38;
	[tilespmem:$0x1E400] =	vst v63  }
0x1a2: {  	_ =	swait.ge [sflag:s26], $0x1400  }
0x1a3: {  	[sflag:s26] =	ssyncset.done $0x0  }
0x1a4: {  	s22 =	rddreg [dreg:$0x14];
	[sflag:s26] =	ssyncadd.s32 $0xFFFFEC00  }
0x1a5: {  	[tilespmem:s28], [sflag:$0x9] =	stream.linear.gather [hbm4b:s22+s20], $0x1400, $0x38;
	[tilespmem:$0x1E400] =	vst v63  }
0x1a6: {  	_ =	swait.ge [sflag:s26], $0x1400  }
0x1a7: {  	[sflag:s26] =	ssyncset.done $0x0  }
0x1a8: {  	[sflag:s26] =	ssyncadd.s32 $0xFFFFEC00  }
0x1a9: {  	[tilespmem:s25], [sflag:$0x1] =	stream.indirect.gather [hbm4b:s1+s29], $0x80, s20, s29, $0xb8;
	[tilespmem:$0x1E400] =	vst v63  }
0x1aa: {  	_ = 	snop  }
0x1ab: {  	[tilespmem:s31], [sflag:$0x2] =	stream.indirect.gather [hbm4b:s1+s29], $0x80, s30, s29, $0xb8;
	[tilespmem:$0x1E400] =	vst v63  }
0x1ac: {  	_ = 	snop  }
0x1ad: {  	[tilespmem:s0], [sflag:$0x3] =	stream.indirect.gather [hbm4b:s1+s29], $0x80, s2, s29, $0xb8;
	[tilespmem:$0x1E400] =	vst v63  }
0x1ae: {  	_ = 	snop  }
0x1af: {  	[tilespmem:s7], [sflag:$0x4] =	stream.indirect.gather [hbm4b:s1+s29], $0x80, s6, s29, $0xb8;
	[tilespmem:$0x1E400] =	vst v63  }
0x1b0: {  	_ =	swait.ge [sflag:s8], $0x2000  }
0x1b1: {  	[sflag:s8] =	ssyncset.done $0x0  }
0x1b2: {  	s22 =	simm.s32 $0x1400;
	[sflag:s8] =	ssyncadd.s32 $0xFFFFE000  }
0x1b3: {  	[spmem:s3] =	stream.indirect.scatter.add.f32 [tilespmem:s25], [sflag:$0x5], $0x80, s22, s29, $0xb8;
	[tilespmem:$0x1E400] =	vst v63  }
0x1b4: {  	_ =	swait.ge [sflag:s9], $0x2000  }
0x1b5: {  	[sflag:s9] =	ssyncset.done $0x0  }
0x1b6: {  	s21 =	simm.s32 $0x200;
	[sflag:s9] =	ssyncadd.s32 $0xFFFFE000  }
0x1b7: {  	[tilespmem:s25], [sflag:$0x1] =	stream.indirect.gather [hbm4b:s1+s29], $0x80, s21, s29, $0xb8;
	[tilespmem:$0x1E400] =	vst v63  }
0x1b8: {  	_ =	swait.ge [sflag:s10], $0x2000  }
0x1b9: {  	[sflag:s10] =	ssyncset.done $0x0  }
0x1ba: {  	s22 =	simm.s32 $0x1480;
	[sflag:s10] =	ssyncadd.s32 $0xFFFFE000  }
0x1bb: {  	[spmem:s3] =	stream.indirect.scatter.add.f32 [tilespmem:s31], [sflag:$0x6], $0x80, s22, s29, $0xb8;
	[tilespmem:$0x1E400] =	vst v63  }
0x1bc: {  	_ =	swait.ge [sflag:s11], $0x2000  }
0x1bd: {  	[sflag:s11] =	ssyncset.done $0x0  }
0x1be: {  	s21 =	simm.s32 $0x280;
	[sflag:s11] =	ssyncadd.s32 $0xFFFFE000  }
0x1bf: {  	[tilespmem:s31], [sflag:$0x2] =	stream.indirect.gather [hbm4b:s1+s29], $0x80, s21, s29, $0xb8;
	[tilespmem:$0x1E400] =	vst v63  }
0x1c0: {  	_ =	swait.ge [sflag:s12], $0x2000  }
0x1c1: {  	[sflag:s12] =	ssyncset.done $0x0  }
0x1c2: {  	s22 =	simm.s32 $0x1500;
	[sflag:s12] =	ssyncadd.s32 $0xFFFFE000  }
0x1c3: {  	[spmem:s3] =	stream.indirect.scatter.add.f32 [tilespmem:s0], [sflag:$0x7], $0x80, s22, s29, $0xb8;
	[tilespmem:$0x1E400] =	vst v63  }
0x1c4: {  	_ =	swait.ge [sflag:s13], $0x2000  }
0x1c5: {  	[sflag:s13] =	ssyncset.done $0x0  }
0x1c6: {  	s21 =	simm.s32 $0x300;
	[sflag:s13] =	ssyncadd.s32 $0xFFFFE000  }
0x1c7: {  	[tilespmem:s0], [sflag:$0x3] =	stream.indirect.gather [hbm4b:s1+s29], $0x80, s21, s29, $0xb8;
	[tilespmem:$0x1E400] =	vst v63  }
0x1c8: {  	_ =	swait.ge [sflag:s14], $0x2000  }
0x1c9: {  	[sflag:s14] =	ssyncset.done $0x0  }
0x1ca: {  	s22 =	simm.s32 $0x1580;
	[sflag:s14] =	ssyncadd.s32 $0xFFFFE000  }
0x1cb: {  	[spmem:s3] =	stream.indirect.scatter.add.f32 [tilespmem:s7], [sflag:$0x8], $0x80, s22, s29, $0xb8;
	[tilespmem:$0x1E400] =	vst v63  }
0x1cc: {  	_ =	swait.ge [sflag:s15], $0x2000  }
0x1cd: {  	[sflag:s15] =	ssyncset.done $0x0  }
0x1ce: {  	s20 =	simm.s32 $0x800;
	s21 =	simm.s32 $0x380;
	[sflag:s15] =	ssyncadd.s32 $0xFFFFE000  }
.LBB2_10:
0x1cf: {  	[tilespmem:s7], [sflag:$0x4] =	stream.indirect.gather [hbm4b:s1+s29], $0x80, s21, s29, $0xb8;
	[tilespmem:$0x1E400] =	vst v63  }
0x1d0: {  	s21 =	smov.u32 s20  }
0x1d1: {  	p0 =	sne.s32 s20, $0x4000;
	s20 =	sadd.s32 $0x800, s20;
	_ =	swait.ge [sflag:s8], $0x2000  }
0x1d2: {  	s21 =	sshra.s32 s21, $0x2;
	[sflag:s8] =	ssyncset.done $0x0  }
0x1d3: {  	s22 =	sadd.s32 $0x1400, s21;
	[sflag:s8] =	ssyncadd.s32 $0xFFFFE000  }
0x1d4: {  	[spmem:s3] =	stream.indirect.scatter.add.f32 [tilespmem:s25], [sflag:$0x5], $0x80, s22, s29, $0xb8;
	[tilespmem:$0x1E400] =	vst v63  }
0x1d5: {  	_ =	swait.ge [sflag:s9], $0x2000  }
0x1d6: {  	[sflag:s9] =	ssyncset.done $0x0  }
0x1d7: {  	s22 =	sadd.s32 $0x200, s21;
	[sflag:s9] =	ssyncadd.s32 $0xFFFFE000  }
0x1d8: {  	[tilespmem:s25], [sflag:$0x1] =	stream.indirect.gather [hbm4b:s1+s29], $0x80, s22, s29, $0xb8;
	[tilespmem:$0x1E400] =	vst v63  }
0x1d9: {  	_ =	swait.ge [sflag:s10], $0x2000  }
0x1da: {  	[sflag:s10] =	ssyncset.done $0x0  }
0x1db: {  	s22 =	sadd.s32 $0x1480, s21;
	[sflag:s10] =	ssyncadd.s32 $0xFFFFE000  }
0x1dc: {  	[spmem:s3] =	stream.indirect.scatter.add.f32 [tilespmem:s31], [sflag:$0x6], $0x80, s22, s29, $0xb8;
	[tilespmem:$0x1E400] =	vst v63  }
0x1dd: {  	_ =	swait.ge [sflag:s11], $0x2000  }
0x1de: {  	[sflag:s11] =	ssyncset.done $0x0  }
0x1df: {  	s22 =	sadd.s32 $0x280, s21;
	[sflag:s11] =	ssyncadd.s32 $0xFFFFE000  }
0x1e0: {  	[tilespmem:s31], [sflag:$0x2] =	stream.indirect.gather [hbm4b:s1+s29], $0x80, s22, s29, $0xb8;
	[tilespmem:$0x1E400] =	vst v63  }
0x1e1: {  	_ =	swait.ge [sflag:s12], $0x2000  }
0x1e2: {  	[sflag:s12] =	ssyncset.done $0x0  }
0x1e3: {  	s22 =	sadd.s32 $0x1500, s21;
	[sflag:s12] =	ssyncadd.s32 $0xFFFFE000  }
0x1e4: {  	[spmem:s3] =	stream.indirect.scatter.add.f32 [tilespmem:s0], [sflag:$0x7], $0x80, s22, s29, $0xb8;
	[tilespmem:$0x1E400] =	vst v63  }
0x1e5: {  	_ =	swait.ge [sflag:s13], $0x2000  }
0x1e6: {  	[sflag:s13] =	ssyncset.done $0x0  }
0x1e7: {  	s22 =	sadd.s32 $0x300, s21;
	[sflag:s13] =	ssyncadd.s32 $0xFFFFE000  }
0x1e8: {  	[tilespmem:s0], [sflag:$0x3] =	stream.indirect.gather [hbm4b:s1+s29], $0x80, s22, s29, $0xb8;
	[tilespmem:$0x1E400] =	vst v63  }
0x1e9: {  	_ =	swait.ge [sflag:s14], $0x2000  }
0x1ea: {  	[sflag:s14] =	ssyncset.done $0x0  }
.Ltmp4:
0x1eb: {  	s22 =	sadd.s32 $0x1580, s21;
	[sflag:s14] =	ssyncadd.s32 $0xFFFFE000;
	(pc) =	sbr.rel @p0 .LBB2_10-.Ltmp4, $4  }
0x1ec: {  	[spmem:s3] =	stream.indirect.scatter.add.f32 [tilespmem:s7], [sflag:$0x8], $0x80, s22, s29, $0xb8;
	[tilespmem:$0x1E400] =	vst v63  }
0x1ed: {  	_ =	swait.ge [sflag:s15], $0x2000  }
0x1ee: {  	[sflag:s15] =	ssyncset.done $0x0  }
0x1ef: {  	s21 =	sadd.s32 $0x380, s21;
	[sflag:s15] =	ssyncadd.s32 $0xFFFFE000  }
0x1f0: {  	[tilespmem:s7], [sflag:$0x4] =	stream.indirect.gather [hbm4b:s1+s29], $0x80, s21, s29, $0xb8;
	[tilespmem:$0x1E400] =	vst v63  }
0x1f1: {  	_ =	swait.ge [sflag:s8], $0x2000  }
0x1f2: {  	[sflag:s8] =	ssyncset.done $0x0  }
0x1f3: {  	[sflag:s8] =	ssyncadd.s32 $0xFFFFE000  }
0x1f4: {  	[spmem:s3] =	stream.indirect.scatter.add.f32 [tilespmem:s25], [sflag:$0x5], $0x80, s16, s29, $0xb8;
	[tilespmem:$0x1E400] =	vst v63  }
0x1f5: {  	_ =	swait.ge [sflag:s10], $0x2000  }
0x1f6: {  	[sflag:s10] =	ssyncset.done $0x0  }
0x1f7: {  	[sflag:s10] =	ssyncadd.s32 $0xFFFFE000  }
0x1f8: {  	[spmem:s3] =	stream.indirect.scatter.add.f32 [tilespmem:s31], [sflag:$0x6], $0x80, s17, s29, $0xb8;
	[tilespmem:$0x1E400] =	vst v63  }
0x1f9: {  	_ =	swait.ge [sflag:s12], $0x2000  }
0x1fa: {  	[sflag:s12] =	ssyncset.done $0x0  }
0x1fb: {  	[sflag:s12] =	ssyncadd.s32 $0xFFFFE000  }
0x1fc: {  	[spmem:s3] =	stream.indirect.scatter.add.f32 [tilespmem:s0], [sflag:$0x7], $0x80, s18, s29, $0xb8;
	[tilespmem:$0x1E400] =	vst v63  }
0x1fd: {  	_ =	swait.ge [sflag:s14], $0x2000  }
0x1fe: {  	[sflag:s14] =	ssyncset.done $0x0  }
0x1ff: {  	[sflag:s14] =	ssyncadd.s32 $0xFFFFE000  }
0x200: {  	[spmem:s3] =	stream.indirect.scatter.add.f32 [tilespmem:s7], [sflag:$0x8], $0x80, s19, s29, $0xb8;
	[tilespmem:$0x1E400] =	vst v63  }
0x201: {  	_ =	swait.ge [sflag:s9], $0x2000  }
0x202: {  	[sflag:s9] =	ssyncset.done $0x0  }
0x203: {  	[sflag:s9] =	ssyncadd.s32 $0xFFFFE000  }
0x204: {  	_ =	swait.ge [sflag:s11], $0x2000  }
0x205: {  	[sflag:s11] =	ssyncset.done $0x0  }
0x206: {  	[sflag:s11] =	ssyncadd.s32 $0xFFFFE000  }
0x207: {  	_ =	swait.ge [sflag:s13], $0x2000  }
0x208: {  	[sflag:s13] =	ssyncset.done $0x0  }
0x209: {  	[sflag:s13] =	ssyncadd.s32 $0xFFFFE000  }
0x20a: {  	s20 =	stileid.u32;
	_ =	swait.ge [sflag:s15], $0x2000  }
0x20b: {  	s22 =	sshrl.u32 s5, $0x3;
	s4 =	sadd.s32 $0x1, s4;
	[sflag:s15] =	ssyncset.done $0x0  }
0x20c: {  	s20 =	sshll.u32 s20, $0x6;
	p0 =	sne.s32 s4, s24;
	[sflag:s15] =	ssyncadd.s32 $0xFFFFE000  }
.Ltmp5:
0x20d: {  	s20 =	sor.u32 $0x1C09, s20;
	[bflag:$0x0] =	sbarrier.arrive $0xFFFF;
	(pc) =	sbr.rel @p0 .LBB2_1-.Ltmp5, $4  }
0x20e: {  	[hbm:s23], [sflag:s20] =	dma.local [spmem:s22], $0x2780  }
0x20f: {  	_ =	swait.ge [sflag:s26], $0x2780  }
0x210: {  	[sflag:s26] =	ssyncset.done $0x0  }
0x211: {  	[sflag:s26] =	ssyncadd.s32 $0xFFFFD880  }
0x212: {  	_ =	sfence.sel $0x180000  }
0x213: {  	[bflag:$0x0] =	sbarrier.arrive $0xFFFF  }
0x214: {  	_ =	strace $0x90000047  }
0x215: {  	s0 =	stileid.u32;
	[bflag:$0x2] =	sbarrier.arrive $0xFFFF  }
0x216: {  	p0 =	sne.s32 s0, $0x0;
	s0 =	rddreg [dreg:$0x3]  }
0x217: {  	s0 =	sadd.s32 @!p0 $0x100000, s0  }
0x218: {  	[sflag:s0] =	ssyncadd.tile.s32 @!p0 $0x1;
	_ =	shalt  }
.Lfunc_end2:
_tile_overlayer_lowered:
.L_overlay_start_2:
0x219: {  	(tag) =	ssettag $0x2  }
0x21a: {  	s0 =	rddreg [dreg:$0x0];
	s2 =	stileid.u32  }
0x21b: {  	s1 =	rddreg [dreg:$0x1];
	p0 =	sne.s32 s2, $0x0  }
0x21c: {  	s3 =	rddreg [dreg:$0x2];
	[bflag:$0x3] =	sbarrier.arrive $0xFFFF;
	s2 =	simm.s32 @!p0 $0x1C09  }
0x21d: {  	[timem:s3], [sflag:s2] =	dma.local @!p0 [hbm:s0], s1  }
0x21e: {  	s0 =	simm.s32 @!p0 $0x9  }
0x21f: {  	_ =	swait.ge @!p0 [sflag:s0], s1  }
0x220: {  	s1 =	ssub.s32 @!p0 $0x0, s1;
	[sflag:s0] =	ssyncset.done @!p0 $0x0  }
0x221: {  	[sflag:s0] =	ssyncadd.s32 @!p0 s1  }
0x222: {  	[bflag:$0x3] =	sbarrier.arrive $0xFFFF  }
0x223: {  	_ =	shalt  }

</sc_bundles>
